<compile_context>
chip_gen: v7x
topology: tpu7x:2x2x1
jax: 0.10.2.dev20260603
libtpu: 0.0.44.dev20260713+nightly
codegen_flags: <defaults>
</compile_context>

<pallas_src>
import functools

import jax
import jax.numpy as jnp
import numpy as np
from jax import lax
from jax.experimental import pallas as pl
from jax.experimental.pallas import tpu as pltpu
from jax.experimental.pallas import tpu_sc as plsc

NC = 2
NS = 16
LANES = 16
CHUNK = 128
ROWS_PER_TILE = 640
NBUF = 5
AHEAD = 4

_F32 = jnp.float32
_I32 = jnp.int32


def _zero_rows(zb, d):
    z = jnp.zeros((LANES,), _F32)

    def body(i, _):
        for k in range(d // LANES):
            zb[i, pl.ds(k * LANES, LANES)] = z
        return 0

    lax.fori_loop(0, 128, body, 0)


def _make_sc_deg(n_pad, n_chunk_rows):
    seg = n_pad // NS

    @functools.partial(
        pl.kernel,
        mesh=plsc.VectorSubcoreMesh(core_axis_name="c", subcore_axis_name="s"),
        out_type=jax.ShapeDtypeStruct((n_pad,), _F32),
        compiler_params=pltpu.CompilerParams(use_tc_tiling_on_sc=False),
        scratch_types=[
            pltpu.VMEM((n_chunk_rows, CHUNK), _I32),
            pltpu.VMEM((n_chunk_rows, CHUNK), _F32),
            pltpu.VMEM((seg,), _F32),
            pltpu.VMEM_SHARED((n_pad,), _F32),
        ],
    )
    def deg_kernel(dst2d, ew2d, dis_out, dst_all, ew_all, buf, acc):
        c = lax.axis_index("c")
        s = lax.axis_index("s")

        @pl.when(c == 0)
        def _():
            z = jnp.zeros((LANES,), _F32)

            def zb(i, _):
                buf[pl.ds(i * LANES, LANES)] = z
                return 0

            lax.fori_loop(0, seg // LANES, zb, 0)
            pltpu.sync_copy(buf, acc.at[pl.ds(s * seg, seg)])
            plsc.subcore_barrier()

            pltpu.sync_copy(dst2d.at[pl.ds(s * n_chunk_rows, n_chunk_rows)], dst_all)
            pltpu.sync_copy(ew2d.at[pl.ds(s * n_chunk_rows, n_chunk_rows)], ew_all)

            def chunk(g, _):
                pltpu.sync_copy(ew_all.at[g], acc.at[dst_all.at[g]], add=True)
                return 0

            lax.fori_loop(0, n_chunk_rows, chunk, 0)
            plsc.subcore_barrier()

            pltpu.sync_copy(acc.at[pl.ds(s * seg, seg)], buf)

            def newton(i, _):
                sl = pl.ds(i * LANES, LANES)
                d = buf[sl] + 1.0
                pos = d > 0.0
                bits = lax.bitcast_convert_type(d, _I32)
                y = lax.bitcast_convert_type(
                    jnp.int32(0x5F3759DF) - lax.shift_right_arithmetic(bits, 1), _F32
                )
                half = d * 0.5
                for _it in range(4):
                    y = y * (1.5 - half * y * y)
                buf[sl] = jnp.where(pos, y, 0.0)
                return 0

            lax.fori_loop(0, seg // LANES, newton, 0)
            pltpu.sync_copy(buf, dis_out.at[pl.ds(s * seg, seg)])

    return deg_kernel


def _make_sc_agg(n_pad, d, n_chunk_rows, bf16_in=False, col_split=False):
    seg = n_pad // NS
    in_dt = jnp.bfloat16 if bf16_in else _F32
    hs_rows = (NC * n_pad) if col_split else n_pad

    @functools.partial(
        pl.kernel,
        mesh=plsc.VectorSubcoreMesh(core_axis_name="c", subcore_axis_name="s"),
        out_type=pltpu.HBM((NC, n_pad, d), _F32),
        compiler_params=pltpu.CompilerParams(
            use_tc_tiling_on_sc=False, needs_layout_passes=False
        ),
        scratch_types=[
            pltpu.VMEM((n_chunk_rows, CHUNK), _I32),
            pltpu.VMEM((n_chunk_rows, CHUNK), _I32),
            pltpu.VMEM((n_chunk_rows, CHUNK), _F32),
            [pltpu.VMEM((CHUNK, d), in_dt) for _ in range(NBUF)],
            [pltpu.VMEM((CHUNK, d), _F32) for _ in range(NBUF if bf16_in else 0)],
            pltpu.VMEM((128, d), _F32),
            pltpu.VMEM_SHARED((n_pad, d), _F32),
            [pltpu.SemaphoreType.DMA for _ in range(NBUF)],
        ],
    )
    def agg_kernel(src2d, dst2d, ew2d, hs, out, src_all, dst_all, ew_all,
                   bufs, sbufs, zb, acc, sems):
        if not bf16_in:
            sbufs = bufs
        c = lax.axis_index("c")
        s = lax.axis_index("s")
        wid = s if col_split else c * NS + s

        _zero_rows(zb, d)
        for i in range(seg // 128):
            pltpu.sync_copy(zb, acc.at[pl.ds(s * seg + i * 128, 128)])
        plsc.subcore_barrier()

        pltpu.sync_copy(src2d.at[pl.ds(wid * n_chunk_rows, n_chunk_rows)], src_all)
        pltpu.sync_copy(dst2d.at[pl.ds(wid * n_chunk_rows, n_chunk_rows)], dst_all)
        pltpu.sync_copy(ew2d.at[pl.ds(wid * n_chunk_rows, n_chunk_rows)], ew_all)

        if col_split:
            off_v = jnp.full((LANES,), c * n_pad, _I32)

            def add_off(r, _):
                for kk in range(CHUNK // LANES):
                    sl = pl.ds(kk * LANES, LANES)
                    src_all[r, sl] = src_all[r, sl] + off_v
                return 0

            lax.fori_loop(0, n_chunk_rows, add_off, 0)

        n_rows = n_chunk_rows

        def gather(g, buf, sem):
            pltpu.async_copy(hs.at[src_all.at[g]], buf, sem)

        def gather_wait(g, buf, sem):
            pltpu.make_async_copy(hs.at[src_all.at[g]], buf, sem).wait()

        def scatter(g, sbuf, sem):
            pltpu.async_copy(sbuf, acc.at[dst_all.at[g]], sem, add=True)

        def scatter_wait(g, sbuf, sem):
            pltpu.make_async_copy(sbuf, acc.at[dst_all.at[g]], sem).wait()

        def scale(g, buf, sbuf):
            gv = jnp.full((LANES,), g, _I32)

            def one_row(j):
                cv = plsc.load_gather(ew_all, [gv, jnp.full((LANES,), j, _I32)])
                if bf16_in:
                    for k in range(d // (2 * LANES)):
                        v = buf[j, pl.ds(k * 2 * LANES, 2 * LANES)]
                        a, b = plsc.unpack(v, format=plsc.PackFormat.INTERLEAVED)
                        sbuf[j, pl.ds(k * 2 * LANES, LANES)] = a * cv
                        sbuf[j, pl.ds(k * 2 * LANES + LANES, LANES)] = b * cv
                else:
                    for k in range(d // LANES):
                        sl = pl.ds(k * LANES, LANES)
                        sbuf[j, sl] = buf[j, sl] * cv

            def body(jq, _):
                for r in range(4):
                    one_row(jq * 4 + r)
                return 0

            lax.fori_loop(0, CHUNK // 4, body, 0)

        for j in range(AHEAD):
            gather(j, bufs[j], sems[j])

        def rotation(gq, _):
            for j in range(NBUF):
                g = gq * NBUF + j
                buf, sbuf, sem = bufs[j], sbufs[j], sems[j]
                jn = (j + AHEAD) % NBUF
                gather_wait(g, buf, sem)
                scale(g, buf, sbuf)
                scatter(g, sbuf, sem)

                @pl.when(
                    jnp.logical_and(g + AHEAD < n_rows, g + AHEAD >= NBUF)
                )
                def _():
                    scatter_wait(g + AHEAD - NBUF, sbufs[jn], sems[jn])

                @pl.when(g + AHEAD < n_rows)
                def _():
                    gather(g + AHEAD, bufs[jn], sems[jn])
            return 0

        lax.fori_loop(0, n_rows // NBUF, rotation, 0)
        for j in range(NBUF):
            scatter_wait(n_rows - NBUF + j, sbufs[j], sems[j])
        plsc.subcore_barrier()

        for i in range(seg // 128):
            r0 = s * seg + i * 128
            pltpu.sync_copy(acc.at[pl.ds(r0, 128)], out.at[c, pl.ds(r0, 128)])

    return agg_kernel



def _make_sc_agg2(n_pad, n_chunk_rows):
    m = 2 * n_pad
    seg = m // NS

    @functools.partial(
        pl.kernel,
        mesh=plsc.VectorSubcoreMesh(core_axis_name="c", subcore_axis_name="s"),
        out_type=pltpu.HBM((NC, m), _F32),
        compiler_params=pltpu.CompilerParams(
            use_tc_tiling_on_sc=False, needs_layout_passes=False
        ),
        scratch_types=[
            pltpu.VMEM((n_chunk_rows, CHUNK), _I32),
            pltpu.VMEM((n_chunk_rows, CHUNK), _I32),
            pltpu.VMEM((n_chunk_rows, CHUNK), _F32),
            pltpu.VMEM((m,), _F32),
            pltpu.VMEM((seg,), _F32),
            [pltpu.VMEM((CHUNK,), _I32) for _ in range(2)],
            [pltpu.VMEM((CHUNK,), _F32) for _ in range(2)],
            pltpu.VMEM_SHARED((m,), _F32),
        ],
    )
    def agg2_kernel(src2d, dst2d, ew2d, hs2, out, src_all, dst_all, ew_all,
                    hsb, zb, ibufs, mbufs, acc):
        c = lax.axis_index("c")
        s = lax.axis_index("s")
        wid = c * NS + s

        z = jnp.zeros((LANES,), _F32)

        def zero(i, _):
            zb[pl.ds(i * LANES, LANES)] = z
            return 0

        lax.fori_loop(0, seg // LANES, zero, 0)
        pltpu.sync_copy(zb, acc.at[pl.ds(s * seg, seg)])

        pltpu.sync_copy(hs2, hsb)
        pltpu.sync_copy(src2d.at[pl.ds(wid * n_chunk_rows, n_chunk_rows)], src_all)
        pltpu.sync_copy(dst2d.at[pl.ds(wid * n_chunk_rows, n_chunk_rows)], dst_all)
        pltpu.sync_copy(ew2d.at[pl.ds(wid * n_chunk_rows, n_chunk_rows)], ew_all)
        plsc.subcore_barrier()

        def chunk(g, _):
            for blk in range(CHUNK // LANES):
                sl = pl.ds(blk * LANES, LANES)
                sv = src_all[g, sl] * 2
                dv = dst_all[g, sl] * 2
                wv = ew_all[g, sl]
                ibufs[0][sl] = dv
                ibufs[1][sl] = dv + 1
                mbufs[0][sl] = plsc.load_gather(hsb, [sv]) * wv
                mbufs[1][sl] = plsc.load_gather(hsb, [sv + 1]) * wv
            pltpu.sync_copy(mbufs[0], acc.at[ibufs[0]], add=True)
            pltpu.sync_copy(mbufs[1], acc.at[ibufs[1]], add=True)
            return 0

        lax.fori_loop(0, n_chunk_rows, chunk, 0)
        plsc.subcore_barrier()
        pltpu.sync_copy(acc.at[pl.ds(s * seg, seg)], zb)
        pltpu.sync_copy(zb, out.at[c, pl.ds(s * seg, seg)])

    return agg2_kernel


def _tc_scale(x, w, wp_l, wp_r, dis_col, n_pad):
    n = x.shape[0]
    h = w.shape[1]
    hh = h // 2

    def body(x_ref, w_ref, wl_ref, wr_ref, d_ref, obf_ref, o_ref):
        hm = jnp.dot(x_ref[...], w_ref[...], preferred_element_type=_F32)
        hml = jnp.dot(x_ref[...], wl_ref[...], preferred_element_type=_F32)
        hmr = jnp.dot(x_ref[...], wr_ref[...], preferred_element_type=_F32)
        o_ref[...] = hm * d_ref[...]
        zpad = jnp.zeros((n_pad - n, hh), jnp.bfloat16)
        obf_ref[0, pl.ds(0, n), :] = (hml * d_ref[...]).astype(jnp.bfloat16)
        obf_ref[0, pl.ds(n, n_pad - n), :] = zpad
        obf_ref[1, pl.ds(0, n), :] = (hmr * d_ref[...]).astype(jnp.bfloat16)
        obf_ref[1, pl.ds(n, n_pad - n), :] = zpad

    return pl.pallas_call(
        body,
        out_shape=[
            jax.ShapeDtypeStruct((NC, n_pad, hh), jnp.bfloat16),
            jax.ShapeDtypeStruct((n, h), _F32),
        ],
    )(x, w, wp_l, wp_r, dis_col)


def _tc_mid(agg, hs1, dis_col, b1, w2p, n_pad):
    n, _h = hs1.shape
    d2 = w2p.shape[1]

    def body(p_ref, hs_ref, d_ref, b_ref, w_ref, o_ref):
        t = (p_ref[...] + hs_ref[...]) * d_ref[...] + b_ref[...]
        r = jnp.maximum(t, 0.0)
        o_ref[pl.ds(0, n), :] = (
            jnp.dot(r, w_ref[...], preferred_element_type=_F32) * d_ref[...]
        )
        o_ref[pl.ds(n, n_pad - n), :] = jnp.zeros((n_pad - n, d2), _F32)

    return pl.pallas_call(
        body, out_shape=jax.ShapeDtypeStruct((n_pad, d2), _F32)
    )(agg, hs1, dis_col, b1, w2p)


def _tc_final(q0, q1, hs2p, dis_col, b2):
    n = hs2p.shape[0]
    c_out = b2.shape[0]

    def body(q0_ref, q1_ref, hs_ref, d_ref, b_ref, o_ref):
        t = (q0_ref[...] + q1_ref[...] + hs_ref[...]) * d_ref[...]
        o_ref[...] = t + b_ref[...]

    return pl.pallas_call(
        body, out_shape=jax.ShapeDtypeStruct((n, c_out), _F32)
    )(q0, q1, hs2p, dis_col, b2)


def kernel(x, edge_index, edge_attr, W1, b1, W2, b2):
    n, _dim = x.shape
    e = edge_attr.shape[0]
    n_pad = -(-n // (NS * ROWS_PER_TILE)) * (NS * ROWS_PER_TILE)

    align = NC * NS * CHUNK * 8
    e_pad = -(-e // align) * align
    pad = e_pad - e
    src = jnp.pad(edge_index[0], (0, pad)).reshape(-1, CHUNK)
    dst = jnp.pad(edge_index[1], (0, pad)).reshape(-1, CHUNK)
    ew = jnp.pad(edge_attr, (0, pad)).reshape(-1, CHUNK)

    deg_rows = e_pad // (NS * CHUNK)
    agg_rows = e_pad // (NC * NS * CHUNK)

    dis_pad = _make_sc_deg(n_pad, deg_rows)(dst, ew)
    dis_col = dis_pad[:n].reshape(n, 1)

    h1 = W1.shape[1]
    pi = np.empty((h1,), np.int32)
    for k in range(h1 // 32):
        for pp in range(16):
            pi[32 * k + pp] = 32 * k + 2 * pp
            pi[32 * k + 16 + pp] = 32 * k + 2 * pp + 1
    pinv = np.empty((h1,), np.int32)
    pinv[pi] = np.arange(h1, dtype=np.int32)
    w1perm = W1[:, pinv]

    hs1_bf, hs1 = _tc_scale(
        x, W1, w1perm[:, : h1 // 2], w1perm[:, h1 // 2 :], dis_col, n_pad
    )
    split_rows = e_pad // (NS * CHUNK)
    p = _make_sc_agg(n_pad, h1 // 2, split_rows, bf16_in=True, col_split=True)(
        src, dst, ew, hs1_bf.reshape(NC * n_pad, h1 // 2)
    )
    agg1 = jnp.concatenate([p[0, :n], p[1, :n]], axis=1)

    hs2p = _tc_mid(agg1, hs1, dis_col, b1, W2, n_pad)

    q = _make_sc_agg2(n_pad, deg_rows // NC)(
        src, dst, ew, hs2p.reshape(NC * n_pad * W2.shape[1] // 2)
    )
    q3 = q.reshape(NC, n_pad, W2.shape[1])
    return _tc_final(q3[0, :n], q3[1, :n], hs2p[:n], dis_col, b2)

# --- scband reference (transcript-rebuilt; emitter-appended) ---
"""Pipeline reference for scband-gcnnet-12360915878370 (READ-ONLY COPY).

The authoritative reference and input builder live on the scoring server;
editing this copy changes nothing except your own understanding.
"""

import jax, jax.numpy as jnp
import numpy as np

N = 10000
E = 320000
D = 128
H = 64
C = 2


def setup_inputs(seed: int = 0) -> dict:
    key = jax.random.key(seed)
    k1, k2, k3, k4, k5 = jax.random.split(key, 5)
    x = jax.random.normal(k1, (N, D), dtype=jnp.float32)
    edge_index = jax.random.randint(k2, (2, E), 0, N, dtype=jnp.int32)
    edge_attr = jax.random.uniform(k3, (E,), dtype=jnp.float32)
    W1 = jax.random.normal(k4, (D, H), dtype=jnp.float32) * 0.05
    b1 = jnp.zeros((H,), dtype=jnp.float32)
    W2 = jax.random.normal(k5, (H, C), dtype=jnp.float32) * 0.05
    b2 = jnp.zeros((C,), dtype=jnp.float32)
    return {"x": x, "edge_index": edge_index, "edge_attr": edge_attr,
            "W1": W1, "b1": b1, "W2": W2, "b2": b2}


def _gcn_layer(x, edge_index, edge_weight, W, b):
    # Faithful PyG GCNConv: linear transform, add self-loops (weight=1),
    # symmetric normalization deg^-1/2 * w * deg^-1/2, scatter-add to dst, bias.
    src = edge_index[0]
    dst = edge_index[1]
    loop = jnp.arange(N, dtype=edge_index.dtype)
    src2 = jnp.concatenate([src, loop])
    dst2 = jnp.concatenate([dst, loop])
    ew2 = jnp.concatenate([edge_weight, jnp.ones((N,), dtype=edge_weight.dtype)])
    deg = jnp.zeros((N,), dtype=edge_weight.dtype).at[dst2].add(ew2)
    dis = jnp.where(deg > 0, jax.lax.rsqrt(deg), 0.0)
    norm = dis[src2] * ew2 * dis[dst2]
    h = x @ W
    msg = h[src2] * norm[:, None]
    out = jnp.zeros((N, W.shape[1]), dtype=x.dtype).at[dst2].add(msg)
    return out + b


def reference(x, edge_index, edge_attr, W1, b1, W2, b2):
    h = _gcn_layer(x, edge_index, edge_attr, W1, b1)
    h = jax.nn.relu(h)
    # dropout is identity in eval mode
    out = _gcn_layer(h, edge_index, edge_attr, W2, b2)
    return out

if __name__ == "__main__":
    import jax
    _d = setup_inputs()
    print(jax.jit(kernel)(*tuple(_d.values())))

</pallas_src>

<mosaic_0001>
#map = affine_map<(d0, d1) -> (0, 0)>
#map1 = affine_map<(d0, d1) -> (0)>
module attributes {stable_mosaic.version = 14 : i64} {
  func.func @deg_kernel(%arg0: i32, %arg1: i32, %arg2: memref<2560x128xi32, #tpu.memory_space<hbm>>, %arg3: memref<2560x128xf32, #tpu.memory_space<hbm>>, %arg4: memref<10240xf32, #tpu.memory_space<hbm>>, %arg5: memref<160x128xi32, #tpu.memory_space<vmem>>, %arg6: memref<160x128xf32, #tpu.memory_space<vmem>>, %arg7: memref<640xf32, #tpu.memory_space<vmem>>, %arg8: memref<10240xf32, #tpu.memory_space<vmem_shared>>) attributes {dimension_semantics = [#tpu.dimension_semantics<core_parallel>, #tpu.dimension_semantics<subcore_parallel>], iteration_bounds = array<i64: 2, 16>, scalar_prefetch = 0 : i64, scratch_operands = 4 : i64, tpu.core_type = #tpu.core_type<sc_vector_subcore>, window_params = [{transform_indices = #map}, {transform_indices = #map}, {transform_indices = #map1}]} {
    %eq3A = arith.constant 0 : i32
    %eq3A_0 = arith.cmpi eq, %arg0, %eq3A : i32
    %convert_element_type3A = arith.extui %eq3A_0 : i1 to i32
    %cond3A = arith.constant 0 : i32
    %cond3A_1 = arith.cmpi ne, %convert_element_type3A, %cond3A : i32
    scf.if %cond3A_1 {
      %broadcast_in_dim3A = arith.constant 0.000000e+00 : f32
      %broadcast_in_dim3A_2 = vector.broadcast %broadcast_in_dim3A : f32 to vector<16xf32>
      %scan3A = arith.constant 0 : i32
      %scan3A_3 = arith.constant 0 : i32
      %scan3A_4 = arith.constant 40 : i32
      %scan3A_5 = arith.addi %scan3A_3, %scan3A_4 : i32
      %scan3A_6 = arith.constant 1 : i32
      %scan3A_7 = scf.for %scan3A_33 = %scan3A_3 to %scan3A_5 step %scan3A_6 iter_args(%scan3A_34 = %scan3A) -> (i32)  : i32 {
        %mul3A_35 = arith.constant 16 : i32
        %mul3A_36 = arith.muli %scan3A_33, %mul3A_35 : i32
        %swap3A = arith.index_cast %mul3A_36 : i32 to index
        %swap3A_37 = tpu.vector_load %arg7[%swap3A] {strides = array<i32>} : memref<640xf32, #tpu.memory_space<vmem>>, vector<16xf32>,
        %swap3A_38 = vector.shape_cast %swap3A_37 : vector<16xf32> to vector<16xf32>
        %swap3A_39 = vector.shape_cast %broadcast_in_dim3A_2 : vector<16xf32> to vector<16xf32>
        tpu.vector_store %arg7[%swap3A], %swap3A_39 {strides = array<i32>} : memref<640xf32, #tpu.memory_space<vmem>>, vector<16xf32>,
        %scan3A_40 = arith.constant 0 : i32
        scf.yield %scan3A_40 : i32
      }
      %scan3A_8 = arith.constant 40 : i32
      %mul3A = arith.constant 640 : i32
      %mul3A_9 = arith.muli %arg1, %mul3A : i32
      "tpu.region"() ({
        %run_scoped3A = tpu.sem_alloc : memref<!tpu.dma_semaphore, #tpu.memory_space<semaphore_mem>>
        %dma_start3A = tpu.memref_slice %arg8[%mul3A_9] : memref<10240xf32, #tpu.memory_space<vmem_shared>> -> memref<640xf32, #tpu.memory_space<vmem_shared>>
        %dma_start3A_33 = tpu.memref_slice %arg8[%mul3A_9] : memref<10240xf32, #tpu.memory_space<vmem_shared>> -> memref<640xf32, #tpu.memory_space<vmem_shared>>
        tpu.enqueue_dma source(%arg7 : memref<640xf32, #tpu.memory_space<vmem>>) target(%dma_start3A_33 : memref<640xf32, #tpu.memory_space<vmem_shared>>) target_semaphore(%run_scoped3A : memref<!tpu.dma_semaphore, #tpu.memory_space<semaphore_mem>>)
        %dma_wait3A = tpu.memref_slice %arg8[%mul3A_9] : memref<10240xf32, #tpu.memory_space<vmem_shared>> -> memref<640xf32, #tpu.memory_space<vmem_shared>>
        %dma_wait3A_34 = tpu.memref_slice %arg8[%mul3A_9] : memref<10240xf32, #tpu.memory_space<vmem_shared>> -> memref<640xf32, #tpu.memory_space<vmem_shared>>
        tpu.wait_dma2 semaphore(%run_scoped3A : memref<!tpu.dma_semaphore, #tpu.memory_space<semaphore_mem>>) src(%arg7 : memref<640xf32, #tpu.memory_space<vmem>>) dst(%dma_wait3A_34 : memref<640xf32, #tpu.memory_space<vmem_shared>>)
        tpu.yield
      }) : () -> ()
      %barrier3A = arith.constant 0 : index
      tpu.barrier barrier_id(%barrier3A)
      %mul3A_10 = arith.constant 160 : i32
      %mul3A_11 = arith.muli %arg1, %mul3A_10 : i32
      "tpu.region"() ({
        %run_scoped3A = tpu.sem_alloc : memref<!tpu.dma_semaphore, #tpu.memory_space<semaphore_mem>>
        %dma_start3A = arith.constant 0 : i32
        %dma_start3A_33 = tpu.memref_slice %arg2[%mul3A_11, %dma_start3A] : memref<2560x128xi32, #tpu.memory_space<hbm>> -> memref<160x128xi32, #tpu.memory_space<hbm>>
        %dma_start3A_34 = arith.constant 0 : i32
        %dma_start3A_35 = tpu.memref_slice %arg2[%mul3A_11, %dma_start3A_34] : memref<2560x128xi32, #tpu.memory_space<hbm>> -> memref<160x128xi32, #tpu.memory_space<hbm>>
        tpu.enqueue_dma source(%dma_start3A_35 : memref<160x128xi32, #tpu.memory_space<hbm>>) target(%arg5 : memref<160x128xi32, #tpu.memory_space<vmem>>) target_semaphore(%run_scoped3A : memref<!tpu.dma_semaphore, #tpu.memory_space<semaphore_mem>>)
        %dma_wait3A = arith.constant 0 : i32
        %dma_wait3A_36 = tpu.memref_slice %arg2[%mul3A_11, %dma_wait3A] : memref<2560x128xi32, #tpu.memory_space<hbm>> -> memref<160x128xi32, #tpu.memory_space<hbm>>
        %dma_wait3A_37 = arith.constant 0 : i32
        %dma_wait3A_38 = tpu.memref_slice %arg2[%mul3A_11, %dma_wait3A_37] : memref<2560x128xi32, #tpu.memory_space<hbm>> -> memref<160x128xi32, #tpu.memory_space<hbm>>
        tpu.wait_dma2 semaphore(%run_scoped3A : memref<!tpu.dma_semaphore, #tpu.memory_space<semaphore_mem>>) src(%dma_wait3A_38 : memref<160x128xi32, #tpu.memory_space<hbm>>) dst(%arg5 : memref<160x128xi32, #tpu.memory_space<vmem>>)
        tpu.yield
      }) : () -> ()
      %mul3A_12 = arith.constant 160 : i32
      %mul3A_13 = arith.muli %arg1, %mul3A_12 : i32
      "tpu.region"() ({
        %run_scoped3A = tpu.sem_alloc : memref<!tpu.dma_semaphore, #tpu.memory_space<semaphore_mem>>
        %dma_start3A = arith.constant 0 : i32
        %dma_start3A_33 = tpu.memref_slice %arg3[%mul3A_13, %dma_start3A] : memref<2560x128xf32, #tpu.memory_space<hbm>> -> memref<160x128xf32, #tpu.memory_space<hbm>>
        %dma_start3A_34 = arith.constant 0 : i32
        %dma_start3A_35 = tpu.memref_slice %arg3[%mul3A_13, %dma_start3A_34] : memref<2560x128xf32, #tpu.memory_space<hbm>> -> memref<160x128xf32, #tpu.memory_space<hbm>>
        tpu.enqueue_dma source(%dma_start3A_35 : memref<160x128xf32, #tpu.memory_space<hbm>>) target(%arg6 : memref<160x128xf32, #tpu.memory_space<vmem>>) target_semaphore(%run_scoped3A : memref<!tpu.dma_semaphore, #tpu.memory_space<semaphore_mem>>)
        %dma_wait3A = arith.constant 0 : i32
        %dma_wait3A_36 = tpu.memref_slice %arg3[%mul3A_13, %dma_wait3A] : memref<2560x128xf32, #tpu.memory_space<hbm>> -> memref<160x128xf32, #tpu.memory_space<hbm>>
        %dma_wait3A_37 = arith.constant 0 : i32
        %dma_wait3A_38 = tpu.memref_slice %arg3[%mul3A_13, %dma_wait3A_37] : memref<2560x128xf32, #tpu.memory_space<hbm>> -> memref<160x128xf32, #tpu.memory_space<hbm>>
        tpu.wait_dma2 semaphore(%run_scoped3A : memref<!tpu.dma_semaphore, #tpu.memory_space<semaphore_mem>>) src(%dma_wait3A_38 : memref<160x128xf32, #tpu.memory_space<hbm>>) dst(%arg6 : memref<160x128xf32, #tpu.memory_space<vmem>>)
        tpu.yield
      }) : () -> ()
      %scan3A_14 = arith.constant 0 : i32
      %scan3A_15 = arith.constant 0 : i32
      %scan3A_16 = arith.constant 160 : i32
      %scan3A_17 = arith.addi %scan3A_15, %scan3A_16 : i32
      %scan3A_18 = arith.constant 1 : i32
      %scan3A_19 = scf.for %scan3A_33 = %scan3A_15 to %scan3A_17 step %scan3A_18 iter_args(%scan3A_34 = %scan3A_14) -> (i32)  : i32 {
        "tpu.region"() ({
          %run_scoped3A = tpu.sem_alloc : memref<!tpu.dma_semaphore, #tpu.memory_space<semaphore_mem>>
          %dma_start3A = arith.constant 0 : i32
          %dma_start3A_36 = tpu.memref_slice %arg6[%scan3A_33, %dma_start3A] : memref<160x128xf32, #tpu.memory_space<vmem>> -> memref<1x128xf32, #tpu.memory_space<vmem>>
          %dma_start3A_37 = tpu.memref_squeeze %dma_start3A_36 : memref<1x128xf32, #tpu.memory_space<vmem>> -> memref<128xf32, #tpu.memory_space<vmem>>
          %dma_start3A_38 = arith.constant 0 : i32
          %dma_start3A_39 = tpu.memref_slice %arg5[%scan3A_33, %dma_start3A_38] : memref<160x128xi32, #tpu.memory_space<vmem>> -> memref<1x128xi32, #tpu.memory_space<vmem>>
          %dma_start3A_40 = tpu.memref_squeeze %dma_start3A_39 : memref<1x128xi32, #tpu.memory_space<vmem>> -> memref<128xi32, #tpu.memory_space<vmem>>
          %dma_start3A_41 = arith.constant 0 : i32
          %dma_start3A_42 = tpu.memref_slice %arg8[%dma_start3A_41] : memref<10240xf32, #tpu.memory_space<vmem_shared>> -> memref<10240xf32, #tpu.memory_space<vmem_shared>>
          tpu.enqueue_indirect_dma source(%dma_start3A_37 : memref<128xf32, #tpu.memory_space<vmem>>) target(%dma_start3A_42 : memref<10240xf32, #tpu.memory_space<vmem_shared>>) offsets(%dma_start3A_40 : memref<128xi32, #tpu.memory_space<vmem>>) semaphore(%run_scoped3A : memref<!tpu.dma_semaphore, #tpu.memory_space<semaphore_mem>>) {add = true}
          %dma_wait3A = arith.constant 0 : i32
          %dma_wait3A_43 = tpu.memref_slice %arg6[%scan3A_33, %dma_wait3A] : memref<160x128xf32, #tpu.memory_space<vmem>> -> memref<1x128xf32, #tpu.memory_space<vmem>>
          %dma_wait3A_44 = tpu.memref_squeeze %dma_wait3A_43 : memref<1x128xf32, #tpu.memory_space<vmem>> -> memref<128xf32, #tpu.memory_space<vmem>>
          %dma_wait3A_45 = arith.constant 0 : i32
          %dma_wait3A_46 = tpu.memref_slice %arg5[%scan3A_33, %dma_wait3A_45] : memref<160x128xi32, #tpu.memory_space<vmem>> -> memref<1x128xi32, #tpu.memory_space<vmem>>
          %dma_wait3A_47 = tpu.memref_squeeze %dma_wait3A_46 : memref<1x128xi32, #tpu.memory_space<vmem>> -> memref<128xi32, #tpu.memory_space<vmem>>
          %dma_wait3A_48 = arith.constant 0 : i32
          %dma_wait3A_49 = tpu.memref_slice %arg8[%dma_wait3A_48] : memref<10240xf32, #tpu.memory_space<vmem_shared>> -> memref<10240xf32, #tpu.memory_space<vmem_shared>>
          tpu.wait_indirect_dma semaphore(%run_scoped3A : memref<!tpu.dma_semaphore, #tpu.memory_space<semaphore_mem>>) src(%dma_wait3A_44 : memref<128xf32, #tpu.memory_space<vmem>>) dst(%dma_wait3A_49 : memref<10240xf32, #tpu.memory_space<vmem_shared>>)
          tpu.yield
        }) : () -> ()
        %scan3A_35 = arith.constant 0 : i32
        scf.yield %scan3A_35 : i32
      }
      %scan3A_20 = arith.constant 160 : i32
      %barrier3A_21 = arith.constant 0 : index
      tpu.barrier barrier_id(%barrier3A_21)
      %mul3A_22 = arith.constant 640 : i32
      %mul3A_23 = arith.muli %arg1, %mul3A_22 : i32
      "tpu.region"() ({
        %run_scoped3A = tpu.sem_alloc : memref<!tpu.dma_semaphore, #tpu.memory_space<semaphore_mem>>
        %dma_start3A = tpu.memref_slice %arg8[%mul3A_23] : memref<10240xf32, #tpu.memory_space<vmem_shared>> -> memref<640xf32, #tpu.memory_space<vmem_shared>>
        %dma_start3A_33 = tpu.memref_slice %arg8[%mul3A_23] : memref<10240xf32, #tpu.memory_space<vmem_shared>> -> memref<640xf32, #tpu.memory_space<vmem_shared>>
        tpu.enqueue_dma source(%dma_start3A_33 : memref<640xf32, #tpu.memory_space<vmem_shared>>) target(%arg7 : memref<640xf32, #tpu.memory_space<vmem>>) target_semaphore(%run_scoped3A : memref<!tpu.dma_semaphore, #tpu.memory_space<semaphore_mem>>)
        %dma_wait3A = tpu.memref_slice %arg8[%mul3A_23] : memref<10240xf32, #tpu.memory_space<vmem_shared>> -> memref<640xf32, #tpu.memory_space<vmem_shared>>
        %dma_wait3A_34 = tpu.memref_slice %arg8[%mul3A_23] : memref<10240xf32, #tpu.memory_space<vmem_shared>> -> memref<640xf32, #tpu.memory_space<vmem_shared>>
        tpu.wait_dma2 semaphore(%run_scoped3A : memref<!tpu.dma_semaphore, #tpu.memory_space<semaphore_mem>>) src(%dma_wait3A_34 : memref<640xf32, #tpu.memory_space<vmem_shared>>) dst(%arg7 : memref<640xf32, #tpu.memory_space<vmem>>)
        tpu.yield
      }) : () -> ()
      %scan3A_24 = arith.constant 0 : i32
      %scan3A_25 = arith.constant 0 : i32
      %scan3A_26 = arith.constant 40 : i32
      %scan3A_27 = arith.addi %scan3A_25, %scan3A_26 : i32
      %scan3A_28 = arith.constant 1 : i32
      %scan3A_29 = scf.for %scan3A_33 = %scan3A_25 to %scan3A_27 step %scan3A_28 iter_args(%scan3A_34 = %scan3A_24) -> (i32)  : i32 {
        %mul3A_35 = arith.constant 16 : i32
        %mul3A_36 = arith.muli %scan3A_33, %mul3A_35 : i32
        %get3A = arith.index_cast %mul3A_36 : i32 to index
        %get3A_37 = tpu.vector_load %arg7[%get3A] {strides = array<i32>} : memref<640xf32, #tpu.memory_space<vmem>>, vector<16xf32>,
        %get3A_38 = vector.shape_cast %get3A_37 : vector<16xf32> to vector<16xf32>
        %add3A = arith.constant 1.000000e+00 : f32
        %add3A_39 = vector.broadcast %add3A : f32 to vector<16xf32>
        %add3A_40 = arith.addf %get3A_38, %add3A_39 : vector<16xf32>
        %gt3A = arith.constant 0.000000e+00 : f32
        %gt3A_41 = vector.broadcast %gt3A : f32 to vector<16xf32>
        %gt3A_42 = arith.cmpf ogt, %add3A_40, %gt3A_41 : vector<16xf32>
        %bitcast_convert_type3A = tpu.bitcast %add3A_40 : vector<16xf32> -> vector<16xi32>
        %shift_right_arithmetic3A = arith.constant 1 : i32
        %shift_right_arithmetic3A_43 = vector.broadcast %shift_right_arithmetic3A : i32 to vector<16xi32>
        %shift_right_arithmetic3A_44 = arith.shrsi %bitcast_convert_type3A, %shift_right_arithmetic3A_43 : vector<16xi32>
        %sub3A = arith.constant 1597463007 : i32
        %sub3A_45 = vector.broadcast %sub3A : i32 to vector<16xi32>
        %sub3A_46 = arith.subi %sub3A_45, %shift_right_arithmetic3A_44 : vector<16xi32>
        %bitcast_convert_type3A_47 = tpu.bitcast %sub3A_46 : vector<16xi32> -> vector<16xf32>
        %mul3A_48 = arith.constant 5.000000e-01 : f32
        %mul3A_49 = vector.broadcast %mul3A_48 : f32 to vector<16xf32>
        %mul3A_50 = arith.mulf %add3A_40, %mul3A_49 : vector<16xf32>
        %mul3A_51 = arith.mulf %mul3A_50, %bitcast_convert_type3A_47 : vector<16xf32>
        %mul3A_52 = arith.mulf %mul3A_51, %bitcast_convert_type3A_47 : vector<16xf32>
        %sub3A_53 = arith.constant 1.500000e+00 : f32
        %sub3A_54 = vector.broadcast %sub3A_53 : f32 to vector<16xf32>
        %sub3A_55 = arith.subf %sub3A_54, %mul3A_52 : vector<16xf32>
        %mul3A_56 = arith.mulf %bitcast_convert_type3A_47, %sub3A_55 : vector<16xf32>
        %mul3A_57 = arith.mulf %mul3A_50, %mul3A_56 : vector<16xf32>
        %mul3A_58 = arith.mulf %mul3A_57, %mul3A_56 : vector<16xf32>
        %sub3A_59 = arith.constant 1.500000e+00 : f32
        %sub3A_60 = vector.broadcast %sub3A_59 : f32 to vector<16xf32>
        %sub3A_61 = arith.subf %sub3A_60, %mul3A_58 : vector<16xf32>
        %mul3A_62 = arith.mulf %mul3A_56, %sub3A_61 : vector<16xf32>
        %mul3A_63 = arith.mulf %mul3A_50, %mul3A_62 : vector<16xf32>
        %mul3A_64 = arith.mulf %mul3A_63, %mul3A_62 : vector<16xf32>
        %sub3A_65 = arith.constant 1.500000e+00 : f32
        %sub3A_66 = vector.broadcast %sub3A_65 : f32 to vector<16xf32>
        %sub3A_67 = arith.subf %sub3A_66, %mul3A_64 : vector<16xf32>
        %mul3A_68 = arith.mulf %mul3A_62, %sub3A_67 : vector<16xf32>
        %mul3A_69 = arith.mulf %mul3A_50, %mul3A_68 : vector<16xf32>
        %mul3A_70 = arith.mulf %mul3A_69, %mul3A_68 : vector<16xf32>
        %sub3A_71 = arith.constant 1.500000e+00 : f32
        %sub3A_72 = vector.broadcast %sub3A_71 : f32 to vector<16xf32>
        %sub3A_73 = arith.subf %sub3A_72, %mul3A_70 : vector<16xf32>
        %mul3A_74 = arith.mulf %mul3A_68, %sub3A_73 : vector<16xf32>
        %jit3A = arith.constant 0.000000e+00 : f32
        %broadcast_in_dim3A_75 = vector.broadcast %jit3A : f32 to vector<16xf32>
        %select_n3A = arith.select %gt3A_42, %mul3A_74, %broadcast_in_dim3A_75 : vector<16xi1>, vector<16xf32>
        %swap3A = arith.index_cast %mul3A_36 : i32 to index
        %swap3A_76 = tpu.vector_load %arg7[%swap3A] {strides = array<i32>} : memref<640xf32, #tpu.memory_space<vmem>>, vector<16xf32>,
        %swap3A_77 = vector.shape_cast %swap3A_76 : vector<16xf32> to vector<16xf32>
        %swap3A_78 = vector.shape_cast %select_n3A : vector<16xf32> to vector<16xf32>
        tpu.vector_store %arg7[%swap3A], %swap3A_78 {strides = array<i32>} : memref<640xf32, #tpu.memory_space<vmem>>, vector<16xf32>,
        %scan3A_79 = arith.constant 0 : i32
        scf.yield %scan3A_79 : i32
      }
      %scan3A_30 = arith.constant 40 : i32
      %mul3A_31 = arith.constant 640 : i32
      %mul3A_32 = arith.muli %arg1, %mul3A_31 : i32
      "tpu.region"() ({
        %run_scoped3A = tpu.sem_alloc : memref<!tpu.dma_semaphore, #tpu.memory_space<semaphore_mem>>
        %dma_start3A = tpu.memref_slice %arg4[%mul3A_32] : memref<10240xf32, #tpu.memory_space<hbm>> -> memref<640xf32, #tpu.memory_space<hbm>>
        %dma_start3A_33 = tpu.memref_slice %arg4[%mul3A_32] : memref<10240xf32, #tpu.memory_space<hbm>> -> memref<640xf32, #tpu.memory_space<hbm>>
        tpu.enqueue_dma source(%arg7 : memref<640xf32, #tpu.memory_space<vmem>>) target(%dma_start3A_33 : memref<640xf32, #tpu.memory_space<hbm>>) target_semaphore(%run_scoped3A : memref<!tpu.dma_semaphore, #tpu.memory_space<semaphore_mem>>)
        %dma_wait3A = tpu.memref_slice %arg4[%mul3A_32] : memref<10240xf32, #tpu.memory_space<hbm>> -> memref<640xf32, #tpu.memory_space<hbm>>
        %dma_wait3A_34 = tpu.memref_slice %arg4[%mul3A_32] : memref<10240xf32, #tpu.memory_space<hbm>> -> memref<640xf32, #tpu.memory_space<hbm>>
        tpu.wait_dma2 semaphore(%run_scoped3A : memref<!tpu.dma_semaphore, #tpu.memory_space<semaphore_mem>>) src(%arg7 : memref<640xf32, #tpu.memory_space<vmem>>) dst(%dma_wait3A_34 : memref<640xf32, #tpu.memory_space<hbm>>)
        tpu.yield
      }) : () -> ()
    } else {
    }
    return
  }
}

#map = affine_map<(d0, d1) -> (0, 0)>
#map1 = affine_map<(d0, d1) -> (0, 0, 0)>
module attributes {stable_mosaic.version = 14 : i64} {
  func.func @agg_kernel(%arg0: i32, %arg1: i32, %arg2: memref<2560x128xi32, #tpu.memory_space<hbm>>, %arg3: memref<2560x128xi32, #tpu.memory_space<hbm>>, %arg4: memref<2560x128xf32, #tpu.memory_space<hbm>>, %arg5: memref<20480x32xbf16, #tpu.memory_space<hbm>>, %arg6: memref<2x10240x32xf32, #tpu.memory_space<hbm>>, %arg7: memref<160x128xi32, #tpu.memory_space<vmem>>, %arg8: memref<160x128xi32, #tpu.memory_space<vmem>>, %arg9: memref<160x128xf32, #tpu.memory_space<vmem>>, %arg10: memref<128x32xbf16, #tpu.memory_space<vmem>>, %arg11: memref<128x32xbf16, #tpu.memory_space<vmem>>, %arg12: memref<128x32xbf16, #tpu.memory_space<vmem>>, %arg13: memref<128x32xbf16, #tpu.memory_space<vmem>>, %arg14: memref<128x32xbf16, #tpu.memory_space<vmem>>, %arg15: memref<128x32xf32, #tpu.memory_space<vmem>>, %arg16: memref<128x32xf32, #tpu.memory_space<vmem>>, %arg17: memref<128x32xf32, #tpu.memory_space<vmem>>, %arg18: memref<128x32xf32, #tpu.memory_space<vmem>>, %arg19: memref<128x32xf32, #tpu.memory_space<vmem>>, %arg20: memref<128x32xf32, #tpu.memory_space<vmem>>, %arg21: memref<10240x32xf32, #tpu.memory_space<vmem_shared>>, %arg22: memref<!tpu.dma_semaphore, #tpu.memory_space<semaphore_mem>>, %arg23: memref<!tpu.dma_semaphore, #tpu.memory_space<semaphore_mem>>, %arg24: memref<!tpu.dma_semaphore, #tpu.memory_space<semaphore_mem>>, %arg25: memref<!tpu.dma_semaphore, #tpu.memory_space<semaphore_mem>>, %arg26: memref<!tpu.dma_semaphore, #tpu.memory_space<semaphore_mem>>) attributes {dimension_semantics = [#tpu.dimension_semantics<core_parallel>, #tpu.dimension_semantics<subcore_parallel>], iteration_bounds = array<i64: 2, 16>, scalar_prefetch = 0 : i64, scratch_operands = 20 : i64, tpu.core_type = #tpu.core_type<sc_vector_subcore>, window_params = [{transform_indices = #map}, {transform_indices = #map}, {transform_indices = #map}, {transform_indices = #map}, {transform_indices = #map1}]} {
    %broadcast_in_dim3A = arith.constant 0.000000e+00 : f32
    %broadcast_in_dim3A_0 = vector.broadcast %broadcast_in_dim3A : f32 to vector<16xf32>
    %scan3A = arith.constant 0 : i32
    %scan3A_1 = arith.constant 0 : i32
    %scan3A_2 = arith.constant 128 : i32
    %scan3A_3 = arith.addi %scan3A_1, %scan3A_2 : i32
    %scan3A_4 = arith.constant 1 : i32
    %scan3A_5 = scf.for %scan3A_130 = %scan3A_1 to %scan3A_3 step %scan3A_4 iter_args(%scan3A_131 = %scan3A) -> (i32)  : i32 {
      %swap3A = arith.index_cast %scan3A_130 : i32 to index
      %swap3A_132 = arith.constant 0 : index
      %swap3A_133 = tpu.vector_load %arg20[%swap3A, %swap3A_132] {strides = array<i32>} : memref<128x32xf32, #tpu.memory_space<vmem>>, vector<16xf32>,
      tpu.vector_store %arg20[%swap3A, %swap3A_132], %broadcast_in_dim3A_0 {strides = array<i32>} : memref<128x32xf32, #tpu.memory_space<vmem>>, vector<16xf32>,
      %swap3A_134 = arith.index_cast %scan3A_130 : i32 to index
      %swap3A_135 = arith.constant 16 : index
      %swap3A_136 = tpu.vector_load %arg20[%swap3A_134, %swap3A_135] {strides = array<i32>} : memref<128x32xf32, #tpu.memory_space<vmem>>, vector<16xf32>,
      tpu.vector_store %arg20[%swap3A_134, %swap3A_135], %broadcast_in_dim3A_0 {strides = array<i32>} : memref<128x32xf32, #tpu.memory_space<vmem>>, vector<16xf32>,
      %scan3A_137 = arith.constant 0 : i32
      scf.yield %scan3A_137 : i32
    }
    %scan3A_6 = arith.constant 128 : i32
    %mul3A = arith.constant 640 : i32
    %mul3A_7 = arith.muli %arg1, %mul3A : i32
    %add3A = arith.constant 0 : i32
    %add3A_8 = arith.addi %mul3A_7, %add3A : i32
    "tpu.region"() ({
      %run_scoped3A = tpu.sem_alloc : memref<!tpu.dma_semaphore, #tpu.memory_space<semaphore_mem>>
      %dma_start3A_130 = arith.constant 0 : i32
      %dma_start3A_131 = tpu.memref_slice %arg21[%add3A_8, %dma_start3A_130] : memref<10240x32xf32, #tpu.memory_space<vmem_shared>> -> memref<128x32xf32, #tpu.memory_space<vmem_shared>>
      %dma_start3A_132 = arith.constant 0 : i32
      %dma_start3A_133 = tpu.memref_slice %arg21[%add3A_8, %dma_start3A_132] : memref<10240x32xf32, #tpu.memory_space<vmem_shared>> -> memref<128x32xf32, #tpu.memory_space<vmem_shared>>
      tpu.enqueue_dma source(%arg20 : memref<128x32xf32, #tpu.memory_space<vmem>>) target(%dma_start3A_133 : memref<128x32xf32, #tpu.memory_space<vmem_shared>>) target_semaphore(%run_scoped3A : memref<!tpu.dma_semaphore, #tpu.memory_space<semaphore_mem>>)
      %dma_wait3A_134 = arith.constant 0 : i32
      %dma_wait3A_135 = tpu.memref_slice %arg21[%add3A_8, %dma_wait3A_134] : memref<10240x32xf32, #tpu.memory_space<vmem_shared>> -> memref<128x32xf32, #tpu.memory_space<vmem_shared>>
      %dma_wait3A_136 = arith.constant 0 : i32
      %dma_wait3A_137 = tpu.memref_slice %arg21[%add3A_8, %dma_wait3A_136] : memref<10240x32xf32, #tpu.memory_space<vmem_shared>> -> memref<128x32xf32, #tpu.memory_space<vmem_shared>>
      tpu.wait_dma2 semaphore(%run_scoped3A : memref<!tpu.dma_semaphore, #tpu.memory_space<semaphore_mem>>) src(%arg20 : memref<128x32xf32, #tpu.memory_space<vmem>>) dst(%dma_wait3A_137 : memref<128x32xf32, #tpu.memory_space<vmem_shared>>)
      tpu.yield
    }) : () -> ()
    %mul3A_9 = arith.constant 640 : i32
    %mul3A_10 = arith.muli %arg1, %mul3A_9 : i32
    %add3A_11 = arith.constant 128 : i32
    %add3A_12 = arith.addi %mul3A_10, %add3A_11 : i32
    "tpu.region"() ({
      %run_scoped3A = tpu.sem_alloc : memref<!tpu.dma_semaphore, #tpu.memory_space<semaphore_mem>>
      %dma_start3A_130 = arith.constant 0 : i32
      %dma_start3A_131 = tpu.memref_slice %arg21[%add3A_12, %dma_start3A_130] : memref<10240x32xf32, #tpu.memory_space<vmem_shared>> -> memref<128x32xf32, #tpu.memory_space<vmem_shared>>
      %dma_start3A_132 = arith.constant 0 : i32
      %dma_start3A_133 = tpu.memref_slice %arg21[%add3A_12, %dma_start3A_132] : memref<10240x32xf32, #tpu.memory_space<vmem_shared>> -> memref<128x32xf32, #tpu.memory_space<vmem_shared>>
      tpu.enqueue_dma source(%arg20 : memref<128x32xf32, #tpu.memory_space<vmem>>) target(%dma_start3A_133 : memref<128x32xf32, #tpu.memory_space<vmem_shared>>) target_semaphore(%run_scoped3A : memref<!tpu.dma_semaphore, #tpu.memory_space<semaphore_mem>>)
      %dma_wait3A_134 = arith.constant 0 : i32
      %dma_wait3A_135 = tpu.memref_slice %arg21[%add3A_12, %dma_wait3A_134] : memref<10240x32xf32, #tpu.memory_space<vmem_shared>> -> memref<128x32xf32, #tpu.memory_space<vmem_shared>>
      %dma_wait3A_136 = arith.constant 0 : i32
      %dma_wait3A_137 = tpu.memref_slice %arg21[%add3A_12, %dma_wait3A_136] : memref<10240x32xf32, #tpu.memory_space<vmem_shared>> -> memref<128x32xf32, #tpu.memory_space<vmem_shared>>
      tpu.wait_dma2 semaphore(%run_scoped3A : memref<!tpu.dma_semaphore, #tpu.memory_space<semaphore_mem>>) src(%arg20 : memref<128x32xf32, #tpu.memory_space<vmem>>) dst(%dma_wait3A_137 : memref<128x32xf32, #tpu.memory_space<vmem_shared>>)
      tpu.yield
    }) : () -> ()
    %mul3A_13 = arith.constant 640 : i32
    %mul3A_14 = arith.muli %arg1, %mul3A_13 : i32
    %add3A_15 = arith.constant 256 : i32
    %add3A_16 = arith.addi %mul3A_14, %add3A_15 : i32
    "tpu.region"() ({
      %run_scoped3A = tpu.sem_alloc : memref<!tpu.dma_semaphore, #tpu.memory_space<semaphore_mem>>
      %dma_start3A_130 = arith.constant 0 : i32
      %dma_start3A_131 = tpu.memref_slice %arg21[%add3A_16, %dma_start3A_130] : memref<10240x32xf32, #tpu.memory_space<vmem_shared>> -> memref<128x32xf32, #tpu.memory_space<vmem_shared>>
      %dma_start3A_132 = arith.constant 0 : i32
      %dma_start3A_133 = tpu.memref_slice %arg21[%add3A_16, %dma_start3A_132] : memref<10240x32xf32, #tpu.memory_space<vmem_shared>> -> memref<128x32xf32, #tpu.memory_space<vmem_shared>>
      tpu.enqueue_dma source(%arg20 : memref<128x32xf32, #tpu.memory_space<vmem>>) target(%dma_start3A_133 : memref<128x32xf32, #tpu.memory_space<vmem_shared>>) target_semaphore(%run_scoped3A : memref<!tpu.dma_semaphore, #tpu.memory_space<semaphore_mem>>)
      %dma_wait3A_134 = arith.constant 0 : i32
      %dma_wait3A_135 = tpu.memref_slice %arg21[%add3A_16, %dma_wait3A_134] : memref<10240x32xf32, #tpu.memory_space<vmem_shared>> -> memref<128x32xf32, #tpu.memory_space<vmem_shared>>
      %dma_wait3A_136 = arith.constant 0 : i32
      %dma_wait3A_137 = tpu.memref_slice %arg21[%add3A_16, %dma_wait3A_136] : memref<10240x32xf32, #tpu.memory_space<vmem_shared>> -> memref<128x32xf32, #tpu.memory_space<vmem_shared>>
      tpu.wait_dma2 semaphore(%run_scoped3A : memref<!tpu.dma_semaphore, #tpu.memory_space<semaphore_mem>>) src(%arg20 : memref<128x32xf32, #tpu.memory_space<vmem>>) dst(%dma_wait3A_137 : memref<128x32xf32, #tpu.memory_space<vmem_shared>>)
      tpu.yield
    }) : () -> ()
    %mul3A_17 = arith.constant 640 : i32
    %mul3A_18 = arith.muli %arg1, %mul3A_17 : i32
    %add3A_19 = arith.constant 384 : i32
    %add3A_20 = arith.addi %mul3A_18, %add3A_19 : i32
    "tpu.region"() ({
      %run_scoped3A = tpu.sem_alloc : memref<!tpu.dma_semaphore, #tpu.memory_space<semaphore_mem>>
      %dma_start3A_130 = arith.constant 0 : i32
      %dma_start3A_131 = tpu.memref_slice %arg21[%add3A_20, %dma_start3A_130] : memref<10240x32xf32, #tpu.memory_space<vmem_shared>> -> memref<128x32xf32, #tpu.memory_space<vmem_shared>>
      %dma_start3A_132 = arith.constant 0 : i32
      %dma_start3A_133 = tpu.memref_slice %arg21[%add3A_20, %dma_start3A_132] : memref<10240x32xf32, #tpu.memory_space<vmem_shared>> -> memref<128x32xf32, #tpu.memory_space<vmem_shared>>
      tpu.enqueue_dma source(%arg20 : memref<128x32xf32, #tpu.memory_space<vmem>>) target(%dma_start3A_133 : memref<128x32xf32, #tpu.memory_space<vmem_shared>>) target_semaphore(%run_scoped3A : memref<!tpu.dma_semaphore, #tpu.memory_space<semaphore_mem>>)
      %dma_wait3A_134 = arith.constant 0 : i32
      %dma_wait3A_135 = tpu.memref_slice %arg21[%add3A_20, %dma_wait3A_134] : memref<10240x32xf32, #tpu.memory_space<vmem_shared>> -> memref<128x32xf32, #tpu.memory_space<vmem_shared>>
      %dma_wait3A_136 = arith.constant 0 : i32
      %dma_wait3A_137 = tpu.memref_slice %arg21[%add3A_20, %dma_wait3A_136] : memref<10240x32xf32, #tpu.memory_space<vmem_shared>> -> memref<128x32xf32, #tpu.memory_space<vmem_shared>>
      tpu.wait_dma2 semaphore(%run_scoped3A : memref<!tpu.dma_semaphore, #tpu.memory_space<semaphore_mem>>) src(%arg20 : memref<128x32xf32, #tpu.memory_space<vmem>>) dst(%dma_wait3A_137 : memref<128x32xf32, #tpu.memory_space<vmem_shared>>)
      tpu.yield
    }) : () -> ()
    %mul3A_21 = arith.constant 640 : i32
    %mul3A_22 = arith.muli %arg1, %mul3A_21 : i32
    %add3A_23 = arith.constant 512 : i32
    %add3A_24 = arith.addi %mul3A_22, %add3A_23 : i32
    "tpu.region"() ({
      %run_scoped3A = tpu.sem_alloc : memref<!tpu.dma_semaphore, #tpu.memory_space<semaphore_mem>>
      %dma_start3A_130 = arith.constant 0 : i32
      %dma_start3A_131 = tpu.memref_slice %arg21[%add3A_24, %dma_start3A_130] : memref<10240x32xf32, #tpu.memory_space<vmem_shared>> -> memref<128x32xf32, #tpu.memory_space<vmem_shared>>
      %dma_start3A_132 = arith.constant 0 : i32
      %dma_start3A_133 = tpu.memref_slice %arg21[%add3A_24, %dma_start3A_132] : memref<10240x32xf32, #tpu.memory_space<vmem_shared>> -> memref<128x32xf32, #tpu.memory_space<vmem_shared>>
      tpu.enqueue_dma source(%arg20 : memref<128x32xf32, #tpu.memory_space<vmem>>) target(%dma_start3A_133 : memref<128x32xf32, #tpu.memory_space<vmem_shared>>) target_semaphore(%run_scoped3A : memref<!tpu.dma_semaphore, #tpu.memory_space<semaphore_mem>>)
      %dma_wait3A_134 = arith.constant 0 : i32
      %dma_wait3A_135 = tpu.memref_slice %arg21[%add3A_24, %dma_wait3A_134] : memref<10240x32xf32, #tpu.memory_space<vmem_shared>> -> memref<128x32xf32, #tpu.memory_space<vmem_shared>>
      %dma_wait3A_136 = arith.constant 0 : i32
      %dma_wait3A_137 = tpu.memref_slice %arg21[%add3A_24, %dma_wait3A_136] : memref<10240x32xf32, #tpu.memory_space<vmem_shared>> -> memref<128x32xf32, #tpu.memory_space<vmem_shared>>
      tpu.wait_dma2 semaphore(%run_scoped3A : memref<!tpu.dma_semaphore, #tpu.memory_space<semaphore_mem>>) src(%arg20 : memref<128x32xf32, #tpu.memory_space<vmem>>) dst(%dma_wait3A_137 : memref<128x32xf32, #tpu.memory_space<vmem_shared>>)
      tpu.yield
    }) : () -> ()
    %barrier3A = arith.constant 0 : index
    tpu.barrier barrier_id(%barrier3A)
    %mul3A_25 = arith.constant 160 : i32
    %mul3A_26 = arith.muli %arg1, %mul3A_25 : i32
    "tpu.region"() ({
      %run_scoped3A = tpu.sem_alloc : memref<!tpu.dma_semaphore, #tpu.memory_space<semaphore_mem>>
      %dma_start3A_130 = arith.constant 0 : i32
      %dma_start3A_131 = tpu.memref_slice %arg2[%mul3A_26, %dma_start3A_130] : memref<2560x128xi32, #tpu.memory_space<hbm>> -> memref<160x128xi32, #tpu.memory_space<hbm>>
      %dma_start3A_132 = arith.constant 0 : i32
      %dma_start3A_133 = tpu.memref_slice %arg2[%mul3A_26, %dma_start3A_132] : memref<2560x128xi32, #tpu.memory_space<hbm>> -> memref<160x128xi32, #tpu.memory_space<hbm>>
      tpu.enqueue_dma source(%dma_start3A_133 : memref<160x128xi32, #tpu.memory_space<hbm>>) target(%arg7 : memref<160x128xi32, #tpu.memory_space<vmem>>) target_semaphore(%run_scoped3A : memref<!tpu.dma_semaphore, #tpu.memory_space<semaphore_mem>>)
      %dma_wait3A_134 = arith.constant 0 : i32
      %dma_wait3A_135 = tpu.memref_slice %arg2[%mul3A_26, %dma_wait3A_134] : memref<2560x128xi32, #tpu.memory_space<hbm>> -> memref<160x128xi32, #tpu.memory_space<hbm>>
      %dma_wait3A_136 = arith.constant 0 : i32
      %dma_wait3A_137 = tpu.memref_slice %arg2[%mul3A_26, %dma_wait3A_136] : memref<2560x128xi32, #tpu.memory_space<hbm>> -> memref<160x128xi32, #tpu.memory_space<hbm>>
      tpu.wait_dma2 semaphore(%run_scoped3A : memref<!tpu.dma_semaphore, #tpu.memory_space<semaphore_mem>>) src(%dma_wait3A_137 : memref<160x128xi32, #tpu.memory_space<hbm>>) dst(%arg7 : memref<160x128xi32, #tpu.memory_space<vmem>>)
      tpu.yield
    }) : () -> ()
    %mul3A_27 = arith.constant 160 : i32
    %mul3A_28 = arith.muli %arg1, %mul3A_27 : i32
    "tpu.region"() ({
      %run_scoped3A = tpu.sem_alloc : memref<!tpu.dma_semaphore, #tpu.memory_space<semaphore_mem>>
      %dma_start3A_130 = arith.constant 0 : i32
      %dma_start3A_131 = tpu.memref_slice %arg3[%mul3A_28, %dma_start3A_130] : memref<2560x128xi32, #tpu.memory_space<hbm>> -> memref<160x128xi32, #tpu.memory_space<hbm>>
      %dma_start3A_132 = arith.constant 0 : i32
      %dma_start3A_133 = tpu.memref_slice %arg3[%mul3A_28, %dma_start3A_132] : memref<2560x128xi32, #tpu.memory_space<hbm>> -> memref<160x128xi32, #tpu.memory_space<hbm>>
      tpu.enqueue_dma source(%dma_start3A_133 : memref<160x128xi32, #tpu.memory_space<hbm>>) target(%arg8 : memref<160x128xi32, #tpu.memory_space<vmem>>) target_semaphore(%run_scoped3A : memref<!tpu.dma_semaphore, #tpu.memory_space<semaphore_mem>>)
      %dma_wait3A_134 = arith.constant 0 : i32
      %dma_wait3A_135 = tpu.memref_slice %arg3[%mul3A_28, %dma_wait3A_134] : memref<2560x128xi32, #tpu.memory_space<hbm>> -> memref<160x128xi32, #tpu.memory_space<hbm>>
      %dma_wait3A_136 = arith.constant 0 : i32
      %dma_wait3A_137 = tpu.memref_slice %arg3[%mul3A_28, %dma_wait3A_136] : memref<2560x128xi32, #tpu.memory_space<hbm>> -> memref<160x128xi32, #tpu.memory_space<hbm>>
      tpu.wait_dma2 semaphore(%run_scoped3A : memref<!tpu.dma_semaphore, #tpu.memory_space<semaphore_mem>>) src(%dma_wait3A_137 : memref<160x128xi32, #tpu.memory_space<hbm>>) dst(%arg8 : memref<160x128xi32, #tpu.memory_space<vmem>>)
      tpu.yield
    }) : () -> ()
    %mul3A_29 = arith.constant 160 : i32
    %mul3A_30 = arith.muli %arg1, %mul3A_29 : i32
    "tpu.region"() ({
      %run_scoped3A = tpu.sem_alloc : memref<!tpu.dma_semaphore, #tpu.memory_space<semaphore_mem>>
      %dma_start3A_130 = arith.constant 0 : i32
      %dma_start3A_131 = tpu.memref_slice %arg4[%mul3A_30, %dma_start3A_130] : memref<2560x128xf32, #tpu.memory_space<hbm>> -> memref<160x128xf32, #tpu.memory_space<hbm>>
      %dma_start3A_132 = arith.constant 0 : i32
      %dma_start3A_133 = tpu.memref_slice %arg4[%mul3A_30, %dma_start3A_132] : memref<2560x128xf32, #tpu.memory_space<hbm>> -> memref<160x128xf32, #tpu.memory_space<hbm>>
      tpu.enqueue_dma source(%dma_start3A_133 : memref<160x128xf32, #tpu.memory_space<hbm>>) target(%arg9 : memref<160x128xf32, #tpu.memory_space<vmem>>) target_semaphore(%run_scoped3A : memref<!tpu.dma_semaphore, #tpu.memory_space<semaphore_mem>>)
      %dma_wait3A_134 = arith.constant 0 : i32
      %dma_wait3A_135 = tpu.memref_slice %arg4[%mul3A_30, %dma_wait3A_134] : memref<2560x128xf32, #tpu.memory_space<hbm>> -> memref<160x128xf32, #tpu.memory_space<hbm>>
      %dma_wait3A_136 = arith.constant 0 : i32
      %dma_wait3A_137 = tpu.memref_slice %arg4[%mul3A_30, %dma_wait3A_136] : memref<2560x128xf32, #tpu.memory_space<hbm>> -> memref<160x128xf32, #tpu.memory_space<hbm>>
      tpu.wait_dma2 semaphore(%run_scoped3A : memref<!tpu.dma_semaphore, #tpu.memory_space<semaphore_mem>>) src(%dma_wait3A_137 : memref<160x128xf32, #tpu.memory_space<hbm>>) dst(%arg9 : memref<160x128xf32, #tpu.memory_space<vmem>>)
      tpu.yield
    }) : () -> ()
    %mul3A_31 = arith.constant 10240 : i32
    %mul3A_32 = arith.muli %arg0, %mul3A_31 : i32
    %broadcast_in_dim3A_33 = vector.broadcast %mul3A_32 : i32 to vector<16xi32>
    %scan3A_34 = arith.constant 0 : i32
    %scan3A_35 = arith.constant 0 : i32
    %scan3A_36 = arith.constant 160 : i32
    %scan3A_37 = arith.addi %scan3A_35, %scan3A_36 : i32
    %scan3A_38 = arith.constant 1 : i32
    %scan3A_39 = scf.for %scan3A_130 = %scan3A_35 to %scan3A_37 step %scan3A_38 iter_args(%scan3A_131 = %scan3A_34) -> (i32)  : i32 {
      %get3A = arith.index_cast %scan3A_130 : i32 to index
      %get3A_132 = arith.constant 0 : index
      %get3A_133 = tpu.vector_load %arg7[%get3A, %get3A_132] {strides = array<i32>} : memref<160x128xi32, #tpu.memory_space<vmem>>, vector<16xi32>,
      %add3A_134 = arith.addi %get3A_133, %broadcast_in_dim3A_33 : vector<16xi32>
      %swap3A = arith.index_cast %scan3A_130 : i32 to index
      %swap3A_135 = arith.constant 0 : index
      %swap3A_136 = tpu.vector_load %arg7[%swap3A, %swap3A_135] {strides = array<i32>} : memref<160x128xi32, #tpu.memory_space<vmem>>, vector<16xi32>,
      tpu.vector_store %arg7[%swap3A, %swap3A_135], %add3A_134 {strides = array<i32>} : memref<160x128xi32, #tpu.memory_space<vmem>>, vector<16xi32>,
      %get3A_137 = arith.index_cast %scan3A_130 : i32 to index
      %get3A_138 = arith.constant 16 : index
      %get3A_139 = tpu.vector_load %arg7[%get3A_137, %get3A_138] {strides = array<i32>} : memref<160x128xi32, #tpu.memory_space<vmem>>, vector<16xi32>,
      %add3A_140 = arith.addi %get3A_139, %broadcast_in_dim3A_33 : vector<16xi32>
      %swap3A_141 = arith.index_cast %scan3A_130 : i32 to index
      %swap3A_142 = arith.constant 16 : index
      %swap3A_143 = tpu.vector_load %arg7[%swap3A_141, %swap3A_142] {strides = array<i32>} : memref<160x128xi32, #tpu.memory_space<vmem>>, vector<16xi32>,
      tpu.vector_store %arg7[%swap3A_141, %swap3A_142], %add3A_140 {strides = array<i32>} : memref<160x128xi32, #tpu.memory_space<vmem>>, vector<16xi32>,
      %get3A_144 = arith.index_cast %scan3A_130 : i32 to index
      %get3A_145 = arith.constant 32 : index
      %get3A_146 = tpu.vector_load %arg7[%get3A_144, %get3A_145] {strides = array<i32>} : memref<160x128xi32, #tpu.memory_space<vmem>>, vector<16xi32>,
      %add3A_147 = arith.addi %get3A_146, %broadcast_in_dim3A_33 : vector<16xi32>
      %swap3A_148 = arith.index_cast %scan3A_130 : i32 to index
      %swap3A_149 = arith.constant 32 : index
      %swap3A_150 = tpu.vector_load %arg7[%swap3A_148, %swap3A_149] {strides = array<i32>} : memref<160x128xi32, #tpu.memory_space<vmem>>, vector<16xi32>,
      tpu.vector_store %arg7[%swap3A_148, %swap3A_149], %add3A_147 {strides = array<i32>} : memref<160x128xi32, #tpu.memory_space<vmem>>, vector<16xi32>,
      %get3A_151 = arith.index_cast %scan3A_130 : i32 to index
      %get3A_152 = arith.constant 48 : index
      %get3A_153 = tpu.vector_load %arg7[%get3A_151, %get3A_152] {strides = array<i32>} : memref<160x128xi32, #tpu.memory_space<vmem>>, vector<16xi32>,
      %add3A_154 = arith.addi %get3A_153, %broadcast_in_dim3A_33 : vector<16xi32>
      %swap3A_155 = arith.index_cast %scan3A_130 : i32 to index
      %swap3A_156 = arith.constant 48 : index
      %swap3A_157 = tpu.vector_load %arg7[%swap3A_155, %swap3A_156] {strides = array<i32>} : memref<160x128xi32, #tpu.memory_space<vmem>>, vector<16xi32>,
      tpu.vector_store %arg7[%swap3A_155, %swap3A_156], %add3A_154 {strides = array<i32>} : memref<160x128xi32, #tpu.memory_space<vmem>>, vector<16xi32>,
      %get3A_158 = arith.index_cast %scan3A_130 : i32 to index
      %get3A_159 = arith.constant 64 : index
      %get3A_160 = tpu.vector_load %arg7[%get3A_158, %get3A_159] {strides = array<i32>} : memref<160x128xi32, #tpu.memory_space<vmem>>, vector<16xi32>,
      %add3A_161 = arith.addi %get3A_160, %broadcast_in_dim3A_33 : vector<16xi32>
      %swap3A_162 = arith.index_cast %scan3A_130 : i32 to index
      %swap3A_163 = arith.constant 64 : index
      %swap3A_164 = tpu.vector_load %arg7[%swap3A_162, %swap3A_163] {strides = array<i32>} : memref<160x128xi32, #tpu.memory_space<vmem>>, vector<16xi32>,
      tpu.vector_store %arg7[%swap3A_162, %swap3A_163], %add3A_161 {strides = array<i32>} : memref<160x128xi32, #tpu.memory_space<vmem>>, vector<16xi32>,
      %get3A_165 = arith.index_cast %scan3A_130 : i32 to index
      %get3A_166 = arith.constant 80 : index
      %get3A_167 = tpu.vector_load %arg7[%get3A_165, %get3A_166] {strides = array<i32>} : memref<160x128xi32, #tpu.memory_space<vmem>>, vector<16xi32>,
      %add3A_168 = arith.addi %get3A_167, %broadcast_in_dim3A_33 : vector<16xi32>
      %swap3A_169 = arith.index_cast %scan3A_130 : i32 to index
      %swap3A_170 = arith.constant 80 : index
      %swap3A_171 = tpu.vector_load %arg7[%swap3A_169, %swap3A_170] {strides = array<i32>} : memref<160x128xi32, #tpu.memory_space<vmem>>, vector<16xi32>,
      tpu.vector_store %arg7[%swap3A_169, %swap3A_170], %add3A_168 {strides = array<i32>} : memref<160x128xi32, #tpu.memory_space<vmem>>, vector<16xi32>,
      %get3A_172 = arith.index_cast %scan3A_130 : i32 to index
      %get3A_173 = arith.constant 96 : index
      %get3A_174 = tpu.vector_load %arg7[%get3A_172, %get3A_173] {strides = array<i32>} : memref<160x128xi32, #tpu.memory_space<vmem>>, vector<16xi32>,
      %add3A_175 = arith.addi %get3A_174, %broadcast_in_dim3A_33 : vector<16xi32>
      %swap3A_176 = arith.index_cast %scan3A_130 : i32 to index
      %swap3A_177 = arith.constant 96 : index
      %swap3A_178 = tpu.vector_load %arg7[%swap3A_176, %swap3A_177] {strides = array<i32>} : memref<160x128xi32, #tpu.memory_space<vmem>>, vector<16xi32>,
      tpu.vector_store %arg7[%swap3A_176, %swap3A_177], %add3A_175 {strides = array<i32>} : memref<160x128xi32, #tpu.memory_space<vmem>>, vector<16xi32>,
      %get3A_179 = arith.index_cast %scan3A_130 : i32 to index
      %get3A_180 = arith.constant 112 : index
      %get3A_181 = tpu.vector_load %arg7[%get3A_179, %get3A_180] {strides = array<i32>} : memref<160x128xi32, #tpu.memory_space<vmem>>, vector<16xi32>,
      %add3A_182 = arith.addi %get3A_181, %broadcast_in_dim3A_33 : vector<16xi32>
      %swap3A_183 = arith.index_cast %scan3A_130 : i32 to index
      %swap3A_184 = arith.constant 112 : index
      %swap3A_185 = tpu.vector_load %arg7[%swap3A_183, %swap3A_184] {strides = array<i32>} : memref<160x128xi32, #tpu.memory_space<vmem>>, vector<16xi32>,
      tpu.vector_store %arg7[%swap3A_183, %swap3A_184], %add3A_182 {strides = array<i32>} : memref<160x128xi32, #tpu.memory_space<vmem>>, vector<16xi32>,
      %scan3A_186 = arith.constant 0 : i32
      scf.yield %scan3A_186 : i32
    }
    %scan3A_40 = arith.constant 160 : i32
    %dma_start3A = arith.constant 0 : i32
    %dma_start3A_41 = arith.constant 0 : i32
    %dma_start3A_42 = tpu.memref_slice %arg7[%dma_start3A, %dma_start3A_41] : memref<160x128xi32, #tpu.memory_space<vmem>> -> memref<1x128xi32, #tpu.memory_space<vmem>>
    %dma_start3A_43 = tpu.memref_squeeze %dma_start3A_42 : memref<1x128xi32, #tpu.memory_space<vmem>> -> memref<128xi32, #tpu.memory_space<vmem>>
    %dma_start3A_44 = arith.constant 0 : i32
    %dma_start3A_45 = arith.constant 0 : i32
    %dma_start3A_46 = tpu.memref_slice %arg5[%dma_start3A_44, %dma_start3A_45] : memref<20480x32xbf16, #tpu.memory_space<hbm>> -> memref<20480x32xbf16, #tpu.memory_space<hbm>>
    tpu.enqueue_indirect_dma source(%dma_start3A_46 : memref<20480x32xbf16, #tpu.memory_space<hbm>>) target(%arg10 : memref<128x32xbf16, #tpu.memory_space<vmem>>) offsets(%dma_start3A_43 : memref<128xi32, #tpu.memory_space<vmem>>) semaphore(%arg22 : memref<!tpu.dma_semaphore, #tpu.memory_space<semaphore_mem>>)
    %dma_start3A_47 = arith.constant 1 : i32
    %dma_start3A_48 = arith.constant 0 : i32
    %dma_start3A_49 = tpu.memref_slice %arg7[%dma_start3A_47, %dma_start3A_48] : memref<160x128xi32, #tpu.memory_space<vmem>> -> memref<1x128xi32, #tpu.memory_space<vmem>>
    %dma_start3A_50 = tpu.memref_squeeze %dma_start3A_49 : memref<1x128xi32, #tpu.memory_space<vmem>> -> memref<128xi32, #tpu.memory_space<vmem>>
    %dma_start3A_51 = arith.constant 0 : i32
    %dma_start3A_52 = arith.constant 0 : i32
    %dma_start3A_53 = tpu.memref_slice %arg5[%dma_start3A_51, %dma_start3A_52] : memref<20480x32xbf16, #tpu.memory_space<hbm>> -> memref<20480x32xbf16, #tpu.memory_space<hbm>>
    tpu.enqueue_indirect_dma source(%dma_start3A_53 : memref<20480x32xbf16, #tpu.memory_space<hbm>>) target(%arg11 : memref<128x32xbf16, #tpu.memory_space<vmem>>) offsets(%dma_start3A_50 : memref<128xi32, #tpu.memory_space<vmem>>) semaphore(%arg23 : memref<!tpu.dma_semaphore, #tpu.memory_space<semaphore_mem>>)
    %dma_start3A_54 = arith.constant 2 : i32
    %dma_start3A_55 = arith.constant 0 : i32
    %dma_start3A_56 = tpu.memref_slice %arg7[%dma_start3A_54, %dma_start3A_55] : memref<160x128xi32, #tpu.memory_space<vmem>> -> memref<1x128xi32, #tpu.memory_space<vmem>>
    %dma_start3A_57 = tpu.memref_squeeze %dma_start3A_56 : memref<1x128xi32, #tpu.memory_space<vmem>> -> memref<128xi32, #tpu.memory_space<vmem>>
    %dma_start3A_58 = arith.constant 0 : i32
    %dma_start3A_59 = arith.constant 0 : i32
    %dma_start3A_60 = tpu.memref_slice %arg5[%dma_start3A_58, %dma_start3A_59] : memref<20480x32xbf16, #tpu.memory_space<hbm>> -> memref<20480x32xbf16, #tpu.memory_space<hbm>>
    tpu.enqueue_indirect_dma source(%dma_start3A_60 : memref<20480x32xbf16, #tpu.memory_space<hbm>>) target(%arg12 : memref<128x32xbf16, #tpu.memory_space<vmem>>) offsets(%dma_start3A_57 : memref<128xi32, #tpu.memory_space<vmem>>) semaphore(%arg24 : memref<!tpu.dma_semaphore, #tpu.memory_space<semaphore_mem>>)
    %dma_start3A_61 = arith.constant 3 : i32
    %dma_start3A_62 = arith.constant 0 : i32
    %dma_start3A_63 = tpu.memref_slice %arg7[%dma_start3A_61, %dma_start3A_62] : memref<160x128xi32, #tpu.memory_space<vmem>> -> memref<1x128xi32, #tpu.memory_space<vmem>>
    %dma_start3A_64 = tpu.memref_squeeze %dma_start3A_63 : memref<1x128xi32, #tpu.memory_space<vmem>> -> memref<128xi32, #tpu.memory_space<vmem>>
    %dma_start3A_65 = arith.constant 0 : i32
    %dma_start3A_66 = arith.constant 0 : i32
    %dma_start3A_67 = tpu.memref_slice %arg5[%dma_start3A_65, %dma_start3A_66] : memref<20480x32xbf16, #tpu.memory_space<hbm>> -> memref<20480x32xbf16, #tpu.memory_space<hbm>>
    tpu.enqueue_indirect_dma source(%dma_start3A_67 : memref<20480x32xbf16, #tpu.memory_space<hbm>>) target(%arg13 : memref<128x32xbf16, #tpu.memory_space<vmem>>) offsets(%dma_start3A_64 : memref<128xi32, #tpu.memory_space<vmem>>) semaphore(%arg25 : memref<!tpu.dma_semaphore, #tpu.memory_space<semaphore_mem>>)
    %scan3A_68 = arith.constant 0 : i32
    %scan3A_69 = arith.constant 0 : i32
    %scan3A_70 = arith.constant 32 : i32
    %scan3A_71 = arith.addi %scan3A_69, %scan3A_70 : i32
    %scan3A_72 = arith.constant 1 : i32
    %scan3A_73 = scf.for %scan3A_130 = %scan3A_69 to %scan3A_71 step %scan3A_72 iter_args(%scan3A_131 = %scan3A_68) -> (i32)  : i32 {
      %mul3A_132 = arith.constant 5 : i32
      %mul3A_133 = arith.muli %scan3A_130, %mul3A_132 : i32
      %add3A_134 = arith.constant 0 : i32
      %add3A_135 = arith.addi %mul3A_133, %add3A_134 : i32
      %dma_wait3A_136 = arith.constant 0 : i32
      %dma_wait3A_137 = tpu.memref_slice %arg7[%add3A_135, %dma_wait3A_136] : memref<160x128xi32, #tpu.memory_space<vmem>> -> memref<1x128xi32, #tpu.memory_space<vmem>>
      %dma_wait3A_138 = tpu.memref_squeeze %dma_wait3A_137 : memref<1x128xi32, #tpu.memory_space<vmem>> -> memref<128xi32, #tpu.memory_space<vmem>>
      %dma_wait3A_139 = arith.constant 0 : i32
      %dma_wait3A_140 = arith.constant 0 : i32
      %dma_wait3A_141 = tpu.memref_slice %arg5[%dma_wait3A_139, %dma_wait3A_140] : memref<20480x32xbf16, #tpu.memory_space<hbm>> -> memref<20480x32xbf16, #tpu.memory_space<hbm>>
      tpu.wait_indirect_dma semaphore(%arg22 : memref<!tpu.dma_semaphore, #tpu.memory_space<semaphore_mem>>) src(%dma_wait3A_141 : memref<20480x32xbf16, #tpu.memory_space<hbm>>) dst(%arg10 : memref<128x32xbf16, #tpu.memory_space<vmem>>)
      %broadcast_in_dim3A_142 = vector.broadcast %add3A_135 : i32 to vector<16xi32>
      %scan3A_143 = arith.constant 0 : i32
      %scan3A_144 = arith.constant 0 : i32
      %scan3A_145 = arith.constant 32 : i32
      %scan3A_146 = arith.addi %scan3A_144, %scan3A_145 : i32
      %scan3A_147 = arith.constant 1 : i32
      %scan3A_148 = scf.for %scan3A_343 = %scan3A_144 to %scan3A_146 step %scan3A_147 iter_args(%scan3A_344 = %scan3A_143) -> (i32)  : i32 {
        %mul3A_345 = arith.constant 4 : i32
        %mul3A_346 = arith.muli %scan3A_343, %mul3A_345 : i32
        %add3A_347 = arith.constant 0 : i32
        %add3A_348 = arith.addi %mul3A_346, %add3A_347 : i32
        %broadcast_in_dim3A_349 = vector.broadcast %add3A_348 : i32 to vector<16xi32>
        %gather3A = tpu.vector_load_idx %arg9[%broadcast_in_dim3A_142, %broadcast_in_dim3A_349] : memref<160x128xf32, #tpu.memory_space<vmem>>[vector<16xi32>, vector<16xi32>], vector<16xf32>,
        %get3A = arith.index_cast %add3A_348 : i32 to index
        %get3A_350 = arith.constant 0 : index
        %get3A_351 = tpu.vector_load %arg10[%get3A, %get3A_350] {strides = array<i32>} : memref<128x32xbf16, #tpu.memory_space<vmem>>, vector<32xbf16>,
        %unpack3A = tpu.unpack_subelements %get3A_351, 0 {pack_format = #tpu.pack_format<interleaved>} : vector<32xbf16> -> vector<16xf32>
        %unpack3A_352 = tpu.unpack_subelements %get3A_351, 1 {pack_format = #tpu.pack_format<interleaved>} : vector<32xbf16> -> vector<16xf32>
        %mul3A_353 = arith.mulf %unpack3A, %gather3A : vector<16xf32>
        %swap3A = arith.index_cast %add3A_348 : i32 to index
        %swap3A_354 = arith.constant 0 : index
        %swap3A_355 = tpu.vector_load %arg15[%swap3A, %swap3A_354] {strides = array<i32>} : memref<128x32xf32, #tpu.memory_space<vmem>>, vector<16xf32>,
        tpu.vector_store %arg15[%swap3A, %swap3A_354], %mul3A_353 {strides = array<i32>} : memref<128x32xf32, #tpu.memory_space<vmem>>, vector<16xf32>,
        %mul3A_356 = arith.mulf %unpack3A_352, %gather3A : vector<16xf32>
        %swap3A_357 = arith.index_cast %add3A_348 : i32 to index
        %swap3A_358 = arith.constant 16 : index
        %swap3A_359 = tpu.vector_load %arg15[%swap3A_357, %swap3A_358] {strides = array<i32>} : memref<128x32xf32, #tpu.memory_space<vmem>>, vector<16xf32>,
        tpu.vector_store %arg15[%swap3A_357, %swap3A_358], %mul3A_356 {strides = array<i32>} : memref<128x32xf32, #tpu.memory_space<vmem>>, vector<16xf32>,
        %mul3A_360 = arith.constant 4 : i32
        %mul3A_361 = arith.muli %scan3A_343, %mul3A_360 : i32
        %add3A_362 = arith.constant 1 : i32
        %add3A_363 = arith.addi %mul3A_361, %add3A_362 : i32
        %broadcast_in_dim3A_364 = vector.broadcast %add3A_363 : i32 to vector<16xi32>
        %gather3A_365 = tpu.vector_load_idx %arg9[%broadcast_in_dim3A_142, %broadcast_in_dim3A_364] : memref<160x128xf32, #tpu.memory_space<vmem>>[vector<16xi32>, vector<16xi32>], vector<16xf32>,
        %get3A_366 = arith.index_cast %add3A_363 : i32 to index
        %get3A_367 = arith.constant 0 : index
        %get3A_368 = tpu.vector_load %arg10[%get3A_366, %get3A_367] {strides = array<i32>} : memref<128x32xbf16, #tpu.memory_space<vmem>>, vector<32xbf16>,
        %unpack3A_369 = tpu.unpack_subelements %get3A_368, 0 {pack_format = #tpu.pack_format<interleaved>} : vector<32xbf16> -> vector<16xf32>
        %unpack3A_370 = tpu.unpack_subelements %get3A_368, 1 {pack_format = #tpu.pack_format<interleaved>} : vector<32xbf16> -> vector<16xf32>
        %mul3A_371 = arith.mulf %unpack3A_369, %gather3A_365 : vector<16xf32>
        %swap3A_372 = arith.index_cast %add3A_363 : i32 to index
        %swap3A_373 = arith.constant 0 : index
        %swap3A_374 = tpu.vector_load %arg15[%swap3A_372, %swap3A_373] {strides = array<i32>} : memref<128x32xf32, #tpu.memory_space<vmem>>, vector<16xf32>,
        tpu.vector_store %arg15[%swap3A_372, %swap3A_373], %mul3A_371 {strides = array<i32>} : memref<128x32xf32, #tpu.memory_space<vmem>>, vector<16xf32>,
        %mul3A_375 = arith.mulf %unpack3A_370, %gather3A_365 : vector<16xf32>
        %swap3A_376 = arith.index_cast %add3A_363 : i32 to index
        %swap3A_377 = arith.constant 16 : index
        %swap3A_378 = tpu.vector_load %arg15[%swap3A_376, %swap3A_377] {strides = array<i32>} : memref<128x32xf32, #tpu.memory_space<vmem>>, vector<16xf32>,
        tpu.vector_store %arg15[%swap3A_376, %swap3A_377], %mul3A_375 {strides = array<i32>} : memref<128x32xf32, #tpu.memory_space<vmem>>, vector<16xf32>,
        %mul3A_379 = arith.constant 4 : i32
        %mul3A_380 = arith.muli %scan3A_343, %mul3A_379 : i32
        %add3A_381 = arith.constant 2 : i32
        %add3A_382 = arith.addi %mul3A_380, %add3A_381 : i32
        %broadcast_in_dim3A_383 = vector.broadcast %add3A_382 : i32 to vector<16xi32>
        %gather3A_384 = tpu.vector_load_idx %arg9[%broadcast_in_dim3A_142, %broadcast_in_dim3A_383] : memref<160x128xf32, #tpu.memory_space<vmem>>[vector<16xi32>, vector<16xi32>], vector<16xf32>,
        %get3A_385 = arith.index_cast %add3A_382 : i32 to index
        %get3A_386 = arith.constant 0 : index
        %get3A_387 = tpu.vector_load %arg10[%get3A_385, %get3A_386] {strides = array<i32>} : memref<128x32xbf16, #tpu.memory_space<vmem>>, vector<32xbf16>,
        %unpack3A_388 = tpu.unpack_subelements %get3A_387, 0 {pack_format = #tpu.pack_format<interleaved>} : vector<32xbf16> -> vector<16xf32>
        %unpack3A_389 = tpu.unpack_subelements %get3A_387, 1 {pack_format = #tpu.pack_format<interleaved>} : vector<32xbf16> -> vector<16xf32>
        %mul3A_390 = arith.mulf %unpack3A_388, %gather3A_384 : vector<16xf32>
        %swap3A_391 = arith.index_cast %add3A_382 : i32 to index
        %swap3A_392 = arith.constant 0 : index
        %swap3A_393 = tpu.vector_load %arg15[%swap3A_391, %swap3A_392] {strides = array<i32>} : memref<128x32xf32, #tpu.memory_space<vmem>>, vector<16xf32>,
        tpu.vector_store %arg15[%swap3A_391, %swap3A_392], %mul3A_390 {strides = array<i32>} : memref<128x32xf32, #tpu.memory_space<vmem>>, vector<16xf32>,
        %mul3A_394 = arith.mulf %unpack3A_389, %gather3A_384 : vector<16xf32>
        %swap3A_395 = arith.index_cast %add3A_382 : i32 to index
        %swap3A_396 = arith.constant 16 : index
        %swap3A_397 = tpu.vector_load %arg15[%swap3A_395, %swap3A_396] {strides = array<i32>} : memref<128x32xf32, #tpu.memory_space<vmem>>, vector<16xf32>,
        tpu.vector_store %arg15[%swap3A_395, %swap3A_396], %mul3A_394 {strides = array<i32>} : memref<128x32xf32, #tpu.memory_space<vmem>>, vector<16xf32>,
        %mul3A_398 = arith.constant 4 : i32
        %mul3A_399 = arith.muli %scan3A_343, %mul3A_398 : i32
        %add3A_400 = arith.constant 3 : i32
        %add3A_401 = arith.addi %mul3A_399, %add3A_400 : i32
        %broadcast_in_dim3A_402 = vector.broadcast %add3A_401 : i32 to vector<16xi32>
        %gather3A_403 = tpu.vector_load_idx %arg9[%broadcast_in_dim3A_142, %broadcast_in_dim3A_402] : memref<160x128xf32, #tpu.memory_space<vmem>>[vector<16xi32>, vector<16xi32>], vector<16xf32>,
        %get3A_404 = arith.index_cast %add3A_401 : i32 to index
        %get3A_405 = arith.constant 0 : index
        %get3A_406 = tpu.vector_load %arg10[%get3A_404, %get3A_405] {strides = array<i32>} : memref<128x32xbf16, #tpu.memory_space<vmem>>, vector<32xbf16>,
        %unpack3A_407 = tpu.unpack_subelements %get3A_406, 0 {pack_format = #tpu.pack_format<interleaved>} : vector<32xbf16> -> vector<16xf32>
        %unpack3A_408 = tpu.unpack_subelements %get3A_406, 1 {pack_format = #tpu.pack_format<interleaved>} : vector<32xbf16> -> vector<16xf32>
        %mul3A_409 = arith.mulf %unpack3A_407, %gather3A_403 : vector<16xf32>
        %swap3A_410 = arith.index_cast %add3A_401 : i32 to index
        %swap3A_411 = arith.constant 0 : index
        %swap3A_412 = tpu.vector_load %arg15[%swap3A_410, %swap3A_411] {strides = array<i32>} : memref<128x32xf32, #tpu.memory_space<vmem>>, vector<16xf32>,
        tpu.vector_store %arg15[%swap3A_410, %swap3A_411], %mul3A_409 {strides = array<i32>} : memref<128x32xf32, #tpu.memory_space<vmem>>, vector<16xf32>,
        %mul3A_413 = arith.mulf %unpack3A_408, %gather3A_403 : vector<16xf32>
        %swap3A_414 = arith.index_cast %add3A_401 : i32 to index
        %swap3A_415 = arith.constant 16 : index
        %swap3A_416 = tpu.vector_load %arg15[%swap3A_414, %swap3A_415] {strides = array<i32>} : memref<128x32xf32, #tpu.memory_space<vmem>>, vector<16xf32>,
        tpu.vector_store %arg15[%swap3A_414, %swap3A_415], %mul3A_413 {strides = array<i32>} : memref<128x32xf32, #tpu.memory_space<vmem>>, vector<16xf32>,
        %scan3A_417 = arith.constant 0 : i32
        scf.yield %scan3A_417 : i32
      }
      %scan3A_149 = arith.constant 32 : i32
      %dma_start3A_150 = arith.constant 0 : i32
      %dma_start3A_151 = tpu.memref_slice %arg8[%add3A_135, %dma_start3A_150] : memref<160x128xi32, #tpu.memory_space<vmem>> -> memref<1x128xi32, #tpu.memory_space<vmem>>
      %dma_start3A_152 = tpu.memref_squeeze %dma_start3A_151 : memref<1x128xi32, #tpu.memory_space<vmem>> -> memref<128xi32, #tpu.memory_space<vmem>>
      %dma_start3A_153 = arith.constant 0 : i32
      %dma_start3A_154 = arith.constant 0 : i32
      %dma_start3A_155 = tpu.memref_slice %arg21[%dma_start3A_153, %dma_start3A_154] : memref<10240x32xf32, #tpu.memory_space<vmem_shared>> -> memref<10240x32xf32, #tpu.memory_space<vmem_shared>>
      tpu.enqueue_indirect_dma source(%arg15 : memref<128x32xf32, #tpu.memory_space<vmem>>) target(%dma_start3A_155 : memref<10240x32xf32, #tpu.memory_space<vmem_shared>>) offsets(%dma_start3A_152 : memref<128xi32, #tpu.memory_space<vmem>>) semaphore(%arg22 : memref<!tpu.dma_semaphore, #tpu.memory_space<semaphore_mem>>) {add = true}
      %add3A_156 = arith.constant 4 : i32
      %add3A_157 = arith.addi %add3A_135, %add3A_156 : i32
      %lt3A = arith.constant 160 : i32
      %lt3A_158 = arith.cmpi slt, %add3A_157, %lt3A : i32
      %add3A_159 = arith.constant 4 : i32
      %add3A_160 = arith.addi %add3A_135, %add3A_159 : i32
      %ge3A = arith.constant 5 : i32
      %ge3A_161 = arith.cmpi sge, %add3A_160, %ge3A : i32
      %and3A = arith.andi %lt3A_158, %ge3A_161 : i1
      %convert_element_type3A = arith.extui %and3A : i1 to i32
      %cond3A = arith.constant 0 : i32
      %cond3A_162 = arith.cmpi ne, %convert_element_type3A, %cond3A : i32
      scf.if %cond3A_162 {
        %add3A_343 = arith.constant 4 : i32
        %add3A_344 = arith.addi %add3A_135, %add3A_343 : i32
        %sub3A = arith.constant 5 : i32
        %sub3A_345 = arith.subi %add3A_344, %sub3A : i32
        %dma_wait3A_346 = arith.constant 0 : i32
        %dma_wait3A_347 = tpu.memref_slice %arg8[%sub3A_345, %dma_wait3A_346] : memref<160x128xi32, #tpu.memory_space<vmem>> -> memref<1x128xi32, #tpu.memory_space<vmem>>
        %dma_wait3A_348 = tpu.memref_squeeze %dma_wait3A_347 : memref<1x128xi32, #tpu.memory_space<vmem>> -> memref<128xi32, #tpu.memory_space<vmem>>
        %dma_wait3A_349 = arith.constant 0 : i32
        %dma_wait3A_350 = arith.constant 0 : i32
        %dma_wait3A_351 = tpu.memref_slice %arg21[%dma_wait3A_349, %dma_wait3A_350] : memref<10240x32xf32, #tpu.memory_space<vmem_shared>> -> memref<10240x32xf32, #tpu.memory_space<vmem_shared>>
        tpu.wait_indirect_dma semaphore(%arg26 : memref<!tpu.dma_semaphore, #tpu.memory_space<semaphore_mem>>) src(%arg19 : memref<128x32xf32, #tpu.memory_space<vmem>>) dst(%dma_wait3A_351 : memref<10240x32xf32, #tpu.memory_space<vmem_shared>>)
      } else {
      }
      %add3A_163 = arith.constant 4 : i32
      %add3A_164 = arith.addi %add3A_135, %add3A_163 : i32
      %lt3A_165 = arith.constant 160 : i32
      %lt3A_166 = arith.cmpi slt, %add3A_164, %lt3A_165 : i32
      %convert_element_type3A_167 = arith.extui %lt3A_166 : i1 to i32
      %cond3A_168 = arith.constant 0 : i32
      %cond3A_169 = arith.cmpi ne, %convert_element_type3A_167, %cond3A_168 : i32
      scf.if %cond3A_169 {
        %add3A_343 = arith.constant 4 : i32
        %add3A_344 = arith.addi %add3A_135, %add3A_343 : i32
        %dma_start3A_345 = arith.constant 0 : i32
        %dma_start3A_346 = tpu.memref_slice %arg7[%add3A_344, %dma_start3A_345] : memref<160x128xi32, #tpu.memory_space<vmem>> -> memref<1x128xi32, #tpu.memory_space<vmem>>
        %dma_start3A_347 = tpu.memref_squeeze %dma_start3A_346 : memref<1x128xi32, #tpu.memory_space<vmem>> -> memref<128xi32, #tpu.memory_space<vmem>>
        %dma_start3A_348 = arith.constant 0 : i32
        %dma_start3A_349 = arith.constant 0 : i32
        %dma_start3A_350 = tpu.memref_slice %arg5[%dma_start3A_348, %dma_start3A_349] : memref<20480x32xbf16, #tpu.memory_space<hbm>> -> memref<20480x32xbf16, #tpu.memory_space<hbm>>
        tpu.enqueue_indirect_dma source(%dma_start3A_350 : memref<20480x32xbf16, #tpu.memory_space<hbm>>) target(%arg14 : memref<128x32xbf16, #tpu.memory_space<vmem>>) offsets(%dma_start3A_347 : memref<128xi32, #tpu.memory_space<vmem>>) semaphore(%arg26 : memref<!tpu.dma_semaphore, #tpu.memory_space<semaphore_mem>>)
      } else {
      }
      %mul3A_170 = arith.constant 5 : i32
      %mul3A_171 = arith.muli %scan3A_130, %mul3A_170 : i32
      %add3A_172 = arith.constant 1 : i32
      %add3A_173 = arith.addi %mul3A_171, %add3A_172 : i32
      %dma_wait3A_174 = arith.constant 0 : i32
      %dma_wait3A_175 = tpu.memref_slice %arg7[%add3A_173, %dma_wait3A_174] : memref<160x128xi32, #tpu.memory_space<vmem>> -> memref<1x128xi32, #tpu.memory_space<vmem>>
      %dma_wait3A_176 = tpu.memref_squeeze %dma_wait3A_175 : memref<1x128xi32, #tpu.memory_space<vmem>> -> memref<128xi32, #tpu.memory_space<vmem>>
      %dma_wait3A_177 = arith.constant 0 : i32
      %dma_wait3A_178 = arith.constant 0 : i32
      %dma_wait3A_179 = tpu.memref_slice %arg5[%dma_wait3A_177, %dma_wait3A_178] : memref<20480x32xbf16, #tpu.memory_space<hbm>> -> memref<20480x32xbf16, #tpu.memory_space<hbm>>
      tpu.wait_indirect_dma semaphore(%arg23 : memref<!tpu.dma_semaphore, #tpu.memory_space<semaphore_mem>>) src(%dma_wait3A_179 : memref<20480x32xbf16, #tpu.memory_space<hbm>>) dst(%arg11 : memref<128x32xbf16, #tpu.memory_space<vmem>>)
      %broadcast_in_dim3A_180 = vector.broadcast %add3A_173 : i32 to vector<16xi32>
      %scan3A_181 = arith.constant 0 : i32
      %scan3A_182 = arith.constant 0 : i32
      %scan3A_183 = arith.constant 32 : i32
      %scan3A_184 = arith.addi %scan3A_182, %scan3A_183 : i32
      %scan3A_185 = arith.constant 1 : i32
      %scan3A_186 = scf.for %scan3A_343 = %scan3A_182 to %scan3A_184 step %scan3A_185 iter_args(%scan3A_344 = %scan3A_181) -> (i32)  : i32 {
        %mul3A_345 = arith.constant 4 : i32
        %mul3A_346 = arith.muli %scan3A_343, %mul3A_345 : i32
        %add3A_347 = arith.constant 0 : i32
        %add3A_348 = arith.addi %mul3A_346, %add3A_347 : i32
        %broadcast_in_dim3A_349 = vector.broadcast %add3A_348 : i32 to vector<16xi32>
        %gather3A = tpu.vector_load_idx %arg9[%broadcast_in_dim3A_180, %broadcast_in_dim3A_349] : memref<160x128xf32, #tpu.memory_space<vmem>>[vector<16xi32>, vector<16xi32>], vector<16xf32>,
        %get3A = arith.index_cast %add3A_348 : i32 to index
        %get3A_350 = arith.constant 0 : index
        %get3A_351 = tpu.vector_load %arg11[%get3A, %get3A_350] {strides = array<i32>} : memref<128x32xbf16, #tpu.memory_space<vmem>>, vector<32xbf16>,
        %unpack3A = tpu.unpack_subelements %get3A_351, 0 {pack_format = #tpu.pack_format<interleaved>} : vector<32xbf16> -> vector<16xf32>
        %unpack3A_352 = tpu.unpack_subelements %get3A_351, 1 {pack_format = #tpu.pack_format<interleaved>} : vector<32xbf16> -> vector<16xf32>
        %mul3A_353 = arith.mulf %unpack3A, %gather3A : vector<16xf32>
        %swap3A = arith.index_cast %add3A_348 : i32 to index
        %swap3A_354 = arith.constant 0 : index
        %swap3A_355 = tpu.vector_load %arg16[%swap3A, %swap3A_354] {strides = array<i32>} : memref<128x32xf32, #tpu.memory_space<vmem>>, vector<16xf32>,
        tpu.vector_store %arg16[%swap3A, %swap3A_354], %mul3A_353 {strides = array<i32>} : memref<128x32xf32, #tpu.memory_space<vmem>>, vector<16xf32>,
        %mul3A_356 = arith.mulf %unpack3A_352, %gather3A : vector<16xf32>
        %swap3A_357 = arith.index_cast %add3A_348 : i32 to index
        %swap3A_358 = arith.constant 16 : index
        %swap3A_359 = tpu.vector_load %arg16[%swap3A_357, %swap3A_358] {strides = array<i32>} : memref<128x32xf32, #tpu.memory_space<vmem>>, vector<16xf32>,
        tpu.vector_store %arg16[%swap3A_357, %swap3A_358], %mul3A_356 {strides = array<i32>} : memref<128x32xf32, #tpu.memory_space<vmem>>, vector<16xf32>,
        %mul3A_360 = arith.constant 4 : i32
        %mul3A_361 = arith.muli %scan3A_343, %mul3A_360 : i32
        %add3A_362 = arith.constant 1 : i32
        %add3A_363 = arith.addi %mul3A_361, %add3A_362 : i32
        %broadcast_in_dim3A_364 = vector.broadcast %add3A_363 : i32 to vector<16xi32>
        %gather3A_365 = tpu.vector_load_idx %arg9[%broadcast_in_dim3A_180, %broadcast_in_dim3A_364] : memref<160x128xf32, #tpu.memory_space<vmem>>[vector<16xi32>, vector<16xi32>], vector<16xf32>,
        %get3A_366 = arith.index_cast %add3A_363 : i32 to index
        %get3A_367 = arith.constant 0 : index
        %get3A_368 = tpu.vector_load %arg11[%get3A_366, %get3A_367] {strides = array<i32>} : memref<128x32xbf16, #tpu.memory_space<vmem>>, vector<32xbf16>,
        %unpack3A_369 = tpu.unpack_subelements %get3A_368, 0 {pack_format = #tpu.pack_format<interleaved>} : vector<32xbf16> -> vector<16xf32>
        %unpack3A_370 = tpu.unpack_subelements %get3A_368, 1 {pack_format = #tpu.pack_format<interleaved>} : vector<32xbf16> -> vector<16xf32>
        %mul3A_371 = arith.mulf %unpack3A_369, %gather3A_365 : vector<16xf32>
        %swap3A_372 = arith.index_cast %add3A_363 : i32 to index
        %swap3A_373 = arith.constant 0 : index
        %swap3A_374 = tpu.vector_load %arg16[%swap3A_372, %swap3A_373] {strides = array<i32>} : memref<128x32xf32, #tpu.memory_space<vmem>>, vector<16xf32>,
        tpu.vector_store %arg16[%swap3A_372, %swap3A_373], %mul3A_371 {strides = array<i32>} : memref<128x32xf32, #tpu.memory_space<vmem>>, vector<16xf32>,
        %mul3A_375 = arith.mulf %unpack3A_370, %gather3A_365 : vector<16xf32>
        %swap3A_376 = arith.index_cast %add3A_363 : i32 to index
        %swap3A_377 = arith.constant 16 : index
        %swap3A_378 = tpu.vector_load %arg16[%swap3A_376, %swap3A_377] {strides = array<i32>} : memref<128x32xf32, #tpu.memory_space<vmem>>, vector<16xf32>,
        tpu.vector_store %arg16[%swap3A_376, %swap3A_377], %mul3A_375 {strides = array<i32>} : memref<128x32xf32, #tpu.memory_space<vmem>>, vector<16xf32>,
        %mul3A_379 = arith.constant 4 : i32
        %mul3A_380 = arith.muli %scan3A_343, %mul3A_379 : i32
        %add3A_381 = arith.constant 2 : i32
        %add3A_382 = arith.addi %mul3A_380, %add3A_381 : i32
        %broadcast_in_dim3A_383 = vector.broadcast %add3A_382 : i32 to vector<16xi32>
        %gather3A_384 = tpu.vector_load_idx %arg9[%broadcast_in_dim3A_180, %broadcast_in_dim3A_383] : memref<160x128xf32, #tpu.memory_space<vmem>>[vector<16xi32>, vector<16xi32>], vector<16xf32>,
        %get3A_385 = arith.index_cast %add3A_382 : i32 to index
        %get3A_386 = arith.constant 0 : index
        %get3A_387 = tpu.vector_load %arg11[%get3A_385, %get3A_386] {strides = array<i32>} : memref<128x32xbf16, #tpu.memory_space<vmem>>, vector<32xbf16>,
        %unpack3A_388 = tpu.unpack_subelements %get3A_387, 0 {pack_format = #tpu.pack_format<interleaved>} : vector<32xbf16> -> vector<16xf32>
        %unpack3A_389 = tpu.unpack_subelements %get3A_387, 1 {pack_format = #tpu.pack_format<interleaved>} : vector<32xbf16> -> vector<16xf32>
        %mul3A_390 = arith.mulf %unpack3A_388, %gather3A_384 : vector<16xf32>
        %swap3A_391 = arith.index_cast %add3A_382 : i32 to index
        %swap3A_392 = arith.constant 0 : index
        %swap3A_393 = tpu.vector_load %arg16[%swap3A_391, %swap3A_392] {strides = array<i32>} : memref<128x32xf32, #tpu.memory_space<vmem>>, vector<16xf32>,
        tpu.vector_store %arg16[%swap3A_391, %swap3A_392], %mul3A_390 {strides = array<i32>} : memref<128x32xf32, #tpu.memory_space<vmem>>, vector<16xf32>,
        %mul3A_394 = arith.mulf %unpack3A_389, %gather3A_384 : vector<16xf32>
        %swap3A_395 = arith.index_cast %add3A_382 : i32 to index
        %swap3A_396 = arith.constant 16 : index
        %swap3A_397 = tpu.vector_load %arg16[%swap3A_395, %swap3A_396] {strides = array<i32>} : memref<128x32xf32, #tpu.memory_space<vmem>>, vector<16xf32>,
        tpu.vector_store %arg16[%swap3A_395, %swap3A_396], %mul3A_394 {strides = array<i32>} : memref<128x32xf32, #tpu.memory_space<vmem>>, vector<16xf32>,
        %mul3A_398 = arith.constant 4 : i32
        %mul3A_399 = arith.muli %scan3A_343, %mul3A_398 : i32
        %add3A_400 = arith.constant 3 : i32
        %add3A_401 = arith.addi %mul3A_399, %add3A_400 : i32
        %broadcast_in_dim3A_402 = vector.broadcast %add3A_401 : i32 to vector<16xi32>
        %gather3A_403 = tpu.vector_load_idx %arg9[%broadcast_in_dim3A_180, %broadcast_in_dim3A_402] : memref<160x128xf32, #tpu.memory_space<vmem>>[vector<16xi32>, vector<16xi32>], vector<16xf32>,
        %get3A_404 = arith.index_cast %add3A_401 : i32 to index
        %get3A_405 = arith.constant 0 : index
        %get3A_406 = tpu.vector_load %arg11[%get3A_404, %get3A_405] {strides = array<i32>} : memref<128x32xbf16, #tpu.memory_space<vmem>>, vector<32xbf16>,
        %unpack3A_407 = tpu.unpack_subelements %get3A_406, 0 {pack_format = #tpu.pack_format<interleaved>} : vector<32xbf16> -> vector<16xf32>
        %unpack3A_408 = tpu.unpack_subelements %get3A_406, 1 {pack_format = #tpu.pack_format<interleaved>} : vector<32xbf16> -> vector<16xf32>
        %mul3A_409 = arith.mulf %unpack3A_407, %gather3A_403 : vector<16xf32>
        %swap3A_410 = arith.index_cast %add3A_401 : i32 to index
        %swap3A_411 = arith.constant 0 : index
        %swap3A_412 = tpu.vector_load %arg16[%swap3A_410, %swap3A_411] {strides = array<i32>} : memref<128x32xf32, #tpu.memory_space<vmem>>, vector<16xf32>,
        tpu.vector_store %arg16[%swap3A_410, %swap3A_411], %mul3A_409 {strides = array<i32>} : memref<128x32xf32, #tpu.memory_space<vmem>>, vector<16xf32>,
        %mul3A_413 = arith.mulf %unpack3A_408, %gather3A_403 : vector<16xf32>
        %swap3A_414 = arith.index_cast %add3A_401 : i32 to index
        %swap3A_415 = arith.constant 16 : index
        %swap3A_416 = tpu.vector_load %arg16[%swap3A_414, %swap3A_415] {strides = array<i32>} : memref<128x32xf32, #tpu.memory_space<vmem>>, vector<16xf32>,
        tpu.vector_store %arg16[%swap3A_414, %swap3A_415], %mul3A_413 {strides = array<i32>} : memref<128x32xf32, #tpu.memory_space<vmem>>, vector<16xf32>,
        %scan3A_417 = arith.constant 0 : i32
        scf.yield %scan3A_417 : i32
      }
      %scan3A_187 = arith.constant 32 : i32
      %dma_start3A_188 = arith.constant 0 : i32
      %dma_start3A_189 = tpu.memref_slice %arg8[%add3A_173, %dma_start3A_188] : memref<160x128xi32, #tpu.memory_space<vmem>> -> memref<1x128xi32, #tpu.memory_space<vmem>>
      %dma_start3A_190 = tpu.memref_squeeze %dma_start3A_189 : memref<1x128xi32, #tpu.memory_space<vmem>> -> memref<128xi32, #tpu.memory_space<vmem>>
      %dma_start3A_191 = arith.constant 0 : i32
      %dma_start3A_192 = arith.constant 0 : i32
      %dma_start3A_193 = tpu.memref_slice %arg21[%dma_start3A_191, %dma_start3A_192] : memref<10240x32xf32, #tpu.memory_space<vmem_shared>> -> memref<10240x32xf32, #tpu.memory_space<vmem_shared>>
      tpu.enqueue_indirect_dma source(%arg16 : memref<128x32xf32, #tpu.memory_space<vmem>>) target(%dma_start3A_193 : memref<10240x32xf32, #tpu.memory_space<vmem_shared>>) offsets(%dma_start3A_190 : memref<128xi32, #tpu.memory_space<vmem>>) semaphore(%arg23 : memref<!tpu.dma_semaphore, #tpu.memory_space<semaphore_mem>>) {add = true}
      %add3A_194 = arith.constant 4 : i32
      %add3A_195 = arith.addi %add3A_173, %add3A_194 : i32
      %lt3A_196 = arith.constant 160 : i32
      %lt3A_197 = arith.cmpi slt, %add3A_195, %lt3A_196 : i32
      %add3A_198 = arith.constant 4 : i32
      %add3A_199 = arith.addi %add3A_173, %add3A_198 : i32
      %ge3A_200 = arith.constant 5 : i32
      %ge3A_201 = arith.cmpi sge, %add3A_199, %ge3A_200 : i32
      %and3A_202 = arith.andi %lt3A_197, %ge3A_201 : i1
      %convert_element_type3A_203 = arith.extui %and3A_202 : i1 to i32
      %cond3A_204 = arith.constant 0 : i32
      %cond3A_205 = arith.cmpi ne, %convert_element_type3A_203, %cond3A_204 : i32
      scf.if %cond3A_205 {
        %add3A_343 = arith.constant 4 : i32
        %add3A_344 = arith.addi %add3A_173, %add3A_343 : i32
        %sub3A = arith.constant 5 : i32
        %sub3A_345 = arith.subi %add3A_344, %sub3A : i32
        %dma_wait3A_346 = arith.constant 0 : i32
        %dma_wait3A_347 = tpu.memref_slice %arg8[%sub3A_345, %dma_wait3A_346] : memref<160x128xi32, #tpu.memory_space<vmem>> -> memref<1x128xi32, #tpu.memory_space<vmem>>
        %dma_wait3A_348 = tpu.memref_squeeze %dma_wait3A_347 : memref<1x128xi32, #tpu.memory_space<vmem>> -> memref<128xi32, #tpu.memory_space<vmem>>
        %dma_wait3A_349 = arith.constant 0 : i32
        %dma_wait3A_350 = arith.constant 0 : i32
        %dma_wait3A_351 = tpu.memref_slice %arg21[%dma_wait3A_349, %dma_wait3A_350] : memref<10240x32xf32, #tpu.memory_space<vmem_shared>> -> memref<10240x32xf32, #tpu.memory_space<vmem_shared>>
        tpu.wait_indirect_dma semaphore(%arg22 : memref<!tpu.dma_semaphore, #tpu.memory_space<semaphore_mem>>) src(%arg15 : memref<128x32xf32, #tpu.memory_space<vmem>>) dst(%dma_wait3A_351 : memref<10240x32xf32, #tpu.memory_space<vmem_shared>>)
      } else {
      }
      %add3A_206 = arith.constant 4 : i32
      %add3A_207 = arith.addi %add3A_173, %add3A_206 : i32
      %lt3A_208 = arith.constant 160 : i32
      %lt3A_209 = arith.cmpi slt, %add3A_207, %lt3A_208 : i32
      %convert_element_type3A_210 = arith.extui %lt3A_209 : i1 to i32
      %cond3A_211 = arith.constant 0 : i32
      %cond3A_212 = arith.cmpi ne, %convert_element_type3A_210, %cond3A_211 : i32
      scf.if %cond3A_212 {
        %add3A_343 = arith.constant 4 : i32
        %add3A_344 = arith.addi %add3A_173, %add3A_343 : i32
        %dma_start3A_345 = arith.constant 0 : i32
        %dma_start3A_346 = tpu.memref_slice %arg7[%add3A_344, %dma_start3A_345] : memref<160x128xi32, #tpu.memory_space<vmem>> -> memref<1x128xi32, #tpu.memory_space<vmem>>
        %dma_start3A_347 = tpu.memref_squeeze %dma_start3A_346 : memref<1x128xi32, #tpu.memory_space<vmem>> -> memref<128xi32, #tpu.memory_space<vmem>>
        %dma_start3A_348 = arith.constant 0 : i32
        %dma_start3A_349 = arith.constant 0 : i32
        %dma_start3A_350 = tpu.memref_slice %arg5[%dma_start3A_348, %dma_start3A_349] : memref<20480x32xbf16, #tpu.memory_space<hbm>> -> memref<20480x32xbf16, #tpu.memory_space<hbm>>
        tpu.enqueue_indirect_dma source(%dma_start3A_350 : memref<20480x32xbf16, #tpu.memory_space<hbm>>) target(%arg10 : memref<128x32xbf16, #tpu.memory_space<vmem>>) offsets(%dma_start3A_347 : memref<128xi32, #tpu.memory_space<vmem>>) semaphore(%arg22 : memref<!tpu.dma_semaphore, #tpu.memory_space<semaphore_mem>>)
      } else {
      }
      %mul3A_213 = arith.constant 5 : i32
      %mul3A_214 = arith.muli %scan3A_130, %mul3A_213 : i32
      %add3A_215 = arith.constant 2 : i32
      %add3A_216 = arith.addi %mul3A_214, %add3A_215 : i32
      %dma_wait3A_217 = arith.constant 0 : i32
      %dma_wait3A_218 = tpu.memref_slice %arg7[%add3A_216, %dma_wait3A_217] : memref<160x128xi32, #tpu.memory_space<vmem>> -> memref<1x128xi32, #tpu.memory_space<vmem>>
      %dma_wait3A_219 = tpu.memref_squeeze %dma_wait3A_218 : memref<1x128xi32, #tpu.memory_space<vmem>> -> memref<128xi32, #tpu.memory_space<vmem>>
      %dma_wait3A_220 = arith.constant 0 : i32
      %dma_wait3A_221 = arith.constant 0 : i32
      %dma_wait3A_222 = tpu.memref_slice %arg5[%dma_wait3A_220, %dma_wait3A_221] : memref<20480x32xbf16, #tpu.memory_space<hbm>> -> memref<20480x32xbf16, #tpu.memory_space<hbm>>
      tpu.wait_indirect_dma semaphore(%arg24 : memref<!tpu.dma_semaphore, #tpu.memory_space<semaphore_mem>>) src(%dma_wait3A_222 : memref<20480x32xbf16, #tpu.memory_space<hbm>>) dst(%arg12 : memref<128x32xbf16, #tpu.memory_space<vmem>>)
      %broadcast_in_dim3A_223 = vector.broadcast %add3A_216 : i32 to vector<16xi32>
      %scan3A_224 = arith.constant 0 : i32
      %scan3A_225 = arith.constant 0 : i32
      %scan3A_226 = arith.constant 32 : i32
      %scan3A_227 = arith.addi %scan3A_225, %scan3A_226 : i32
      %scan3A_228 = arith.constant 1 : i32
      %scan3A_229 = scf.for %scan3A_343 = %scan3A_225 to %scan3A_227 step %scan3A_228 iter_args(%scan3A_344 = %scan3A_224) -> (i32)  : i32 {
        %mul3A_345 = arith.constant 4 : i32
        %mul3A_346 = arith.muli %scan3A_343, %mul3A_345 : i32
        %add3A_347 = arith.constant 0 : i32
        %add3A_348 = arith.addi %mul3A_346, %add3A_347 : i32
        %broadcast_in_dim3A_349 = vector.broadcast %add3A_348 : i32 to vector<16xi32>
        %gather3A = tpu.vector_load_idx %arg9[%broadcast_in_dim3A_223, %broadcast_in_dim3A_349] : memref<160x128xf32, #tpu.memory_space<vmem>>[vector<16xi32>, vector<16xi32>], vector<16xf32>,
        %get3A = arith.index_cast %add3A_348 : i32 to index
        %get3A_350 = arith.constant 0 : index
        %get3A_351 = tpu.vector_load %arg12[%get3A, %get3A_350] {strides = array<i32>} : memref<128x32xbf16, #tpu.memory_space<vmem>>, vector<32xbf16>,
        %unpack3A = tpu.unpack_subelements %get3A_351, 0 {pack_format = #tpu.pack_format<interleaved>} : vector<32xbf16> -> vector<16xf32>
        %unpack3A_352 = tpu.unpack_subelements %get3A_351, 1 {pack_format = #tpu.pack_format<interleaved>} : vector<32xbf16> -> vector<16xf32>
        %mul3A_353 = arith.mulf %unpack3A, %gather3A : vector<16xf32>
        %swap3A = arith.index_cast %add3A_348 : i32 to index
        %swap3A_354 = arith.constant 0 : index
        %swap3A_355 = tpu.vector_load %arg17[%swap3A, %swap3A_354] {strides = array<i32>} : memref<128x32xf32, #tpu.memory_space<vmem>>, vector<16xf32>,
        tpu.vector_store %arg17[%swap3A, %swap3A_354], %mul3A_353 {strides = array<i32>} : memref<128x32xf32, #tpu.memory_space<vmem>>, vector<16xf32>,
        %mul3A_356 = arith.mulf %unpack3A_352, %gather3A : vector<16xf32>
        %swap3A_357 = arith.index_cast %add3A_348 : i32 to index
        %swap3A_358 = arith.constant 16 : index
        %swap3A_359 = tpu.vector_load %arg17[%swap3A_357, %swap3A_358] {strides = array<i32>} : memref<128x32xf32, #tpu.memory_space<vmem>>, vector<16xf32>,
        tpu.vector_store %arg17[%swap3A_357, %swap3A_358], %mul3A_356 {strides = array<i32>} : memref<128x32xf32, #tpu.memory_space<vmem>>, vector<16xf32>,
        %mul3A_360 = arith.constant 4 : i32
        %mul3A_361 = arith.muli %scan3A_343, %mul3A_360 : i32
        %add3A_362 = arith.constant 1 : i32
        %add3A_363 = arith.addi %mul3A_361, %add3A_362 : i32
        %broadcast_in_dim3A_364 = vector.broadcast %add3A_363 : i32 to vector<16xi32>
        %gather3A_365 = tpu.vector_load_idx %arg9[%broadcast_in_dim3A_223, %broadcast_in_dim3A_364] : memref<160x128xf32, #tpu.memory_space<vmem>>[vector<16xi32>, vector<16xi32>], vector<16xf32>,
        %get3A_366 = arith.index_cast %add3A_363 : i32 to index
        %get3A_367 = arith.constant 0 : index
        %get3A_368 = tpu.vector_load %arg12[%get3A_366, %get3A_367] {strides = array<i32>} : memref<128x32xbf16, #tpu.memory_space<vmem>>, vector<32xbf16>,
        %unpack3A_369 = tpu.unpack_subelements %get3A_368, 0 {pack_format = #tpu.pack_format<interleaved>} : vector<32xbf16> -> vector<16xf32>
        %unpack3A_370 = tpu.unpack_subelements %get3A_368, 1 {pack_format = #tpu.pack_format<interleaved>} : vector<32xbf16> -> vector<16xf32>
        %mul3A_371 = arith.mulf %unpack3A_369, %gather3A_365 : vector<16xf32>
        %swap3A_372 = arith.index_cast %add3A_363 : i32 to index
        %swap3A_373 = arith.constant 0 : index
        %swap3A_374 = tpu.vector_load %arg17[%swap3A_372, %swap3A_373] {strides = array<i32>} : memref<128x32xf32, #tpu.memory_space<vmem>>, vector<16xf32>,
        tpu.vector_store %arg17[%swap3A_372, %swap3A_373], %mul3A_371 {strides = array<i32>} : memref<128x32xf32, #tpu.memory_space<vmem>>, vector<16xf32>,
        %mul3A_375 = arith.mulf %unpack3A_370, %gather3A_365 : vector<16xf32>
        %swap3A_376 = arith.index_cast %add3A_363 : i32 to index
        %swap3A_377 = arith.constant 16 : index
        %swap3A_378 = tpu.vector_load %arg17[%swap3A_376, %swap3A_377] {strides = array<i32>} : memref<128x32xf32, #tpu.memory_space<vmem>>, vector<16xf32>,
        tpu.vector_store %arg17[%swap3A_376, %swap3A_377], %mul3A_375 {strides = array<i32>} : memref<128x32xf32, #tpu.memory_space<vmem>>, vector<16xf32>,
        %mul3A_379 = arith.constant 4 : i32
        %mul3A_380 = arith.muli %scan3A_343, %mul3A_379 : i32
        %add3A_381 = arith.constant 2 : i32
        %add3A_382 = arith.addi %mul3A_380, %add3A_381 : i32
        %broadcast_in_dim3A_383 = vector.broadcast %add3A_382 : i32 to vector<16xi32>
        %gather3A_384 = tpu.vector_load_idx %arg9[%broadcast_in_dim3A_223, %broadcast_in_dim3A_383] : memref<160x128xf32, #tpu.memory_space<vmem>>[vector<16xi32>, vector<16xi32>], vector<16xf32>,
        %get3A_385 = arith.index_cast %add3A_382 : i32 to index
        %get3A_386 = arith.constant 0 : index
        %get3A_387 = tpu.vector_load %arg12[%get3A_385, %get3A_386] {strides = array<i32>} : memref<128x32xbf16, #tpu.memory_space<vmem>>, vector<32xbf16>,
        %unpack3A_388 = tpu.unpack_subelements %get3A_387, 0 {pack_format = #tpu.pack_format<interleaved>} : vector<32xbf16> -> vector<16xf32>
        %unpack3A_389 = tpu.unpack_subelements %get3A_387, 1 {pack_format = #tpu.pack_format<interleaved>} : vector<32xbf16> -> vector<16xf32>
        %mul3A_390 = arith.mulf %unpack3A_388, %gather3A_384 : vector<16xf32>
        %swap3A_391 = arith.index_cast %add3A_382 : i32 to index
        %swap3A_392 = arith.constant 0 : index
        %swap3A_393 = tpu.vector_load %arg17[%swap3A_391, %swap3A_392] {strides = array<i32>} : memref<128x32xf32, #tpu.memory_space<vmem>>, vector<16xf32>,
        tpu.vector_store %arg17[%swap3A_391, %swap3A_392], %mul3A_390 {strides = array<i32>} : memref<128x32xf32, #tpu.memory_space<vmem>>, vector<16xf32>,
        %mul3A_394 = arith.mulf %unpack3A_389, %gather3A_384 : vector<16xf32>
        %swap3A_395 = arith.index_cast %add3A_382 : i32 to index
        %swap3A_396 = arith.constant 16 : index
        %swap3A_397 = tpu.vector_load %arg17[%swap3A_395, %swap3A_396] {strides = array<i32>} : memref<128x32xf32, #tpu.memory_space<vmem>>, vector<16xf32>,
        tpu.vector_store %arg17[%swap3A_395, %swap3A_396], %mul3A_394 {strides = array<i32>} : memref<128x32xf32, #tpu.memory_space<vmem>>, vector<16xf32>,
        %mul3A_398 = arith.constant 4 : i32
        %mul3A_399 = arith.muli %scan3A_343, %mul3A_398 : i32
        %add3A_400 = arith.constant 3 : i32
        %add3A_401 = arith.addi %mul3A_399, %add3A_400 : i32
        %broadcast_in_dim3A_402 = vector.broadcast %add3A_401 : i32 to vector<16xi32>
        %gather3A_403 = tpu.vector_load_idx %arg9[%broadcast_in_dim3A_223, %broadcast_in_dim3A_402] : memref<160x128xf32, #tpu.memory_space<vmem>>[vector<16xi32>, vector<16xi32>], vector<16xf32>,
        %get3A_404 = arith.index_cast %add3A_401 : i32 to index
        %get3A_405 = arith.constant 0 : index
        %get3A_406 = tpu.vector_load %arg12[%get3A_404, %get3A_405] {strides = array<i32>} : memref<128x32xbf16, #tpu.memory_space<vmem>>, vector<32xbf16>,
        %unpack3A_407 = tpu.unpack_subelements %get3A_406, 0 {pack_format = #tpu.pack_format<interleaved>} : vector<32xbf16> -> vector<16xf32>
        %unpack3A_408 = tpu.unpack_subelements %get3A_406, 1 {pack_format = #tpu.pack_format<interleaved>} : vector<32xbf16> -> vector<16xf32>
        %mul3A_409 = arith.mulf %unpack3A_407, %gather3A_403 : vector<16xf32>
        %swap3A_410 = arith.index_cast %add3A_401 : i32 to index
        %swap3A_411 = arith.constant 0 : index
        %swap3A_412 = tpu.vector_load %arg17[%swap3A_410, %swap3A_411] {strides = array<i32>} : memref<128x32xf32, #tpu.memory_space<vmem>>, vector<16xf32>,
        tpu.vector_store %arg17[%swap3A_410, %swap3A_411], %mul3A_409 {strides = array<i32>} : memref<128x32xf32, #tpu.memory_space<vmem>>, vector<16xf32>,
        %mul3A_413 = arith.mulf %unpack3A_408, %gather3A_403 : vector<16xf32>
        %swap3A_414 = arith.index_cast %add3A_401 : i32 to index
        %swap3A_415 = arith.constant 16 : index
        %swap3A_416 = tpu.vector_load %arg17[%swap3A_414, %swap3A_415] {strides = array<i32>} : memref<128x32xf32, #tpu.memory_space<vmem>>, vector<16xf32>,
        tpu.vector_store %arg17[%swap3A_414, %swap3A_415], %mul3A_413 {strides = array<i32>} : memref<128x32xf32, #tpu.memory_space<vmem>>, vector<16xf32>,
        %scan3A_417 = arith.constant 0 : i32
        scf.yield %scan3A_417 : i32
      }
      %scan3A_230 = arith.constant 32 : i32
      %dma_start3A_231 = arith.constant 0 : i32
      %dma_start3A_232 = tpu.memref_slice %arg8[%add3A_216, %dma_start3A_231] : memref<160x128xi32, #tpu.memory_space<vmem>> -> memref<1x128xi32, #tpu.memory_space<vmem>>
      %dma_start3A_233 = tpu.memref_squeeze %dma_start3A_232 : memref<1x128xi32, #tpu.memory_space<vmem>> -> memref<128xi32, #tpu.memory_space<vmem>>
      %dma_start3A_234 = arith.constant 0 : i32
      %dma_start3A_235 = arith.constant 0 : i32
      %dma_start3A_236 = tpu.memref_slice %arg21[%dma_start3A_234, %dma_start3A_235] : memref<10240x32xf32, #tpu.memory_space<vmem_shared>> -> memref<10240x32xf32, #tpu.memory_space<vmem_shared>>
      tpu.enqueue_indirect_dma source(%arg17 : memref<128x32xf32, #tpu.memory_space<vmem>>) target(%dma_start3A_236 : memref<10240x32xf32, #tpu.memory_space<vmem_shared>>) offsets(%dma_start3A_233 : memref<128xi32, #tpu.memory_space<vmem>>) semaphore(%arg24 : memref<!tpu.dma_semaphore, #tpu.memory_space<semaphore_mem>>) {add = true}
      %add3A_237 = arith.constant 4 : i32
      %add3A_238 = arith.addi %add3A_216, %add3A_237 : i32
      %lt3A_239 = arith.constant 160 : i32
      %lt3A_240 = arith.cmpi slt, %add3A_238, %lt3A_239 : i32
      %add3A_241 = arith.constant 4 : i32
      %add3A_242 = arith.addi %add3A_216, %add3A_241 : i32
      %ge3A_243 = arith.constant 5 : i32
      %ge3A_244 = arith.cmpi sge, %add3A_242, %ge3A_243 : i32
      %and3A_245 = arith.andi %lt3A_240, %ge3A_244 : i1
      %convert_element_type3A_246 = arith.extui %and3A_245 : i1 to i32
      %cond3A_247 = arith.constant 0 : i32
      %cond3A_248 = arith.cmpi ne, %convert_element_type3A_246, %cond3A_247 : i32
      scf.if %cond3A_248 {
        %add3A_343 = arith.constant 4 : i32
        %add3A_344 = arith.addi %add3A_216, %add3A_343 : i32
        %sub3A = arith.constant 5 : i32
        %sub3A_345 = arith.subi %add3A_344, %sub3A : i32
        %dma_wait3A_346 = arith.constant 0 : i32
        %dma_wait3A_347 = tpu.memref_slice %arg8[%sub3A_345, %dma_wait3A_346] : memref<160x128xi32, #tpu.memory_space<vmem>> -> memref<1x128xi32, #tpu.memory_space<vmem>>
        %dma_wait3A_348 = tpu.memref_squeeze %dma_wait3A_347 : memref<1x128xi32, #tpu.memory_space<vmem>> -> memref<128xi32, #tpu.memory_space<vmem>>
        %dma_wait3A_349 = arith.constant 0 : i32
        %dma_wait3A_350 = arith.constant 0 : i32
        %dma_wait3A_351 = tpu.memref_slice %arg21[%dma_wait3A_349, %dma_wait3A_350] : memref<10240x32xf32, #tpu.memory_space<vmem_shared>> -> memref<10240x32xf32, #tpu.memory_space<vmem_shared>>
        tpu.wait_indirect_dma semaphore(%arg23 : memref<!tpu.dma_semaphore, #tpu.memory_space<semaphore_mem>>) src(%arg16 : memref<128x32xf32, #tpu.memory_space<vmem>>) dst(%dma_wait3A_351 : memref<10240x32xf32, #tpu.memory_space<vmem_shared>>)
      } else {
      }
      %add3A_249 = arith.constant 4 : i32
      %add3A_250 = arith.addi %add3A_216, %add3A_249 : i32
      %lt3A_251 = arith.constant 160 : i32
      %lt3A_252 = arith.cmpi slt, %add3A_250, %lt3A_251 : i32
      %convert_element_type3A_253 = arith.extui %lt3A_252 : i1 to i32
      %cond3A_254 = arith.constant 0 : i32
      %cond3A_255 = arith.cmpi ne, %convert_element_type3A_253, %cond3A_254 : i32
      scf.if %cond3A_255 {
        %add3A_343 = arith.constant 4 : i32
        %add3A_344 = arith.addi %add3A_216, %add3A_343 : i32
        %dma_start3A_345 = arith.constant 0 : i32
        %dma_start3A_346 = tpu.memref_slice %arg7[%add3A_344, %dma_start3A_345] : memref<160x128xi32, #tpu.memory_space<vmem>> -> memref<1x128xi32, #tpu.memory_space<vmem>>
        %dma_start3A_347 = tpu.memref_squeeze %dma_start3A_346 : memref<1x128xi32, #tpu.memory_space<vmem>> -> memref<128xi32, #tpu.memory_space<vmem>>
        %dma_start3A_348 = arith.constant 0 : i32
        %dma_start3A_349 = arith.constant 0 : i32
        %dma_start3A_350 = tpu.memref_slice %arg5[%dma_start3A_348, %dma_start3A_349] : memref<20480x32xbf16, #tpu.memory_space<hbm>> -> memref<20480x32xbf16, #tpu.memory_space<hbm>>
        tpu.enqueue_indirect_dma source(%dma_start3A_350 : memref<20480x32xbf16, #tpu.memory_space<hbm>>) target(%arg11 : memref<128x32xbf16, #tpu.memory_space<vmem>>) offsets(%dma_start3A_347 : memref<128xi32, #tpu.memory_space<vmem>>) semaphore(%arg23 : memref<!tpu.dma_semaphore, #tpu.memory_space<semaphore_mem>>)
      } else {
      }
      %mul3A_256 = arith.constant 5 : i32
      %mul3A_257 = arith.muli %scan3A_130, %mul3A_256 : i32
      %add3A_258 = arith.constant 3 : i32
      %add3A_259 = arith.addi %mul3A_257, %add3A_258 : i32
      %dma_wait3A_260 = arith.constant 0 : i32
      %dma_wait3A_261 = tpu.memref_slice %arg7[%add3A_259, %dma_wait3A_260] : memref<160x128xi32, #tpu.memory_space<vmem>> -> memref<1x128xi32, #tpu.memory_space<vmem>>
      %dma_wait3A_262 = tpu.memref_squeeze %dma_wait3A_261 : memref<1x128xi32, #tpu.memory_space<vmem>> -> memref<128xi32, #tpu.memory_space<vmem>>
      %dma_wait3A_263 = arith.constant 0 : i32
      %dma_wait3A_264 = arith.constant 0 : i32
      %dma_wait3A_265 = tpu.memref_slice %arg5[%dma_wait3A_263, %dma_wait3A_264] : memref<20480x32xbf16, #tpu.memory_space<hbm>> -> memref<20480x32xbf16, #tpu.memory_space<hbm>>
      tpu.wait_indirect_dma semaphore(%arg25 : memref<!tpu.dma_semaphore, #tpu.memory_space<semaphore_mem>>) src(%dma_wait3A_265 : memref<20480x32xbf16, #tpu.memory_space<hbm>>) dst(%arg13 : memref<128x32xbf16, #tpu.memory_space<vmem>>)
      %broadcast_in_dim3A_266 = vector.broadcast %add3A_259 : i32 to vector<16xi32>
      %scan3A_267 = arith.constant 0 : i32
      %scan3A_268 = arith.constant 0 : i32
      %scan3A_269 = arith.constant 32 : i32
      %scan3A_270 = arith.addi %scan3A_268, %scan3A_269 : i32
      %scan3A_271 = arith.constant 1 : i32
      %scan3A_272 = scf.for %scan3A_343 = %scan3A_268 to %scan3A_270 step %scan3A_271 iter_args(%scan3A_344 = %scan3A_267) -> (i32)  : i32 {
        %mul3A_345 = arith.constant 4 : i32
        %mul3A_346 = arith.muli %scan3A_343, %mul3A_345 : i32
        %add3A_347 = arith.constant 0 : i32
        %add3A_348 = arith.addi %mul3A_346, %add3A_347 : i32
        %broadcast_in_dim3A_349 = vector.broadcast %add3A_348 : i32 to vector<16xi32>
        %gather3A = tpu.vector_load_idx %arg9[%broadcast_in_dim3A_266, %broadcast_in_dim3A_349] : memref<160x128xf32, #tpu.memory_space<vmem>>[vector<16xi32>, vector<16xi32>], vector<16xf32>,
        %get3A = arith.index_cast %add3A_348 : i32 to index
        %get3A_350 = arith.constant 0 : index
        %get3A_351 = tpu.vector_load %arg13[%get3A, %get3A_350] {strides = array<i32>} : memref<128x32xbf16, #tpu.memory_space<vmem>>, vector<32xbf16>,
        %unpack3A = tpu.unpack_subelements %get3A_351, 0 {pack_format = #tpu.pack_format<interleaved>} : vector<32xbf16> -> vector<16xf32>
        %unpack3A_352 = tpu.unpack_subelements %get3A_351, 1 {pack_format = #tpu.pack_format<interleaved>} : vector<32xbf16> -> vector<16xf32>
        %mul3A_353 = arith.mulf %unpack3A, %gather3A : vector<16xf32>
        %swap3A = arith.index_cast %add3A_348 : i32 to index
        %swap3A_354 = arith.constant 0 : index
        %swap3A_355 = tpu.vector_load %arg18[%swap3A, %swap3A_354] {strides = array<i32>} : memref<128x32xf32, #tpu.memory_space<vmem>>, vector<16xf32>,
        tpu.vector_store %arg18[%swap3A, %swap3A_354], %mul3A_353 {strides = array<i32>} : memref<128x32xf32, #tpu.memory_space<vmem>>, vector<16xf32>,
        %mul3A_356 = arith.mulf %unpack3A_352, %gather3A : vector<16xf32>
        %swap3A_357 = arith.index_cast %add3A_348 : i32 to index
        %swap3A_358 = arith.constant 16 : index
        %swap3A_359 = tpu.vector_load %arg18[%swap3A_357, %swap3A_358] {strides = array<i32>} : memref<128x32xf32, #tpu.memory_space<vmem>>, vector<16xf32>,
        tpu.vector_store %arg18[%swap3A_357, %swap3A_358], %mul3A_356 {strides = array<i32>} : memref<128x32xf32, #tpu.memory_space<vmem>>, vector<16xf32>,
        %mul3A_360 = arith.constant 4 : i32
        %mul3A_361 = arith.muli %scan3A_343, %mul3A_360 : i32
        %add3A_362 = arith.constant 1 : i32
        %add3A_363 = arith.addi %mul3A_361, %add3A_362 : i32
        %broadcast_in_dim3A_364 = vector.broadcast %add3A_363 : i32 to vector<16xi32>
        %gather3A_365 = tpu.vector_load_idx %arg9[%broadcast_in_dim3A_266, %broadcast_in_dim3A_364] : memref<160x128xf32, #tpu.memory_space<vmem>>[vector<16xi32>, vector<16xi32>], vector<16xf32>,
        %get3A_366 = arith.index_cast %add3A_363 : i32 to index
        %get3A_367 = arith.constant 0 : index
        %get3A_368 = tpu.vector_load %arg13[%get3A_366, %get3A_367] {strides = array<i32>} : memref<128x32xbf16, #tpu.memory_space<vmem>>, vector<32xbf16>,
        %unpack3A_369 = tpu.unpack_subelements %get3A_368, 0 {pack_format = #tpu.pack_format<interleaved>} : vector<32xbf16> -> vector<16xf32>
        %unpack3A_370 = tpu.unpack_subelements %get3A_368, 1 {pack_format = #tpu.pack_format<interleaved>} : vector<32xbf16> -> vector<16xf32>
        %mul3A_371 = arith.mulf %unpack3A_369, %gather3A_365 : vector<16xf32>
        %swap3A_372 = arith.index_cast %add3A_363 : i32 to index
        %swap3A_373 = arith.constant 0 : index
        %swap3A_374 = tpu.vector_load %arg18[%swap3A_372, %swap3A_373] {strides = array<i32>} : memref<128x32xf32, #tpu.memory_space<vmem>>, vector<16xf32>,
        tpu.vector_store %arg18[%swap3A_372, %swap3A_373], %mul3A_371 {strides = array<i32>} : memref<128x32xf32, #tpu.memory_space<vmem>>, vector<16xf32>,
        %mul3A_375 = arith.mulf %unpack3A_370, %gather3A_365 : vector<16xf32>
        %swap3A_376 = arith.index_cast %add3A_363 : i32 to index
        %swap3A_377 = arith.constant 16 : index
        %swap3A_378 = tpu.vector_load %arg18[%swap3A_376, %swap3A_377] {strides = array<i32>} : memref<128x32xf32, #tpu.memory_space<vmem>>, vector<16xf32>,
        tpu.vector_store %arg18[%swap3A_376, %swap3A_377], %mul3A_375 {strides = array<i32>} : memref<128x32xf32, #tpu.memory_space<vmem>>, vector<16xf32>,
        %mul3A_379 = arith.constant 4 : i32
        %mul3A_380 = arith.muli %scan3A_343, %mul3A_379 : i32
        %add3A_381 = arith.constant 2 : i32
        %add3A_382 = arith.addi %mul3A_380, %add3A_381 : i32
        %broadcast_in_dim3A_383 = vector.broadcast %add3A_382 : i32 to vector<16xi32>
        %gather3A_384 = tpu.vector_load_idx %arg9[%broadcast_in_dim3A_266, %broadcast_in_dim3A_383] : memref<160x128xf32, #tpu.memory_space<vmem>>[vector<16xi32>, vector<16xi32>], vector<16xf32>,
        %get3A_385 = arith.index_cast %add3A_382 : i32 to index
        %get3A_386 = arith.constant 0 : index
        %get3A_387 = tpu.vector_load %arg13[%get3A_385, %get3A_386] {strides = array<i32>} : memref<128x32xbf16, #tpu.memory_space<vmem>>, vector<32xbf16>,
        %unpack3A_388 = tpu.unpack_subelements %get3A_387, 0 {pack_format = #tpu.pack_format<interleaved>} : vector<32xbf16> -> vector<16xf32>
        %unpack3A_389 = tpu.unpack_subelements %get3A_387, 1 {pack_format = #tpu.pack_format<interleaved>} : vector<32xbf16> -> vector<16xf32>
        %mul3A_390 = arith.mulf %unpack3A_388, %gather3A_384 : vector<16xf32>
        %swap3A_391 = arith.index_cast %add3A_382 : i32 to index
        %swap3A_392 = arith.constant 0 : index
        %swap3A_393 = tpu.vector_load %arg18[%swap3A_391, %swap3A_392] {strides = array<i32>} : memref<128x32xf32, #tpu.memory_space<vmem>>, vector<16xf32>,
        tpu.vector_store %arg18[%swap3A_391, %swap3A_392], %mul3A_390 {strides = array<i32>} : memref<128x32xf32, #tpu.memory_space<vmem>>, vector<16xf32>,
        %mul3A_394 = arith.mulf %unpack3A_389, %gather3A_384 : vector<16xf32>
        %swap3A_395 = arith.index_cast %add3A_382 : i32 to index
        %swap3A_396 = arith.constant 16 : index
        %swap3A_397 = tpu.vector_load %arg18[%swap3A_395, %swap3A_396] {strides = array<i32>} : memref<128x32xf32, #tpu.memory_space<vmem>>, vector<16xf32>,
        tpu.vector_store %arg18[%swap3A_395, %swap3A_396], %mul3A_394 {strides = array<i32>} : memref<128x32xf32, #tpu.memory_space<vmem>>, vector<16xf32>,
        %mul3A_398 = arith.constant 4 : i32
        %mul3A_399 = arith.muli %scan3A_343, %mul3A_398 : i32
        %add3A_400 = arith.constant 3 : i32
        %add3A_401 = arith.addi %mul3A_399, %add3A_400 : i32
        %broadcast_in_dim3A_402 = vector.broadcast %add3A_401 : i32 to vector<16xi32>
        %gather3A_403 = tpu.vector_load_idx %arg9[%broadcast_in_dim3A_266, %broadcast_in_dim3A_402] : memref<160x128xf32, #tpu.memory_space<vmem>>[vector<16xi32>, vector<16xi32>], vector<16xf32>,
        %get3A_404 = arith.index_cast %add3A_401 : i32 to index
        %get3A_405 = arith.constant 0 : index
        %get3A_406 = tpu.vector_load %arg13[%get3A_404, %get3A_405] {strides = array<i32>} : memref<128x32xbf16, #tpu.memory_space<vmem>>, vector<32xbf16>,
        %unpack3A_407 = tpu.unpack_subelements %get3A_406, 0 {pack_format = #tpu.pack_format<interleaved>} : vector<32xbf16> -> vector<16xf32>
        %unpack3A_408 = tpu.unpack_subelements %get3A_406, 1 {pack_format = #tpu.pack_format<interleaved>} : vector<32xbf16> -> vector<16xf32>
        %mul3A_409 = arith.mulf %unpack3A_407, %gather3A_403 : vector<16xf32>
        %swap3A_410 = arith.index_cast %add3A_401 : i32 to index
        %swap3A_411 = arith.constant 0 : index
        %swap3A_412 = tpu.vector_load %arg18[%swap3A_410, %swap3A_411] {strides = array<i32>} : memref<128x32xf32, #tpu.memory_space<vmem>>, vector<16xf32>,
        tpu.vector_store %arg18[%swap3A_410, %swap3A_411], %mul3A_409 {strides = array<i32>} : memref<128x32xf32, #tpu.memory_space<vmem>>, vector<16xf32>,
        %mul3A_413 = arith.mulf %unpack3A_408, %gather3A_403 : vector<16xf32>
        %swap3A_414 = arith.index_cast %add3A_401 : i32 to index
        %swap3A_415 = arith.constant 16 : index
        %swap3A_416 = tpu.vector_load %arg18[%swap3A_414, %swap3A_415] {strides = array<i32>} : memref<128x32xf32, #tpu.memory_space<vmem>>, vector<16xf32>,
        tpu.vector_store %arg18[%swap3A_414, %swap3A_415], %mul3A_413 {strides = array<i32>} : memref<128x32xf32, #tpu.memory_space<vmem>>, vector<16xf32>,
        %scan3A_417 = arith.constant 0 : i32
        scf.yield %scan3A_417 : i32
      }
      %scan3A_273 = arith.constant 32 : i32
      %dma_start3A_274 = arith.constant 0 : i32
      %dma_start3A_275 = tpu.memref_slice %arg8[%add3A_259, %dma_start3A_274] : memref<160x128xi32, #tpu.memory_space<vmem>> -> memref<1x128xi32, #tpu.memory_space<vmem>>
      %dma_start3A_276 = tpu.memref_squeeze %dma_start3A_275 : memref<1x128xi32, #tpu.memory_space<vmem>> -> memref<128xi32, #tpu.memory_space<vmem>>
      %dma_start3A_277 = arith.constant 0 : i32
      %dma_start3A_278 = arith.constant 0 : i32
      %dma_start3A_279 = tpu.memref_slice %arg21[%dma_start3A_277, %dma_start3A_278] : memref<10240x32xf32, #tpu.memory_space<vmem_shared>> -> memref<10240x32xf32, #tpu.memory_space<vmem_shared>>
      tpu.enqueue_indirect_dma source(%arg18 : memref<128x32xf32, #tpu.memory_space<vmem>>) target(%dma_start3A_279 : memref<10240x32xf32, #tpu.memory_space<vmem_shared>>) offsets(%dma_start3A_276 : memref<128xi32, #tpu.memory_space<vmem>>) semaphore(%arg25 : memref<!tpu.dma_semaphore, #tpu.memory_space<semaphore_mem>>) {add = true}
      %add3A_280 = arith.constant 4 : i32
      %add3A_281 = arith.addi %add3A_259, %add3A_280 : i32
      %lt3A_282 = arith.constant 160 : i32
      %lt3A_283 = arith.cmpi slt, %add3A_281, %lt3A_282 : i32
      %add3A_284 = arith.constant 4 : i32
      %add3A_285 = arith.addi %add3A_259, %add3A_284 : i32
      %ge3A_286 = arith.constant 5 : i32
      %ge3A_287 = arith.cmpi sge, %add3A_285, %ge3A_286 : i32
      %and3A_288 = arith.andi %lt3A_283, %ge3A_287 : i1
      %convert_element_type3A_289 = arith.extui %and3A_288 : i1 to i32
      %cond3A_290 = arith.constant 0 : i32
      %cond3A_291 = arith.cmpi ne, %convert_element_type3A_289, %cond3A_290 : i32
      scf.if %cond3A_291 {
        %add3A_343 = arith.constant 4 : i32
        %add3A_344 = arith.addi %add3A_259, %add3A_343 : i32
        %sub3A = arith.constant 5 : i32
        %sub3A_345 = arith.subi %add3A_344, %sub3A : i32
        %dma_wait3A_346 = arith.constant 0 : i32
        %dma_wait3A_347 = tpu.memref_slice %arg8[%sub3A_345, %dma_wait3A_346] : memref<160x128xi32, #tpu.memory_space<vmem>> -> memref<1x128xi32, #tpu.memory_space<vmem>>
        %dma_wait3A_348 = tpu.memref_squeeze %dma_wait3A_347 : memref<1x128xi32, #tpu.memory_space<vmem>> -> memref<128xi32, #tpu.memory_space<vmem>>
        %dma_wait3A_349 = arith.constant 0 : i32
        %dma_wait3A_350 = arith.constant 0 : i32
        %dma_wait3A_351 = tpu.memref_slice %arg21[%dma_wait3A_349, %dma_wait3A_350] : memref<10240x32xf32, #tpu.memory_space<vmem_shared>> -> memref<10240x32xf32, #tpu.memory_space<vmem_shared>>
        tpu.wait_indirect_dma semaphore(%arg24 : memref<!tpu.dma_semaphore, #tpu.memory_space<semaphore_mem>>) src(%arg17 : memref<128x32xf32, #tpu.memory_space<vmem>>) dst(%dma_wait3A_351 : memref<10240x32xf32, #tpu.memory_space<vmem_shared>>)
      } else {
      }
      %add3A_292 = arith.constant 4 : i32
      %add3A_293 = arith.addi %add3A_259, %add3A_292 : i32
      %lt3A_294 = arith.constant 160 : i32
      %lt3A_295 = arith.cmpi slt, %add3A_293, %lt3A_294 : i32
      %convert_element_type3A_296 = arith.extui %lt3A_295 : i1 to i32
      %cond3A_297 = arith.constant 0 : i32
      %cond3A_298 = arith.cmpi ne, %convert_element_type3A_296, %cond3A_297 : i32
      scf.if %cond3A_298 {
        %add3A_343 = arith.constant 4 : i32
        %add3A_344 = arith.addi %add3A_259, %add3A_343 : i32
        %dma_start3A_345 = arith.constant 0 : i32
        %dma_start3A_346 = tpu.memref_slice %arg7[%add3A_344, %dma_start3A_345] : memref<160x128xi32, #tpu.memory_space<vmem>> -> memref<1x128xi32, #tpu.memory_space<vmem>>
        %dma_start3A_347 = tpu.memref_squeeze %dma_start3A_346 : memref<1x128xi32, #tpu.memory_space<vmem>> -> memref<128xi32, #tpu.memory_space<vmem>>
        %dma_start3A_348 = arith.constant 0 : i32
        %dma_start3A_349 = arith.constant 0 : i32
        %dma_start3A_350 = tpu.memref_slice %arg5[%dma_start3A_348, %dma_start3A_349] : memref<20480x32xbf16, #tpu.memory_space<hbm>> -> memref<20480x32xbf16, #tpu.memory_space<hbm>>
        tpu.enqueue_indirect_dma source(%dma_start3A_350 : memref<20480x32xbf16, #tpu.memory_space<hbm>>) target(%arg12 : memref<128x32xbf16, #tpu.memory_space<vmem>>) offsets(%dma_start3A_347 : memref<128xi32, #tpu.memory_space<vmem>>) semaphore(%arg24 : memref<!tpu.dma_semaphore, #tpu.memory_space<semaphore_mem>>)
      } else {
      }
      %mul3A_299 = arith.constant 5 : i32
      %mul3A_300 = arith.muli %scan3A_130, %mul3A_299 : i32
      %add3A_301 = arith.constant 4 : i32
      %add3A_302 = arith.addi %mul3A_300, %add3A_301 : i32
      %dma_wait3A_303 = arith.constant 0 : i32
      %dma_wait3A_304 = tpu.memref_slice %arg7[%add3A_302, %dma_wait3A_303] : memref<160x128xi32, #tpu.memory_space<vmem>> -> memref<1x128xi32, #tpu.memory_space<vmem>>
      %dma_wait3A_305 = tpu.memref_squeeze %dma_wait3A_304 : memref<1x128xi32, #tpu.memory_space<vmem>> -> memref<128xi32, #tpu.memory_space<vmem>>
      %dma_wait3A_306 = arith.constant 0 : i32
      %dma_wait3A_307 = arith.constant 0 : i32
      %dma_wait3A_308 = tpu.memref_slice %arg5[%dma_wait3A_306, %dma_wait3A_307] : memref<20480x32xbf16, #tpu.memory_space<hbm>> -> memref<20480x32xbf16, #tpu.memory_space<hbm>>
      tpu.wait_indirect_dma semaphore(%arg26 : memref<!tpu.dma_semaphore, #tpu.memory_space<semaphore_mem>>) src(%dma_wait3A_308 : memref<20480x32xbf16, #tpu.memory_space<hbm>>) dst(%arg14 : memref<128x32xbf16, #tpu.memory_space<vmem>>)
      %broadcast_in_dim3A_309 = vector.broadcast %add3A_302 : i32 to vector<16xi32>
      %scan3A_310 = arith.constant 0 : i32
      %scan3A_311 = arith.constant 0 : i32
      %scan3A_312 = arith.constant 32 : i32
      %scan3A_313 = arith.addi %scan3A_311, %scan3A_312 : i32
      %scan3A_314 = arith.constant 1 : i32
      %scan3A_315 = scf.for %scan3A_343 = %scan3A_311 to %scan3A_313 step %scan3A_314 iter_args(%scan3A_344 = %scan3A_310) -> (i32)  : i32 {
        %mul3A_345 = arith.constant 4 : i32
        %mul3A_346 = arith.muli %scan3A_343, %mul3A_345 : i32
        %add3A_347 = arith.constant 0 : i32
        %add3A_348 = arith.addi %mul3A_346, %add3A_347 : i32
        %broadcast_in_dim3A_349 = vector.broadcast %add3A_348 : i32 to vector<16xi32>
        %gather3A = tpu.vector_load_idx %arg9[%broadcast_in_dim3A_309, %broadcast_in_dim3A_349] : memref<160x128xf32, #tpu.memory_space<vmem>>[vector<16xi32>, vector<16xi32>], vector<16xf32>,
        %get3A = arith.index_cast %add3A_348 : i32 to index
        %get3A_350 = arith.constant 0 : index
        %get3A_351 = tpu.vector_load %arg14[%get3A, %get3A_350] {strides = array<i32>} : memref<128x32xbf16, #tpu.memory_space<vmem>>, vector<32xbf16>,
        %unpack3A = tpu.unpack_subelements %get3A_351, 0 {pack_format = #tpu.pack_format<interleaved>} : vector<32xbf16> -> vector<16xf32>
        %unpack3A_352 = tpu.unpack_subelements %get3A_351, 1 {pack_format = #tpu.pack_format<interleaved>} : vector<32xbf16> -> vector<16xf32>
        %mul3A_353 = arith.mulf %unpack3A, %gather3A : vector<16xf32>
        %swap3A = arith.index_cast %add3A_348 : i32 to index
        %swap3A_354 = arith.constant 0 : index
        %swap3A_355 = tpu.vector_load %arg19[%swap3A, %swap3A_354] {strides = array<i32>} : memref<128x32xf32, #tpu.memory_space<vmem>>, vector<16xf32>,
        tpu.vector_store %arg19[%swap3A, %swap3A_354], %mul3A_353 {strides = array<i32>} : memref<128x32xf32, #tpu.memory_space<vmem>>, vector<16xf32>,
        %mul3A_356 = arith.mulf %unpack3A_352, %gather3A : vector<16xf32>
        %swap3A_357 = arith.index_cast %add3A_348 : i32 to index
        %swap3A_358 = arith.constant 16 : index
        %swap3A_359 = tpu.vector_load %arg19[%swap3A_357, %swap3A_358] {strides = array<i32>} : memref<128x32xf32, #tpu.memory_space<vmem>>, vector<16xf32>,
        tpu.vector_store %arg19[%swap3A_357, %swap3A_358], %mul3A_356 {strides = array<i32>} : memref<128x32xf32, #tpu.memory_space<vmem>>, vector<16xf32>,
        %mul3A_360 = arith.constant 4 : i32
        %mul3A_361 = arith.muli %scan3A_343, %mul3A_360 : i32
        %add3A_362 = arith.constant 1 : i32
        %add3A_363 = arith.addi %mul3A_361, %add3A_362 : i32
        %broadcast_in_dim3A_364 = vector.broadcast %add3A_363 : i32 to vector<16xi32>
        %gather3A_365 = tpu.vector_load_idx %arg9[%broadcast_in_dim3A_309, %broadcast_in_dim3A_364] : memref<160x128xf32, #tpu.memory_space<vmem>>[vector<16xi32>, vector<16xi32>], vector<16xf32>,
        %get3A_366 = arith.index_cast %add3A_363 : i32 to index
        %get3A_367 = arith.constant 0 : index
        %get3A_368 = tpu.vector_load %arg14[%get3A_366, %get3A_367] {strides = array<i32>} : memref<128x32xbf16, #tpu.memory_space<vmem>>, vector<32xbf16>,
        %unpack3A_369 = tpu.unpack_subelements %get3A_368, 0 {pack_format = #tpu.pack_format<interleaved>} : vector<32xbf16> -> vector<16xf32>
        %unpack3A_370 = tpu.unpack_subelements %get3A_368, 1 {pack_format = #tpu.pack_format<interleaved>} : vector<32xbf16> -> vector<16xf32>
        %mul3A_371 = arith.mulf %unpack3A_369, %gather3A_365 : vector<16xf32>
        %swap3A_372 = arith.index_cast %add3A_363 : i32 to index
        %swap3A_373 = arith.constant 0 : index
        %swap3A_374 = tpu.vector_load %arg19[%swap3A_372, %swap3A_373] {strides = array<i32>} : memref<128x32xf32, #tpu.memory_space<vmem>>, vector<16xf32>,
        tpu.vector_store %arg19[%swap3A_372, %swap3A_373], %mul3A_371 {strides = array<i32>} : memref<128x32xf32, #tpu.memory_space<vmem>>, vector<16xf32>,
        %mul3A_375 = arith.mulf %unpack3A_370, %gather3A_365 : vector<16xf32>
        %swap3A_376 = arith.index_cast %add3A_363 : i32 to index
        %swap3A_377 = arith.constant 16 : index
        %swap3A_378 = tpu.vector_load %arg19[%swap3A_376, %swap3A_377] {strides = array<i32>} : memref<128x32xf32, #tpu.memory_space<vmem>>, vector<16xf32>,
        tpu.vector_store %arg19[%swap3A_376, %swap3A_377], %mul3A_375 {strides = array<i32>} : memref<128x32xf32, #tpu.memory_space<vmem>>, vector<16xf32>,
        %mul3A_379 = arith.constant 4 : i32
        %mul3A_380 = arith.muli %scan3A_343, %mul3A_379 : i32
        %add3A_381 = arith.constant 2 : i32
        %add3A_382 = arith.addi %mul3A_380, %add3A_381 : i32
        %broadcast_in_dim3A_383 = vector.broadcast %add3A_382 : i32 to vector<16xi32>
        %gather3A_384 = tpu.vector_load_idx %arg9[%broadcast_in_dim3A_309, %broadcast_in_dim3A_383] : memref<160x128xf32, #tpu.memory_space<vmem>>[vector<16xi32>, vector<16xi32>], vector<16xf32>,
        %get3A_385 = arith.index_cast %add3A_382 : i32 to index
        %get3A_386 = arith.constant 0 : index
        %get3A_387 = tpu.vector_load %arg14[%get3A_385, %get3A_386] {strides = array<i32>} : memref<128x32xbf16, #tpu.memory_space<vmem>>, vector<32xbf16>,
        %unpack3A_388 = tpu.unpack_subelements %get3A_387, 0 {pack_format = #tpu.pack_format<interleaved>} : vector<32xbf16> -> vector<16xf32>
        %unpack3A_389 = tpu.unpack_subelements %get3A_387, 1 {pack_format = #tpu.pack_format<interleaved>} : vector<32xbf16> -> vector<16xf32>
        %mul3A_390 = arith.mulf %unpack3A_388, %gather3A_384 : vector<16xf32>
        %swap3A_391 = arith.index_cast %add3A_382 : i32 to index
        %swap3A_392 = arith.constant 0 : index
        %swap3A_393 = tpu.vector_load %arg19[%swap3A_391, %swap3A_392] {strides = array<i32>} : memref<128x32xf32, #tpu.memory_space<vmem>>, vector<16xf32>,
        tpu.vector_store %arg19[%swap3A_391, %swap3A_392], %mul3A_390 {strides = array<i32>} : memref<128x32xf32, #tpu.memory_space<vmem>>, vector<16xf32>,
        %mul3A_394 = arith.mulf %unpack3A_389, %gather3A_384 : vector<16xf32>
        %swap3A_395 = arith.index_cast %add3A_382 : i32 to index
        %swap3A_396 = arith.constant 16 : index
        %swap3A_397 = tpu.vector_load %arg19[%swap3A_395, %swap3A_396] {strides = array<i32>} : memref<128x32xf32, #tpu.memory_space<vmem>>, vector<16xf32>,
        tpu.vector_store %arg19[%swap3A_395, %swap3A_396], %mul3A_394 {strides = array<i32>} : memref<128x32xf32, #tpu.memory_space<vmem>>, vector<16xf32>,
        %mul3A_398 = arith.constant 4 : i32
        %mul3A_399 = arith.muli %scan3A_343, %mul3A_398 : i32
        %add3A_400 = arith.constant 3 : i32
        %add3A_401 = arith.addi %mul3A_399, %add3A_400 : i32
        %broadcast_in_dim3A_402 = vector.broadcast %add3A_401 : i32 to vector<16xi32>
        %gather3A_403 = tpu.vector_load_idx %arg9[%broadcast_in_dim3A_309, %broadcast_in_dim3A_402] : memref<160x128xf32, #tpu.memory_space<vmem>>[vector<16xi32>, vector<16xi32>], vector<16xf32>,
        %get3A_404 = arith.index_cast %add3A_401 : i32 to index
        %get3A_405 = arith.constant 0 : index
        %get3A_406 = tpu.vector_load %arg14[%get3A_404, %get3A_405] {strides = array<i32>} : memref<128x32xbf16, #tpu.memory_space<vmem>>, vector<32xbf16>,
        %unpack3A_407 = tpu.unpack_subelements %get3A_406, 0 {pack_format = #tpu.pack_format<interleaved>} : vector<32xbf16> -> vector<16xf32>
        %unpack3A_408 = tpu.unpack_subelements %get3A_406, 1 {pack_format = #tpu.pack_format<interleaved>} : vector<32xbf16> -> vector<16xf32>
        %mul3A_409 = arith.mulf %unpack3A_407, %gather3A_403 : vector<16xf32>
        %swap3A_410 = arith.index_cast %add3A_401 : i32 to index
        %swap3A_411 = arith.constant 0 : index
        %swap3A_412 = tpu.vector_load %arg19[%swap3A_410, %swap3A_411] {strides = array<i32>} : memref<128x32xf32, #tpu.memory_space<vmem>>, vector<16xf32>,
        tpu.vector_store %arg19[%swap3A_410, %swap3A_411], %mul3A_409 {strides = array<i32>} : memref<128x32xf32, #tpu.memory_space<vmem>>, vector<16xf32>,
        %mul3A_413 = arith.mulf %unpack3A_408, %gather3A_403 : vector<16xf32>
        %swap3A_414 = arith.index_cast %add3A_401 : i32 to index
        %swap3A_415 = arith.constant 16 : index
        %swap3A_416 = tpu.vector_load %arg19[%swap3A_414, %swap3A_415] {strides = array<i32>} : memref<128x32xf32, #tpu.memory_space<vmem>>, vector<16xf32>,
        tpu.vector_store %arg19[%swap3A_414, %swap3A_415], %mul3A_413 {strides = array<i32>} : memref<128x32xf32, #tpu.memory_space<vmem>>, vector<16xf32>,
        %scan3A_417 = arith.constant 0 : i32
        scf.yield %scan3A_417 : i32
      }
      %scan3A_316 = arith.constant 32 : i32
      %dma_start3A_317 = arith.constant 0 : i32
      %dma_start3A_318 = tpu.memref_slice %arg8[%add3A_302, %dma_start3A_317] : memref<160x128xi32, #tpu.memory_space<vmem>> -> memref<1x128xi32, #tpu.memory_space<vmem>>
      %dma_start3A_319 = tpu.memref_squeeze %dma_start3A_318 : memref<1x128xi32, #tpu.memory_space<vmem>> -> memref<128xi32, #tpu.memory_space<vmem>>
      %dma_start3A_320 = arith.constant 0 : i32
      %dma_start3A_321 = arith.constant 0 : i32
      %dma_start3A_322 = tpu.memref_slice %arg21[%dma_start3A_320, %dma_start3A_321] : memref<10240x32xf32, #tpu.memory_space<vmem_shared>> -> memref<10240x32xf32, #tpu.memory_space<vmem_shared>>
      tpu.enqueue_indirect_dma source(%arg19 : memref<128x32xf32, #tpu.memory_space<vmem>>) target(%dma_start3A_322 : memref<10240x32xf32, #tpu.memory_space<vmem_shared>>) offsets(%dma_start3A_319 : memref<128xi32, #tpu.memory_space<vmem>>) semaphore(%arg26 : memref<!tpu.dma_semaphore, #tpu.memory_space<semaphore_mem>>) {add = true}
      %add3A_323 = arith.constant 4 : i32
      %add3A_324 = arith.addi %add3A_302, %add3A_323 : i32
      %lt3A_325 = arith.constant 160 : i32
      %lt3A_326 = arith.cmpi slt, %add3A_324, %lt3A_325 : i32
      %add3A_327 = arith.constant 4 : i32
      %add3A_328 = arith.addi %add3A_302, %add3A_327 : i32
      %ge3A_329 = arith.constant 5 : i32
      %ge3A_330 = arith.cmpi sge, %add3A_328, %ge3A_329 : i32
      %and3A_331 = arith.andi %lt3A_326, %ge3A_330 : i1
      %convert_element_type3A_332 = arith.extui %and3A_331 : i1 to i32
      %cond3A_333 = arith.constant 0 : i32
      %cond3A_334 = arith.cmpi ne, %convert_element_type3A_332, %cond3A_333 : i32
      scf.if %cond3A_334 {
        %add3A_343 = arith.constant 4 : i32
        %add3A_344 = arith.addi %add3A_302, %add3A_343 : i32
        %sub3A = arith.constant 5 : i32
        %sub3A_345 = arith.subi %add3A_344, %sub3A : i32
        %dma_wait3A_346 = arith.constant 0 : i32
        %dma_wait3A_347 = tpu.memref_slice %arg8[%sub3A_345, %dma_wait3A_346] : memref<160x128xi32, #tpu.memory_space<vmem>> -> memref<1x128xi32, #tpu.memory_space<vmem>>
        %dma_wait3A_348 = tpu.memref_squeeze %dma_wait3A_347 : memref<1x128xi32, #tpu.memory_space<vmem>> -> memref<128xi32, #tpu.memory_space<vmem>>
        %dma_wait3A_349 = arith.constant 0 : i32
        %dma_wait3A_350 = arith.constant 0 : i32
        %dma_wait3A_351 = tpu.memref_slice %arg21[%dma_wait3A_349, %dma_wait3A_350] : memref<10240x32xf32, #tpu.memory_space<vmem_shared>> -> memref<10240x32xf32, #tpu.memory_space<vmem_shared>>
        tpu.wait_indirect_dma semaphore(%arg25 : memref<!tpu.dma_semaphore, #tpu.memory_space<semaphore_mem>>) src(%arg18 : memref<128x32xf32, #tpu.memory_space<vmem>>) dst(%dma_wait3A_351 : memref<10240x32xf32, #tpu.memory_space<vmem_shared>>)
      } else {
      }
      %add3A_335 = arith.constant 4 : i32
      %add3A_336 = arith.addi %add3A_302, %add3A_335 : i32
      %lt3A_337 = arith.constant 160 : i32
      %lt3A_338 = arith.cmpi slt, %add3A_336, %lt3A_337 : i32
      %convert_element_type3A_339 = arith.extui %lt3A_338 : i1 to i32
      %cond3A_340 = arith.constant 0 : i32
      %cond3A_341 = arith.cmpi ne, %convert_element_type3A_339, %cond3A_340 : i32
      scf.if %cond3A_341 {
        %add3A_343 = arith.constant 4 : i32
        %add3A_344 = arith.addi %add3A_302, %add3A_343 : i32
        %dma_start3A_345 = arith.constant 0 : i32
        %dma_start3A_346 = tpu.memref_slice %arg7[%add3A_344, %dma_start3A_345] : memref<160x128xi32, #tpu.memory_space<vmem>> -> memref<1x128xi32, #tpu.memory_space<vmem>>
        %dma_start3A_347 = tpu.memref_squeeze %dma_start3A_346 : memref<1x128xi32, #tpu.memory_space<vmem>> -> memref<128xi32, #tpu.memory_space<vmem>>
        %dma_start3A_348 = arith.constant 0 : i32
        %dma_start3A_349 = arith.constant 0 : i32
        %dma_start3A_350 = tpu.memref_slice %arg5[%dma_start3A_348, %dma_start3A_349] : memref<20480x32xbf16, #tpu.memory_space<hbm>> -> memref<20480x32xbf16, #tpu.memory_space<hbm>>
        tpu.enqueue_indirect_dma source(%dma_start3A_350 : memref<20480x32xbf16, #tpu.memory_space<hbm>>) target(%arg13 : memref<128x32xbf16, #tpu.memory_space<vmem>>) offsets(%dma_start3A_347 : memref<128xi32, #tpu.memory_space<vmem>>) semaphore(%arg25 : memref<!tpu.dma_semaphore, #tpu.memory_space<semaphore_mem>>)
      } else {
      }
      %scan3A_342 = arith.constant 0 : i32
      scf.yield %scan3A_342 : i32
    }
    %scan3A_74 = arith.constant 32 : i32
    %dma_wait3A = arith.constant 155 : i32
    %dma_wait3A_75 = arith.constant 0 : i32
    %dma_wait3A_76 = tpu.memref_slice %arg8[%dma_wait3A, %dma_wait3A_75] : memref<160x128xi32, #tpu.memory_space<vmem>> -> memref<1x128xi32, #tpu.memory_space<vmem>>
    %dma_wait3A_77 = tpu.memref_squeeze %dma_wait3A_76 : memref<1x128xi32, #tpu.memory_space<vmem>> -> memref<128xi32, #tpu.memory_space<vmem>>
    %dma_wait3A_78 = arith.constant 0 : i32
    %dma_wait3A_79 = arith.constant 0 : i32
    %dma_wait3A_80 = tpu.memref_slice %arg21[%dma_wait3A_78, %dma_wait3A_79] : memref<10240x32xf32, #tpu.memory_space<vmem_shared>> -> memref<10240x32xf32, #tpu.memory_space<vmem_shared>>
    tpu.wait_indirect_dma semaphore(%arg22 : memref<!tpu.dma_semaphore, #tpu.memory_space<semaphore_mem>>) src(%arg15 : memref<128x32xf32, #tpu.memory_space<vmem>>) dst(%dma_wait3A_80 : memref<10240x32xf32, #tpu.memory_space<vmem_shared>>)
    %dma_wait3A_81 = arith.constant 156 : i32
    %dma_wait3A_82 = arith.constant 0 : i32
    %dma_wait3A_83 = tpu.memref_slice %arg8[%dma_wait3A_81, %dma_wait3A_82] : memref<160x128xi32, #tpu.memory_space<vmem>> -> memref<1x128xi32, #tpu.memory_space<vmem>>
    %dma_wait3A_84 = tpu.memref_squeeze %dma_wait3A_83 : memref<1x128xi32, #tpu.memory_space<vmem>> -> memref<128xi32, #tpu.memory_space<vmem>>
    %dma_wait3A_85 = arith.constant 0 : i32
    %dma_wait3A_86 = arith.constant 0 : i32
    %dma_wait3A_87 = tpu.memref_slice %arg21[%dma_wait3A_85, %dma_wait3A_86] : memref<10240x32xf32, #tpu.memory_space<vmem_shared>> -> memref<10240x32xf32, #tpu.memory_space<vmem_shared>>
    tpu.wait_indirect_dma semaphore(%arg23 : memref<!tpu.dma_semaphore, #tpu.memory_space<semaphore_mem>>) src(%arg16 : memref<128x32xf32, #tpu.memory_space<vmem>>) dst(%dma_wait3A_87 : memref<10240x32xf32, #tpu.memory_space<vmem_shared>>)
    %dma_wait3A_88 = arith.constant 157 : i32
    %dma_wait3A_89 = arith.constant 0 : i32
    %dma_wait3A_90 = tpu.memref_slice %arg8[%dma_wait3A_88, %dma_wait3A_89] : memref<160x128xi32, #tpu.memory_space<vmem>> -> memref<1x128xi32, #tpu.memory_space<vmem>>
    %dma_wait3A_91 = tpu.memref_squeeze %dma_wait3A_90 : memref<1x128xi32, #tpu.memory_space<vmem>> -> memref<128xi32, #tpu.memory_space<vmem>>
    %dma_wait3A_92 = arith.constant 0 : i32
    %dma_wait3A_93 = arith.constant 0 : i32
    %dma_wait3A_94 = tpu.memref_slice %arg21[%dma_wait3A_92, %dma_wait3A_93] : memref<10240x32xf32, #tpu.memory_space<vmem_shared>> -> memref<10240x32xf32, #tpu.memory_space<vmem_shared>>
    tpu.wait_indirect_dma semaphore(%arg24 : memref<!tpu.dma_semaphore, #tpu.memory_space<semaphore_mem>>) src(%arg17 : memref<128x32xf32, #tpu.memory_space<vmem>>) dst(%dma_wait3A_94 : memref<10240x32xf32, #tpu.memory_space<vmem_shared>>)
    %dma_wait3A_95 = arith.constant 158 : i32
    %dma_wait3A_96 = arith.constant 0 : i32
    %dma_wait3A_97 = tpu.memref_slice %arg8[%dma_wait3A_95, %dma_wait3A_96] : memref<160x128xi32, #tpu.memory_space<vmem>> -> memref<1x128xi32, #tpu.memory_space<vmem>>
    %dma_wait3A_98 = tpu.memref_squeeze %dma_wait3A_97 : memref<1x128xi32, #tpu.memory_space<vmem>> -> memref<128xi32, #tpu.memory_space<vmem>>
    %dma_wait3A_99 = arith.constant 0 : i32
    %dma_wait3A_100 = arith.constant 0 : i32
    %dma_wait3A_101 = tpu.memref_slice %arg21[%dma_wait3A_99, %dma_wait3A_100] : memref<10240x32xf32, #tpu.memory_space<vmem_shared>> -> memref<10240x32xf32, #tpu.memory_space<vmem_shared>>
    tpu.wait_indirect_dma semaphore(%arg25 : memref<!tpu.dma_semaphore, #tpu.memory_space<semaphore_mem>>) src(%arg18 : memref<128x32xf32, #tpu.memory_space<vmem>>) dst(%dma_wait3A_101 : memref<10240x32xf32, #tpu.memory_space<vmem_shared>>)
    %dma_wait3A_102 = arith.constant 159 : i32
    %dma_wait3A_103 = arith.constant 0 : i32
    %dma_wait3A_104 = tpu.memref_slice %arg8[%dma_wait3A_102, %dma_wait3A_103] : memref<160x128xi32, #tpu.memory_space<vmem>> -> memref<1x128xi32, #tpu.memory_space<vmem>>
    %dma_wait3A_105 = tpu.memref_squeeze %dma_wait3A_104 : memref<1x128xi32, #tpu.memory_space<vmem>> -> memref<128xi32, #tpu.memory_space<vmem>>
    %dma_wait3A_106 = arith.constant 0 : i32
    %dma_wait3A_107 = arith.constant 0 : i32
    %dma_wait3A_108 = tpu.memref_slice %arg21[%dma_wait3A_106, %dma_wait3A_107] : memref<10240x32xf32, #tpu.memory_space<vmem_shared>> -> memref<10240x32xf32, #tpu.memory_space<vmem_shared>>
    tpu.wait_indirect_dma semaphore(%arg26 : memref<!tpu.dma_semaphore, #tpu.memory_space<semaphore_mem>>) src(%arg19 : memref<128x32xf32, #tpu.memory_space<vmem>>) dst(%dma_wait3A_108 : memref<10240x32xf32, #tpu.memory_space<vmem_shared>>)
    %barrier3A_109 = arith.constant 0 : index
    tpu.barrier barrier_id(%barrier3A_109)
    %mul3A_110 = arith.constant 640 : i32
    %mul3A_111 = arith.muli %arg1, %mul3A_110 : i32
    %add3A_112 = arith.constant 0 : i32
    %add3A_113 = arith.addi %mul3A_111, %add3A_112 : i32
    "tpu.region"() ({
      %run_scoped3A = tpu.sem_alloc : memref<!tpu.dma_semaphore, #tpu.memory_space<semaphore_mem>>
      %dma_start3A_130 = arith.constant 0 : i32
      %dma_start3A_131 = tpu.memref_slice %arg6[%arg0, %add3A_113, %dma_start3A_130] : memref<2x10240x32xf32, #tpu.memory_space<hbm>> -> memref<1x128x32xf32, #tpu.memory_space<hbm>>
      %dma_start3A_132 = tpu.memref_squeeze %dma_start3A_131 : memref<1x128x32xf32, #tpu.memory_space<hbm>> -> memref<128x32xf32, #tpu.memory_space<hbm>>
      %dma_start3A_133 = arith.constant 0 : i32
      %dma_start3A_134 = tpu.memref_slice %arg21[%add3A_113, %dma_start3A_133] : memref<10240x32xf32, #tpu.memory_space<vmem_shared>> -> memref<128x32xf32, #tpu.memory_space<vmem_shared>>
      tpu.enqueue_dma source(%dma_start3A_134 : memref<128x32xf32, #tpu.memory_space<vmem_shared>>) target(%dma_start3A_132 : memref<128x32xf32, #tpu.memory_space<hbm>>) target_semaphore(%run_scoped3A : memref<!tpu.dma_semaphore, #tpu.memory_space<semaphore_mem>>)
      %dma_wait3A_135 = arith.constant 0 : i32
      %dma_wait3A_136 = tpu.memref_slice %arg6[%arg0, %add3A_113, %dma_wait3A_135] : memref<2x10240x32xf32, #tpu.memory_space<hbm>> -> memref<1x128x32xf32, #tpu.memory_space<hbm>>
      %dma_wait3A_137 = tpu.memref_squeeze %dma_wait3A_136 : memref<1x128x32xf32, #tpu.memory_space<hbm>> -> memref<128x32xf32, #tpu.memory_space<hbm>>
      %dma_wait3A_138 = arith.constant 0 : i32
      %dma_wait3A_139 = tpu.memref_slice %arg21[%add3A_113, %dma_wait3A_138] : memref<10240x32xf32, #tpu.memory_space<vmem_shared>> -> memref<128x32xf32, #tpu.memory_space<vmem_shared>>
      tpu.wait_dma2 semaphore(%run_scoped3A : memref<!tpu.dma_semaphore, #tpu.memory_space<semaphore_mem>>) src(%dma_wait3A_139 : memref<128x32xf32, #tpu.memory_space<vmem_shared>>) dst(%dma_wait3A_137 : memref<128x32xf32, #tpu.memory_space<hbm>>)
      tpu.yield
    }) : () -> ()
    %mul3A_114 = arith.constant 640 : i32
    %mul3A_115 = arith.muli %arg1, %mul3A_114 : i32
    %add3A_116 = arith.constant 128 : i32
    %add3A_117 = arith.addi %mul3A_115, %add3A_116 : i32
    "tpu.region"() ({
      %run_scoped3A = tpu.sem_alloc : memref<!tpu.dma_semaphore, #tpu.memory_space<semaphore_mem>>
      %dma_start3A_130 = arith.constant 0 : i32
      %dma_start3A_131 = tpu.memref_slice %arg6[%arg0, %add3A_117, %dma_start3A_130] : memref<2x10240x32xf32, #tpu.memory_space<hbm>> -> memref<1x128x32xf32, #tpu.memory_space<hbm>>
      %dma_start3A_132 = tpu.memref_squeeze %dma_start3A_131 : memref<1x128x32xf32, #tpu.memory_space<hbm>> -> memref<128x32xf32, #tpu.memory_space<hbm>>
      %dma_start3A_133 = arith.constant 0 : i32
      %dma_start3A_134 = tpu.memref_slice %arg21[%add3A_117, %dma_start3A_133] : memref<10240x32xf32, #tpu.memory_space<vmem_shared>> -> memref<128x32xf32, #tpu.memory_space<vmem_shared>>
      tpu.enqueue_dma source(%dma_start3A_134 : memref<128x32xf32, #tpu.memory_space<vmem_shared>>) target(%dma_start3A_132 : memref<128x32xf32, #tpu.memory_space<hbm>>) target_semaphore(%run_scoped3A : memref<!tpu.dma_semaphore, #tpu.memory_space<semaphore_mem>>)
      %dma_wait3A_135 = arith.constant 0 : i32
      %dma_wait3A_136 = tpu.memref_slice %arg6[%arg0, %add3A_117, %dma_wait3A_135] : memref<2x10240x32xf32, #tpu.memory_space<hbm>> -> memref<1x128x32xf32, #tpu.memory_space<hbm>>
      %dma_wait3A_137 = tpu.memref_squeeze %dma_wait3A_136 : memref<1x128x32xf32, #tpu.memory_space<hbm>> -> memref<128x32xf32, #tpu.memory_space<hbm>>
      %dma_wait3A_138 = arith.constant 0 : i32
      %dma_wait3A_139 = tpu.memref_slice %arg21[%add3A_117, %dma_wait3A_138] : memref<10240x32xf32, #tpu.memory_space<vmem_shared>> -> memref<128x32xf32, #tpu.memory_space<vmem_shared>>
      tpu.wait_dma2 semaphore(%run_scoped3A : memref<!tpu.dma_semaphore, #tpu.memory_space<semaphore_mem>>) src(%dma_wait3A_139 : memref<128x32xf32, #tpu.memory_space<vmem_shared>>) dst(%dma_wait3A_137 : memref<128x32xf32, #tpu.memory_space<hbm>>)
      tpu.yield
    }) : () -> ()
    %mul3A_118 = arith.constant 640 : i32
    %mul3A_119 = arith.muli %arg1, %mul3A_118 : i32
    %add3A_120 = arith.constant 256 : i32
    %add3A_121 = arith.addi %mul3A_119, %add3A_120 : i32
    "tpu.region"() ({
      %run_scoped3A = tpu.sem_alloc : memref<!tpu.dma_semaphore, #tpu.memory_space<semaphore_mem>>
      %dma_start3A_130 = arith.constant 0 : i32
      %dma_start3A_131 = tpu.memref_slice %arg6[%arg0, %add3A_121, %dma_start3A_130] : memref<2x10240x32xf32, #tpu.memory_space<hbm>> -> memref<1x128x32xf32, #tpu.memory_space<hbm>>
      %dma_start3A_132 = tpu.memref_squeeze %dma_start3A_131 : memref<1x128x32xf32, #tpu.memory_space<hbm>> -> memref<128x32xf32, #tpu.memory_space<hbm>>
      %dma_start3A_133 = arith.constant 0 : i32
      %dma_start3A_134 = tpu.memref_slice %arg21[%add3A_121, %dma_start3A_133] : memref<10240x32xf32, #tpu.memory_space<vmem_shared>> -> memref<128x32xf32, #tpu.memory_space<vmem_shared>>
      tpu.enqueue_dma source(%dma_start3A_134 : memref<128x32xf32, #tpu.memory_space<vmem_shared>>) target(%dma_start3A_132 : memref<128x32xf32, #tpu.memory_space<hbm>>) target_semaphore(%run_scoped3A : memref<!tpu.dma_semaphore, #tpu.memory_space<semaphore_mem>>)
      %dma_wait3A_135 = arith.constant 0 : i32
      %dma_wait3A_136 = tpu.memref_slice %arg6[%arg0, %add3A_121, %dma_wait3A_135] : memref<2x10240x32xf32, #tpu.memory_space<hbm>> -> memref<1x128x32xf32, #tpu.memory_space<hbm>>
      %dma_wait3A_137 = tpu.memref_squeeze %dma_wait3A_136 : memref<1x128x32xf32, #tpu.memory_space<hbm>> -> memref<128x32xf32, #tpu.memory_space<hbm>>
      %dma_wait3A_138 = arith.constant 0 : i32
      %dma_wait3A_139 = tpu.memref_slice %arg21[%add3A_121, %dma_wait3A_138] : memref<10240x32xf32, #tpu.memory_space<vmem_shared>> -> memref<128x32xf32, #tpu.memory_space<vmem_shared>>
      tpu.wait_dma2 semaphore(%run_scoped3A : memref<!tpu.dma_semaphore, #tpu.memory_space<semaphore_mem>>) src(%dma_wait3A_139 : memref<128x32xf32, #tpu.memory_space<vmem_shared>>) dst(%dma_wait3A_137 : memref<128x32xf32, #tpu.memory_space<hbm>>)
      tpu.yield
    }) : () -> ()
    %mul3A_122 = arith.constant 640 : i32
    %mul3A_123 = arith.muli %arg1, %mul3A_122 : i32
    %add3A_124 = arith.constant 384 : i32
    %add3A_125 = arith.addi %mul3A_123, %add3A_124 : i32
    "tpu.region"() ({
      %run_scoped3A = tpu.sem_alloc : memref<!tpu.dma_semaphore, #tpu.memory_space<semaphore_mem>>
      %dma_start3A_130 = arith.constant 0 : i32
      %dma_start3A_131 = tpu.memref_slice %arg6[%arg0, %add3A_125, %dma_start3A_130] : memref<2x10240x32xf32, #tpu.memory_space<hbm>> -> memref<1x128x32xf32, #tpu.memory_space<hbm>>
      %dma_start3A_132 = tpu.memref_squeeze %dma_start3A_131 : memref<1x128x32xf32, #tpu.memory_space<hbm>> -> memref<128x32xf32, #tpu.memory_space<hbm>>
      %dma_start3A_133 = arith.constant 0 : i32
      %dma_start3A_134 = tpu.memref_slice %arg21[%add3A_125, %dma_start3A_133] : memref<10240x32xf32, #tpu.memory_space<vmem_shared>> -> memref<128x32xf32, #tpu.memory_space<vmem_shared>>
      tpu.enqueue_dma source(%dma_start3A_134 : memref<128x32xf32, #tpu.memory_space<vmem_shared>>) target(%dma_start3A_132 : memref<128x32xf32, #tpu.memory_space<hbm>>) target_semaphore(%run_scoped3A : memref<!tpu.dma_semaphore, #tpu.memory_space<semaphore_mem>>)
      %dma_wait3A_135 = arith.constant 0 : i32
      %dma_wait3A_136 = tpu.memref_slice %arg6[%arg0, %add3A_125, %dma_wait3A_135] : memref<2x10240x32xf32, #tpu.memory_space<hbm>> -> memref<1x128x32xf32, #tpu.memory_space<hbm>>
      %dma_wait3A_137 = tpu.memref_squeeze %dma_wait3A_136 : memref<1x128x32xf32, #tpu.memory_space<hbm>> -> memref<128x32xf32, #tpu.memory_space<hbm>>
      %dma_wait3A_138 = arith.constant 0 : i32
      %dma_wait3A_139 = tpu.memref_slice %arg21[%add3A_125, %dma_wait3A_138] : memref<10240x32xf32, #tpu.memory_space<vmem_shared>> -> memref<128x32xf32, #tpu.memory_space<vmem_shared>>
      tpu.wait_dma2 semaphore(%run_scoped3A : memref<!tpu.dma_semaphore, #tpu.memory_space<semaphore_mem>>) src(%dma_wait3A_139 : memref<128x32xf32, #tpu.memory_space<vmem_shared>>) dst(%dma_wait3A_137 : memref<128x32xf32, #tpu.memory_space<hbm>>)
      tpu.yield
    }) : () -> ()
    %mul3A_126 = arith.constant 640 : i32
    %mul3A_127 = arith.muli %arg1, %mul3A_126 : i32
    %add3A_128 = arith.constant 512 : i32
    %add3A_129 = arith.addi %mul3A_127, %add3A_128 : i32
    "tpu.region"() ({
      %run_scoped3A = tpu.sem_alloc : memref<!tpu.dma_semaphore, #tpu.memory_space<semaphore_mem>>
      %dma_start3A_130 = arith.constant 0 : i32
      %dma_start3A_131 = tpu.memref_slice %arg6[%arg0, %add3A_129, %dma_start3A_130] : memref<2x10240x32xf32, #tpu.memory_space<hbm>> -> memref<1x128x32xf32, #tpu.memory_space<hbm>>
      %dma_start3A_132 = tpu.memref_squeeze %dma_start3A_131 : memref<1x128x32xf32, #tpu.memory_space<hbm>> -> memref<128x32xf32, #tpu.memory_space<hbm>>
      %dma_start3A_133 = arith.constant 0 : i32
      %dma_start3A_134 = tpu.memref_slice %arg21[%add3A_129, %dma_start3A_133] : memref<10240x32xf32, #tpu.memory_space<vmem_shared>> -> memref<128x32xf32, #tpu.memory_space<vmem_shared>>
      tpu.enqueue_dma source(%dma_start3A_134 : memref<128x32xf32, #tpu.memory_space<vmem_shared>>) target(%dma_start3A_132 : memref<128x32xf32, #tpu.memory_space<hbm>>) target_semaphore(%run_scoped3A : memref<!tpu.dma_semaphore, #tpu.memory_space<semaphore_mem>>)
      %dma_wait3A_135 = arith.constant 0 : i32
      %dma_wait3A_136 = tpu.memref_slice %arg6[%arg0, %add3A_129, %dma_wait3A_135] : memref<2x10240x32xf32, #tpu.memory_space<hbm>> -> memref<1x128x32xf32, #tpu.memory_space<hbm>>
      %dma_wait3A_137 = tpu.memref_squeeze %dma_wait3A_136 : memref<1x128x32xf32, #tpu.memory_space<hbm>> -> memref<128x32xf32, #tpu.memory_space<hbm>>
      %dma_wait3A_138 = arith.constant 0 : i32
      %dma_wait3A_139 = tpu.memref_slice %arg21[%add3A_129, %dma_wait3A_138] : memref<10240x32xf32, #tpu.memory_space<vmem_shared>> -> memref<128x32xf32, #tpu.memory_space<vmem_shared>>
      tpu.wait_dma2 semaphore(%run_scoped3A : memref<!tpu.dma_semaphore, #tpu.memory_space<semaphore_mem>>) src(%dma_wait3A_139 : memref<128x32xf32, #tpu.memory_space<vmem_shared>>) dst(%dma_wait3A_137 : memref<128x32xf32, #tpu.memory_space<hbm>>)
      tpu.yield
    }) : () -> ()
    return
  }
}

#map = affine_map<(d0, d1) -> (0, 0)>
#map1 = affine_map<(d0, d1) -> (0)>
module attributes {stable_mosaic.version = 14 : i64} {
  func.func @agg2_kernel(%arg0: i32, %arg1: i32, %arg2: memref<2560x128xi32, #tpu.memory_space<hbm>>, %arg3: memref<2560x128xi32, #tpu.memory_space<hbm>>, %arg4: memref<2560x128xf32, #tpu.memory_space<hbm>>, %arg5: memref<20480xf32, #tpu.memory_space<hbm>>, %arg6: memref<2x20480xf32, #tpu.memory_space<hbm>>, %arg7: memref<80x128xi32, #tpu.memory_space<vmem>>, %arg8: memref<80x128xi32, #tpu.memory_space<vmem>>, %arg9: memref<80x128xf32, #tpu.memory_space<vmem>>, %arg10: memref<20480xf32, #tpu.memory_space<vmem>>, %arg11: memref<1280xf32, #tpu.memory_space<vmem>>, %arg12: memref<128xi32, #tpu.memory_space<vmem>>, %arg13: memref<128xi32, #tpu.memory_space<vmem>>, %arg14: memref<128xf32, #tpu.memory_space<vmem>>, %arg15: memref<128xf32, #tpu.memory_space<vmem>>, %arg16: memref<20480xf32, #tpu.memory_space<vmem_shared>>) attributes {dimension_semantics = [#tpu.dimension_semantics<core_parallel>, #tpu.dimension_semantics<subcore_parallel>], iteration_bounds = array<i64: 2, 16>, scalar_prefetch = 0 : i64, scratch_operands = 10 : i64, tpu.core_type = #tpu.core_type<sc_vector_subcore>, window_params = [{transform_indices = #map}, {transform_indices = #map}, {transform_indices = #map}, {transform_indices = #map1}, {transform_indices = #map}]} {
    %mul3A = arith.constant 16 : i32
    %mul3A_0 = arith.muli %arg0, %mul3A : i32
    %add3A = arith.addi %mul3A_0, %arg1 : i32
    %broadcast_in_dim3A = arith.constant 0.000000e+00 : f32
    %broadcast_in_dim3A_1 = vector.broadcast %broadcast_in_dim3A : f32 to vector<16xf32>
    %scan3A = arith.constant 0 : i32
    %scan3A_2 = arith.constant 0 : i32
    %scan3A_3 = arith.constant 80 : i32
    %scan3A_4 = arith.addi %scan3A_2, %scan3A_3 : i32
    %scan3A_5 = arith.constant 1 : i32
    %scan3A_6 = scf.for %scan3A_28 = %scan3A_2 to %scan3A_4 step %scan3A_5 iter_args(%scan3A_29 = %scan3A) -> (i32)  : i32 {
      %mul3A_30 = arith.constant 16 : i32
      %mul3A_31 = arith.muli %scan3A_28, %mul3A_30 : i32
      %swap3A = arith.index_cast %mul3A_31 : i32 to index
      %swap3A_32 = tpu.vector_load %arg11[%swap3A] {strides = array<i32>} : memref<1280xf32, #tpu.memory_space<vmem>>, vector<16xf32>,
      tpu.vector_store %arg11[%swap3A], %broadcast_in_dim3A_1 {strides = array<i32>} : memref<1280xf32, #tpu.memory_space<vmem>>, vector<16xf32>,
      %scan3A_33 = arith.constant 0 : i32
      scf.yield %scan3A_33 : i32
    }
    %scan3A_7 = arith.constant 80 : i32
    %mul3A_8 = arith.constant 1280 : i32
    %mul3A_9 = arith.muli %arg1, %mul3A_8 : i32
    "tpu.region"() ({
      %run_scoped3A = tpu.sem_alloc : memref<!tpu.dma_semaphore, #tpu.memory_space<semaphore_mem>>
      %dma_start3A = tpu.memref_slice %arg16[%mul3A_9] : memref<20480xf32, #tpu.memory_space<vmem_shared>> -> memref<1280xf32, #tpu.memory_space<vmem_shared>>
      %dma_start3A_28 = tpu.memref_slice %arg16[%mul3A_9] : memref<20480xf32, #tpu.memory_space<vmem_shared>> -> memref<1280xf32, #tpu.memory_space<vmem_shared>>
      tpu.enqueue_dma source(%arg11 : memref<1280xf32, #tpu.memory_space<vmem>>) target(%dma_start3A_28 : memref<1280xf32, #tpu.memory_space<vmem_shared>>) target_semaphore(%run_scoped3A : memref<!tpu.dma_semaphore, #tpu.memory_space<semaphore_mem>>)
      %dma_wait3A = tpu.memref_slice %arg16[%mul3A_9] : memref<20480xf32, #tpu.memory_space<vmem_shared>> -> memref<1280xf32, #tpu.memory_space<vmem_shared>>
      %dma_wait3A_29 = tpu.memref_slice %arg16[%mul3A_9] : memref<20480xf32, #tpu.memory_space<vmem_shared>> -> memref<1280xf32, #tpu.memory_space<vmem_shared>>
      tpu.wait_dma2 semaphore(%run_scoped3A : memref<!tpu.dma_semaphore, #tpu.memory_space<semaphore_mem>>) src(%arg11 : memref<1280xf32, #tpu.memory_space<vmem>>) dst(%dma_wait3A_29 : memref<1280xf32, #tpu.memory_space<vmem_shared>>)
      tpu.yield
    }) : () -> ()
    "tpu.region"() ({
      %run_scoped3A = tpu.sem_alloc : memref<!tpu.dma_semaphore, #tpu.memory_space<semaphore_mem>>
      tpu.enqueue_dma source(%arg5 : memref<20480xf32, #tpu.memory_space<hbm>>) target(%arg10 : memref<20480xf32, #tpu.memory_space<vmem>>) target_semaphore(%run_scoped3A : memref<!tpu.dma_semaphore, #tpu.memory_space<semaphore_mem>>)
      tpu.wait_dma2 semaphore(%run_scoped3A : memref<!tpu.dma_semaphore, #tpu.memory_space<semaphore_mem>>) src(%arg5 : memref<20480xf32, #tpu.memory_space<hbm>>) dst(%arg10 : memref<20480xf32, #tpu.memory_space<vmem>>)
      tpu.yield
    }) : () -> ()
    %mul3A_10 = arith.constant 80 : i32
    %mul3A_11 = arith.muli %add3A, %mul3A_10 : i32
    "tpu.region"() ({
      %run_scoped3A = tpu.sem_alloc : memref<!tpu.dma_semaphore, #tpu.memory_space<semaphore_mem>>
      %dma_start3A = arith.constant 0 : i32
      %dma_start3A_28 = tpu.memref_slice %arg2[%mul3A_11, %dma_start3A] : memref<2560x128xi32, #tpu.memory_space<hbm>> -> memref<80x128xi32, #tpu.memory_space<hbm>>
      %dma_start3A_29 = arith.constant 0 : i32
      %dma_start3A_30 = tpu.memref_slice %arg2[%mul3A_11, %dma_start3A_29] : memref<2560x128xi32, #tpu.memory_space<hbm>> -> memref<80x128xi32, #tpu.memory_space<hbm>>
      tpu.enqueue_dma source(%dma_start3A_30 : memref<80x128xi32, #tpu.memory_space<hbm>>) target(%arg7 : memref<80x128xi32, #tpu.memory_space<vmem>>) target_semaphore(%run_scoped3A : memref<!tpu.dma_semaphore, #tpu.memory_space<semaphore_mem>>)
      %dma_wait3A = arith.constant 0 : i32
      %dma_wait3A_31 = tpu.memref_slice %arg2[%mul3A_11, %dma_wait3A] : memref<2560x128xi32, #tpu.memory_space<hbm>> -> memref<80x128xi32, #tpu.memory_space<hbm>>
      %dma_wait3A_32 = arith.constant 0 : i32
      %dma_wait3A_33 = tpu.memref_slice %arg2[%mul3A_11, %dma_wait3A_32] : memref<2560x128xi32, #tpu.memory_space<hbm>> -> memref<80x128xi32, #tpu.memory_space<hbm>>
      tpu.wait_dma2 semaphore(%run_scoped3A : memref<!tpu.dma_semaphore, #tpu.memory_space<semaphore_mem>>) src(%dma_wait3A_33 : memref<80x128xi32, #tpu.memory_space<hbm>>) dst(%arg7 : memref<80x128xi32, #tpu.memory_space<vmem>>)
      tpu.yield
    }) : () -> ()
    %mul3A_12 = arith.constant 80 : i32
    %mul3A_13 = arith.muli %add3A, %mul3A_12 : i32
    "tpu.region"() ({
      %run_scoped3A = tpu.sem_alloc : memref<!tpu.dma_semaphore, #tpu.memory_space<semaphore_mem>>
      %dma_start3A = arith.constant 0 : i32
      %dma_start3A_28 = tpu.memref_slice %arg3[%mul3A_13, %dma_start3A] : memref<2560x128xi32, #tpu.memory_space<hbm>> -> memref<80x128xi32, #tpu.memory_space<hbm>>
      %dma_start3A_29 = arith.constant 0 : i32
      %dma_start3A_30 = tpu.memref_slice %arg3[%mul3A_13, %dma_start3A_29] : memref<2560x128xi32, #tpu.memory_space<hbm>> -> memref<80x128xi32, #tpu.memory_space<hbm>>
      tpu.enqueue_dma source(%dma_start3A_30 : memref<80x128xi32, #tpu.memory_space<hbm>>) target(%arg8 : memref<80x128xi32, #tpu.memory_space<vmem>>) target_semaphore(%run_scoped3A : memref<!tpu.dma_semaphore, #tpu.memory_space<semaphore_mem>>)
      %dma_wait3A = arith.constant 0 : i32
      %dma_wait3A_31 = tpu.memref_slice %arg3[%mul3A_13, %dma_wait3A] : memref<2560x128xi32, #tpu.memory_space<hbm>> -> memref<80x128xi32, #tpu.memory_space<hbm>>
      %dma_wait3A_32 = arith.constant 0 : i32
      %dma_wait3A_33 = tpu.memref_slice %arg3[%mul3A_13, %dma_wait3A_32] : memref<2560x128xi32, #tpu.memory_space<hbm>> -> memref<80x128xi32, #tpu.memory_space<hbm>>
      tpu.wait_dma2 semaphore(%run_scoped3A : memref<!tpu.dma_semaphore, #tpu.memory_space<semaphore_mem>>) src(%dma_wait3A_33 : memref<80x128xi32, #tpu.memory_space<hbm>>) dst(%arg8 : memref<80x128xi32, #tpu.memory_space<vmem>>)
      tpu.yield
    }) : () -> ()
    %mul3A_14 = arith.constant 80 : i32
    %mul3A_15 = arith.muli %add3A, %mul3A_14 : i32
    "tpu.region"() ({
      %run_scoped3A = tpu.sem_alloc : memref<!tpu.dma_semaphore, #tpu.memory_space<semaphore_mem>>
      %dma_start3A = arith.constant 0 : i32
      %dma_start3A_28 = tpu.memref_slice %arg4[%mul3A_15, %dma_start3A] : memref<2560x128xf32, #tpu.memory_space<hbm>> -> memref<80x128xf32, #tpu.memory_space<hbm>>
      %dma_start3A_29 = arith.constant 0 : i32
      %dma_start3A_30 = tpu.memref_slice %arg4[%mul3A_15, %dma_start3A_29] : memref<2560x128xf32, #tpu.memory_space<hbm>> -> memref<80x128xf32, #tpu.memory_space<hbm>>
      tpu.enqueue_dma source(%dma_start3A_30 : memref<80x128xf32, #tpu.memory_space<hbm>>) target(%arg9 : memref<80x128xf32, #tpu.memory_space<vmem>>) target_semaphore(%run_scoped3A : memref<!tpu.dma_semaphore, #tpu.memory_space<semaphore_mem>>)
      %dma_wait3A = arith.constant 0 : i32
      %dma_wait3A_31 = tpu.memref_slice %arg4[%mul3A_15, %dma_wait3A] : memref<2560x128xf32, #tpu.memory_space<hbm>> -> memref<80x128xf32, #tpu.memory_space<hbm>>
      %dma_wait3A_32 = arith.constant 0 : i32
      %dma_wait3A_33 = tpu.memref_slice %arg4[%mul3A_15, %dma_wait3A_32] : memref<2560x128xf32, #tpu.memory_space<hbm>> -> memref<80x128xf32, #tpu.memory_space<hbm>>
      tpu.wait_dma2 semaphore(%run_scoped3A : memref<!tpu.dma_semaphore, #tpu.memory_space<semaphore_mem>>) src(%dma_wait3A_33 : memref<80x128xf32, #tpu.memory_space<hbm>>) dst(%arg9 : memref<80x128xf32, #tpu.memory_space<vmem>>)
      tpu.yield
    }) : () -> ()
    %barrier3A = arith.constant 0 : index
    tpu.barrier barrier_id(%barrier3A)
    %scan3A_16 = arith.constant 0 : i32
    %scan3A_17 = arith.constant 0 : i32
    %scan3A_18 = arith.constant 80 : i32
    %scan3A_19 = arith.addi %scan3A_17, %scan3A_18 : i32
    %scan3A_20 = arith.constant 1 : i32
    %scan3A_21 = scf.for %scan3A_28 = %scan3A_17 to %scan3A_19 step %scan3A_20 iter_args(%scan3A_29 = %scan3A_16) -> (i32)  : i32 {
      %get3A = arith.index_cast %scan3A_28 : i32 to index
      %get3A_30 = arith.constant 0 : index
      %get3A_31 = tpu.vector_load %arg7[%get3A, %get3A_30] {strides = array<i32>} : memref<80x128xi32, #tpu.memory_space<vmem>>, vector<16xi32>,
      %mul3A_32 = arith.constant 2 : i32
      %mul3A_33 = vector.broadcast %mul3A_32 : i32 to vector<16xi32>
      %mul3A_34 = arith.muli %get3A_31, %mul3A_33 : vector<16xi32>
      %get3A_35 = arith.index_cast %scan3A_28 : i32 to index
      %get3A_36 = arith.constant 0 : index
      %get3A_37 = tpu.vector_load %arg8[%get3A_35, %get3A_36] {strides = array<i32>} : memref<80x128xi32, #tpu.memory_space<vmem>>, vector<16xi32>,
      %mul3A_38 = arith.constant 2 : i32
      %mul3A_39 = vector.broadcast %mul3A_38 : i32 to vector<16xi32>
      %mul3A_40 = arith.muli %get3A_37, %mul3A_39 : vector<16xi32>
      %get3A_41 = arith.index_cast %scan3A_28 : i32 to index
      %get3A_42 = arith.constant 0 : index
      %get3A_43 = tpu.vector_load %arg9[%get3A_41, %get3A_42] {strides = array<i32>} : memref<80x128xf32, #tpu.memory_space<vmem>>, vector<16xf32>,
      %swap3A = arith.constant 0 : index
      %swap3A_44 = tpu.vector_load %arg12[%swap3A] {strides = array<i32>} : memref<128xi32, #tpu.memory_space<vmem>>, vector<16xi32>,
      tpu.vector_store %arg12[%swap3A], %mul3A_40 {strides = array<i32>} : memref<128xi32, #tpu.memory_space<vmem>>, vector<16xi32>,
      %add3A_45 = arith.constant 1 : i32
      %add3A_46 = vector.broadcast %add3A_45 : i32 to vector<16xi32>
      %add3A_47 = arith.addi %mul3A_40, %add3A_46 : vector<16xi32>
      %swap3A_48 = arith.constant 0 : index
      %swap3A_49 = tpu.vector_load %arg13[%swap3A_48] {strides = array<i32>} : memref<128xi32, #tpu.memory_space<vmem>>, vector<16xi32>,
      tpu.vector_store %arg13[%swap3A_48], %add3A_47 {strides = array<i32>} : memref<128xi32, #tpu.memory_space<vmem>>, vector<16xi32>,
      %gather3A = tpu.vector_load_idx %arg10[%mul3A_34] : memref<20480xf32, #tpu.memory_space<vmem>>[vector<16xi32>], vector<16xf32>,
      %mul3A_50 = arith.mulf %gather3A, %get3A_43 : vector<16xf32>
      %swap3A_51 = arith.constant 0 : index
      %swap3A_52 = tpu.vector_load %arg14[%swap3A_51] {strides = array<i32>} : memref<128xf32, #tpu.memory_space<vmem>>, vector<16xf32>,
      tpu.vector_store %arg14[%swap3A_51], %mul3A_50 {strides = array<i32>} : memref<128xf32, #tpu.memory_space<vmem>>, vector<16xf32>,
      %add3A_53 = arith.constant 1 : i32
      %add3A_54 = vector.broadcast %add3A_53 : i32 to vector<16xi32>
      %add3A_55 = arith.addi %mul3A_34, %add3A_54 : vector<16xi32>
      %gather3A_56 = tpu.vector_load_idx %arg10[%add3A_55] : memref<20480xf32, #tpu.memory_space<vmem>>[vector<16xi32>], vector<16xf32>,
      %mul3A_57 = arith.mulf %gather3A_56, %get3A_43 : vector<16xf32>
      %swap3A_58 = arith.constant 0 : index
      %swap3A_59 = tpu.vector_load %arg15[%swap3A_58] {strides = array<i32>} : memref<128xf32, #tpu.memory_space<vmem>>, vector<16xf32>,
      tpu.vector_store %arg15[%swap3A_58], %mul3A_57 {strides = array<i32>} : memref<128xf32, #tpu.memory_space<vmem>>, vector<16xf32>,
      %get3A_60 = arith.index_cast %scan3A_28 : i32 to index
      %get3A_61 = arith.constant 16 : index
      %get3A_62 = tpu.vector_load %arg7[%get3A_60, %get3A_61] {strides = array<i32>} : memref<80x128xi32, #tpu.memory_space<vmem>>, vector<16xi32>,
      %mul3A_63 = arith.constant 2 : i32
      %mul3A_64 = vector.broadcast %mul3A_63 : i32 to vector<16xi32>
      %mul3A_65 = arith.muli %get3A_62, %mul3A_64 : vector<16xi32>
      %get3A_66 = arith.index_cast %scan3A_28 : i32 to index
      %get3A_67 = arith.constant 16 : index
      %get3A_68 = tpu.vector_load %arg8[%get3A_66, %get3A_67] {strides = array<i32>} : memref<80x128xi32, #tpu.memory_space<vmem>>, vector<16xi32>,
      %mul3A_69 = arith.constant 2 : i32
      %mul3A_70 = vector.broadcast %mul3A_69 : i32 to vector<16xi32>
      %mul3A_71 = arith.muli %get3A_68, %mul3A_70 : vector<16xi32>
      %get3A_72 = arith.index_cast %scan3A_28 : i32 to index
      %get3A_73 = arith.constant 16 : index
      %get3A_74 = tpu.vector_load %arg9[%get3A_72, %get3A_73] {strides = array<i32>} : memref<80x128xf32, #tpu.memory_space<vmem>>, vector<16xf32>,
      %swap3A_75 = arith.constant 16 : index
      %swap3A_76 = tpu.vector_load %arg12[%swap3A_75] {strides = array<i32>} : memref<128xi32, #tpu.memory_space<vmem>>, vector<16xi32>,
      tpu.vector_store %arg12[%swap3A_75], %mul3A_71 {strides = array<i32>} : memref<128xi32, #tpu.memory_space<vmem>>, vector<16xi32>,
      %add3A_77 = arith.constant 1 : i32
      %add3A_78 = vector.broadcast %add3A_77 : i32 to vector<16xi32>
      %add3A_79 = arith.addi %mul3A_71, %add3A_78 : vector<16xi32>
      %swap3A_80 = arith.constant 16 : index
      %swap3A_81 = tpu.vector_load %arg13[%swap3A_80] {strides = array<i32>} : memref<128xi32, #tpu.memory_space<vmem>>, vector<16xi32>,
      tpu.vector_store %arg13[%swap3A_80], %add3A_79 {strides = array<i32>} : memref<128xi32, #tpu.memory_space<vmem>>, vector<16xi32>,
      %gather3A_82 = tpu.vector_load_idx %arg10[%mul3A_65] : memref<20480xf32, #tpu.memory_space<vmem>>[vector<16xi32>], vector<16xf32>,
      %mul3A_83 = arith.mulf %gather3A_82, %get3A_74 : vector<16xf32>
      %swap3A_84 = arith.constant 16 : index
      %swap3A_85 = tpu.vector_load %arg14[%swap3A_84] {strides = array<i32>} : memref<128xf32, #tpu.memory_space<vmem>>, vector<16xf32>,
      tpu.vector_store %arg14[%swap3A_84], %mul3A_83 {strides = array<i32>} : memref<128xf32, #tpu.memory_space<vmem>>, vector<16xf32>,
      %add3A_86 = arith.constant 1 : i32
      %add3A_87 = vector.broadcast %add3A_86 : i32 to vector<16xi32>
      %add3A_88 = arith.addi %mul3A_65, %add3A_87 : vector<16xi32>
      %gather3A_89 = tpu.vector_load_idx %arg10[%add3A_88] : memref<20480xf32, #tpu.memory_space<vmem>>[vector<16xi32>], vector<16xf32>,
      %mul3A_90 = arith.mulf %gather3A_89, %get3A_74 : vector<16xf32>
      %swap3A_91 = arith.constant 16 : index
      %swap3A_92 = tpu.vector_load %arg15[%swap3A_91] {strides = array<i32>} : memref<128xf32, #tpu.memory_space<vmem>>, vector<16xf32>,
      tpu.vector_store %arg15[%swap3A_91], %mul3A_90 {strides = array<i32>} : memref<128xf32, #tpu.memory_space<vmem>>, vector<16xf32>,
      %get3A_93 = arith.index_cast %scan3A_28 : i32 to index
      %get3A_94 = arith.constant 32 : index
      %get3A_95 = tpu.vector_load %arg7[%get3A_93, %get3A_94] {strides = array<i32>} : memref<80x128xi32, #tpu.memory_space<vmem>>, vector<16xi32>,
      %mul3A_96 = arith.constant 2 : i32
      %mul3A_97 = vector.broadcast %mul3A_96 : i32 to vector<16xi32>
      %mul3A_98 = arith.muli %get3A_95, %mul3A_97 : vector<16xi32>
      %get3A_99 = arith.index_cast %scan3A_28 : i32 to index
      %get3A_100 = arith.constant 32 : index
      %get3A_101 = tpu.vector_load %arg8[%get3A_99, %get3A_100] {strides = array<i32>} : memref<80x128xi32, #tpu.memory_space<vmem>>, vector<16xi32>,
      %mul3A_102 = arith.constant 2 : i32
      %mul3A_103 = vector.broadcast %mul3A_102 : i32 to vector<16xi32>
      %mul3A_104 = arith.muli %get3A_101, %mul3A_103 : vector<16xi32>
      %get3A_105 = arith.index_cast %scan3A_28 : i32 to index
      %get3A_106 = arith.constant 32 : index
      %get3A_107 = tpu.vector_load %arg9[%get3A_105, %get3A_106] {strides = array<i32>} : memref<80x128xf32, #tpu.memory_space<vmem>>, vector<16xf32>,
      %swap3A_108 = arith.constant 32 : index
      %swap3A_109 = tpu.vector_load %arg12[%swap3A_108] {strides = array<i32>} : memref<128xi32, #tpu.memory_space<vmem>>, vector<16xi32>,
      tpu.vector_store %arg12[%swap3A_108], %mul3A_104 {strides = array<i32>} : memref<128xi32, #tpu.memory_space<vmem>>, vector<16xi32>,
      %add3A_110 = arith.constant 1 : i32
      %add3A_111 = vector.broadcast %add3A_110 : i32 to vector<16xi32>
      %add3A_112 = arith.addi %mul3A_104, %add3A_111 : vector<16xi32>
      %swap3A_113 = arith.constant 32 : index
      %swap3A_114 = tpu.vector_load %arg13[%swap3A_113] {strides = array<i32>} : memref<128xi32, #tpu.memory_space<vmem>>, vector<16xi32>,
      tpu.vector_store %arg13[%swap3A_113], %add3A_112 {strides = array<i32>} : memref<128xi32, #tpu.memory_space<vmem>>, vector<16xi32>,
      %gather3A_115 = tpu.vector_load_idx %arg10[%mul3A_98] : memref<20480xf32, #tpu.memory_space<vmem>>[vector<16xi32>], vector<16xf32>,
      %mul3A_116 = arith.mulf %gather3A_115, %get3A_107 : vector<16xf32>
      %swap3A_117 = arith.constant 32 : index
      %swap3A_118 = tpu.vector_load %arg14[%swap3A_117] {strides = array<i32>} : memref<128xf32, #tpu.memory_space<vmem>>, vector<16xf32>,
      tpu.vector_store %arg14[%swap3A_117], %mul3A_116 {strides = array<i32>} : memref<128xf32, #tpu.memory_space<vmem>>, vector<16xf32>,
      %add3A_119 = arith.constant 1 : i32
      %add3A_120 = vector.broadcast %add3A_119 : i32 to vector<16xi32>
      %add3A_121 = arith.addi %mul3A_98, %add3A_120 : vector<16xi32>
      %gather3A_122 = tpu.vector_load_idx %arg10[%add3A_121] : memref<20480xf32, #tpu.memory_space<vmem>>[vector<16xi32>], vector<16xf32>,
      %mul3A_123 = arith.mulf %gather3A_122, %get3A_107 : vector<16xf32>
      %swap3A_124 = arith.constant 32 : index
      %swap3A_125 = tpu.vector_load %arg15[%swap3A_124] {strides = array<i32>} : memref<128xf32, #tpu.memory_space<vmem>>, vector<16xf32>,
      tpu.vector_store %arg15[%swap3A_124], %mul3A_123 {strides = array<i32>} : memref<128xf32, #tpu.memory_space<vmem>>, vector<16xf32>,
      %get3A_126 = arith.index_cast %scan3A_28 : i32 to index
      %get3A_127 = arith.constant 48 : index
      %get3A_128 = tpu.vector_load %arg7[%get3A_126, %get3A_127] {strides = array<i32>} : memref<80x128xi32, #tpu.memory_space<vmem>>, vector<16xi32>,
      %mul3A_129 = arith.constant 2 : i32
      %mul3A_130 = vector.broadcast %mul3A_129 : i32 to vector<16xi32>
      %mul3A_131 = arith.muli %get3A_128, %mul3A_130 : vector<16xi32>
      %get3A_132 = arith.index_cast %scan3A_28 : i32 to index
      %get3A_133 = arith.constant 48 : index
      %get3A_134 = tpu.vector_load %arg8[%get3A_132, %get3A_133] {strides = array<i32>} : memref<80x128xi32, #tpu.memory_space<vmem>>, vector<16xi32>,
      %mul3A_135 = arith.constant 2 : i32
      %mul3A_136 = vector.broadcast %mul3A_135 : i32 to vector<16xi32>
      %mul3A_137 = arith.muli %get3A_134, %mul3A_136 : vector<16xi32>
      %get3A_138 = arith.index_cast %scan3A_28 : i32 to index
      %get3A_139 = arith.constant 48 : index
      %get3A_140 = tpu.vector_load %arg9[%get3A_138, %get3A_139] {strides = array<i32>} : memref<80x128xf32, #tpu.memory_space<vmem>>, vector<16xf32>,
      %swap3A_141 = arith.constant 48 : index
      %swap3A_142 = tpu.vector_load %arg12[%swap3A_141] {strides = array<i32>} : memref<128xi32, #tpu.memory_space<vmem>>, vector<16xi32>,
      tpu.vector_store %arg12[%swap3A_141], %mul3A_137 {strides = array<i32>} : memref<128xi32, #tpu.memory_space<vmem>>, vector<16xi32>,
      %add3A_143 = arith.constant 1 : i32
      %add3A_144 = vector.broadcast %add3A_143 : i32 to vector<16xi32>
      %add3A_145 = arith.addi %mul3A_137, %add3A_144 : vector<16xi32>
      %swap3A_146 = arith.constant 48 : index
      %swap3A_147 = tpu.vector_load %arg13[%swap3A_146] {strides = array<i32>} : memref<128xi32, #tpu.memory_space<vmem>>, vector<16xi32>,
      tpu.vector_store %arg13[%swap3A_146], %add3A_145 {strides = array<i32>} : memref<128xi32, #tpu.memory_space<vmem>>, vector<16xi32>,
      %gather3A_148 = tpu.vector_load_idx %arg10[%mul3A_131] : memref<20480xf32, #tpu.memory_space<vmem>>[vector<16xi32>], vector<16xf32>,
      %mul3A_149 = arith.mulf %gather3A_148, %get3A_140 : vector<16xf32>
      %swap3A_150 = arith.constant 48 : index
      %swap3A_151 = tpu.vector_load %arg14[%swap3A_150] {strides = array<i32>} : memref<128xf32, #tpu.memory_space<vmem>>, vector<16xf32>,
      tpu.vector_store %arg14[%swap3A_150], %mul3A_149 {strides = array<i32>} : memref<128xf32, #tpu.memory_space<vmem>>, vector<16xf32>,
      %add3A_152 = arith.constant 1 : i32
      %add3A_153 = vector.broadcast %add3A_152 : i32 to vector<16xi32>
      %add3A_154 = arith.addi %mul3A_131, %add3A_153 : vector<16xi32>
      %gather3A_155 = tpu.vector_load_idx %arg10[%add3A_154] : memref<20480xf32, #tpu.memory_space<vmem>>[vector<16xi32>], vector<16xf32>,
      %mul3A_156 = arith.mulf %gather3A_155, %get3A_140 : vector<16xf32>
      %swap3A_157 = arith.constant 48 : index
      %swap3A_158 = tpu.vector_load %arg15[%swap3A_157] {strides = array<i32>} : memref<128xf32, #tpu.memory_space<vmem>>, vector<16xf32>,
      tpu.vector_store %arg15[%swap3A_157], %mul3A_156 {strides = array<i32>} : memref<128xf32, #tpu.memory_space<vmem>>, vector<16xf32>,
      %get3A_159 = arith.index_cast %scan3A_28 : i32 to index
      %get3A_160 = arith.constant 64 : index
      %get3A_161 = tpu.vector_load %arg7[%get3A_159, %get3A_160] {strides = array<i32>} : memref<80x128xi32, #tpu.memory_space<vmem>>, vector<16xi32>,
      %mul3A_162 = arith.constant 2 : i32
      %mul3A_163 = vector.broadcast %mul3A_162 : i32 to vector<16xi32>
      %mul3A_164 = arith.muli %get3A_161, %mul3A_163 : vector<16xi32>
      %get3A_165 = arith.index_cast %scan3A_28 : i32 to index
      %get3A_166 = arith.constant 64 : index
      %get3A_167 = tpu.vector_load %arg8[%get3A_165, %get3A_166] {strides = array<i32>} : memref<80x128xi32, #tpu.memory_space<vmem>>, vector<16xi32>,
      %mul3A_168 = arith.constant 2 : i32
      %mul3A_169 = vector.broadcast %mul3A_168 : i32 to vector<16xi32>
      %mul3A_170 = arith.muli %get3A_167, %mul3A_169 : vector<16xi32>
      %get3A_171 = arith.index_cast %scan3A_28 : i32 to index
      %get3A_172 = arith.constant 64 : index
      %get3A_173 = tpu.vector_load %arg9[%get3A_171, %get3A_172] {strides = array<i32>} : memref<80x128xf32, #tpu.memory_space<vmem>>, vector<16xf32>,
      %swap3A_174 = arith.constant 64 : index
      %swap3A_175 = tpu.vector_load %arg12[%swap3A_174] {strides = array<i32>} : memref<128xi32, #tpu.memory_space<vmem>>, vector<16xi32>,
      tpu.vector_store %arg12[%swap3A_174], %mul3A_170 {strides = array<i32>} : memref<128xi32, #tpu.memory_space<vmem>>, vector<16xi32>,
      %add3A_176 = arith.constant 1 : i32
      %add3A_177 = vector.broadcast %add3A_176 : i32 to vector<16xi32>
      %add3A_178 = arith.addi %mul3A_170, %add3A_177 : vector<16xi32>
      %swap3A_179 = arith.constant 64 : index
      %swap3A_180 = tpu.vector_load %arg13[%swap3A_179] {strides = array<i32>} : memref<128xi32, #tpu.memory_space<vmem>>, vector<16xi32>,
      tpu.vector_store %arg13[%swap3A_179], %add3A_178 {strides = array<i32>} : memref<128xi32, #tpu.memory_space<vmem>>, vector<16xi32>,
      %gather3A_181 = tpu.vector_load_idx %arg10[%mul3A_164] : memref<20480xf32, #tpu.memory_space<vmem>>[vector<16xi32>], vector<16xf32>,
      %mul3A_182 = arith.mulf %gather3A_181, %get3A_173 : vector<16xf32>
      %swap3A_183 = arith.constant 64 : index
      %swap3A_184 = tpu.vector_load %arg14[%swap3A_183] {strides = array<i32>} : memref<128xf32, #tpu.memory_space<vmem>>, vector<16xf32>,
      tpu.vector_store %arg14[%swap3A_183], %mul3A_182 {strides = array<i32>} : memref<128xf32, #tpu.memory_space<vmem>>, vector<16xf32>,
      %add3A_185 = arith.constant 1 : i32
      %add3A_186 = vector.broadcast %add3A_185 : i32 to vector<16xi32>
      %add3A_187 = arith.addi %mul3A_164, %add3A_186 : vector<16xi32>
      %gather3A_188 = tpu.vector_load_idx %arg10[%add3A_187] : memref<20480xf32, #tpu.memory_space<vmem>>[vector<16xi32>], vector<16xf32>,
      %mul3A_189 = arith.mulf %gather3A_188, %get3A_173 : vector<16xf32>
      %swap3A_190 = arith.constant 64 : index
      %swap3A_191 = tpu.vector_load %arg15[%swap3A_190] {strides = array<i32>} : memref<128xf32, #tpu.memory_space<vmem>>, vector<16xf32>,
      tpu.vector_store %arg15[%swap3A_190], %mul3A_189 {strides = array<i32>} : memref<128xf32, #tpu.memory_space<vmem>>, vector<16xf32>,
      %get3A_192 = arith.index_cast %scan3A_28 : i32 to index
      %get3A_193 = arith.constant 80 : index
      %get3A_194 = tpu.vector_load %arg7[%get3A_192, %get3A_193] {strides = array<i32>} : memref<80x128xi32, #tpu.memory_space<vmem>>, vector<16xi32>,
      %mul3A_195 = arith.constant 2 : i32
      %mul3A_196 = vector.broadcast %mul3A_195 : i32 to vector<16xi32>
      %mul3A_197 = arith.muli %get3A_194, %mul3A_196 : vector<16xi32>
      %get3A_198 = arith.index_cast %scan3A_28 : i32 to index
      %get3A_199 = arith.constant 80 : index
      %get3A_200 = tpu.vector_load %arg8[%get3A_198, %get3A_199] {strides = array<i32>} : memref<80x128xi32, #tpu.memory_space<vmem>>, vector<16xi32>,
      %mul3A_201 = arith.constant 2 : i32
      %mul3A_202 = vector.broadcast %mul3A_201 : i32 to vector<16xi32>
      %mul3A_203 = arith.muli %get3A_200, %mul3A_202 : vector<16xi32>
      %get3A_204 = arith.index_cast %scan3A_28 : i32 to index
      %get3A_205 = arith.constant 80 : index
      %get3A_206 = tpu.vector_load %arg9[%get3A_204, %get3A_205] {strides = array<i32>} : memref<80x128xf32, #tpu.memory_space<vmem>>, vector<16xf32>,
      %swap3A_207 = arith.constant 80 : index
      %swap3A_208 = tpu.vector_load %arg12[%swap3A_207] {strides = array<i32>} : memref<128xi32, #tpu.memory_space<vmem>>, vector<16xi32>,
      tpu.vector_store %arg12[%swap3A_207], %mul3A_203 {strides = array<i32>} : memref<128xi32, #tpu.memory_space<vmem>>, vector<16xi32>,
      %add3A_209 = arith.constant 1 : i32
      %add3A_210 = vector.broadcast %add3A_209 : i32 to vector<16xi32>
      %add3A_211 = arith.addi %mul3A_203, %add3A_210 : vector<16xi32>
      %swap3A_212 = arith.constant 80 : index
      %swap3A_213 = tpu.vector_load %arg13[%swap3A_212] {strides = array<i32>} : memref<128xi32, #tpu.memory_space<vmem>>, vector<16xi32>,
      tpu.vector_store %arg13[%swap3A_212], %add3A_211 {strides = array<i32>} : memref<128xi32, #tpu.memory_space<vmem>>, vector<16xi32>,
      %gather3A_214 = tpu.vector_load_idx %arg10[%mul3A_197] : memref<20480xf32, #tpu.memory_space<vmem>>[vector<16xi32>], vector<16xf32>,
      %mul3A_215 = arith.mulf %gather3A_214, %get3A_206 : vector<16xf32>
      %swap3A_216 = arith.constant 80 : index
      %swap3A_217 = tpu.vector_load %arg14[%swap3A_216] {strides = array<i32>} : memref<128xf32, #tpu.memory_space<vmem>>, vector<16xf32>,
      tpu.vector_store %arg14[%swap3A_216], %mul3A_215 {strides = array<i32>} : memref<128xf32, #tpu.memory_space<vmem>>, vector<16xf32>,
      %add3A_218 = arith.constant 1 : i32
      %add3A_219 = vector.broadcast %add3A_218 : i32 to vector<16xi32>
      %add3A_220 = arith.addi %mul3A_197, %add3A_219 : vector<16xi32>
      %gather3A_221 = tpu.vector_load_idx %arg10[%add3A_220] : memref<20480xf32, #tpu.memory_space<vmem>>[vector<16xi32>], vector<16xf32>,
      %mul3A_222 = arith.mulf %gather3A_221, %get3A_206 : vector<16xf32>
      %swap3A_223 = arith.constant 80 : index
      %swap3A_224 = tpu.vector_load %arg15[%swap3A_223] {strides = array<i32>} : memref<128xf32, #tpu.memory_space<vmem>>, vector<16xf32>,
      tpu.vector_store %arg15[%swap3A_223], %mul3A_222 {strides = array<i32>} : memref<128xf32, #tpu.memory_space<vmem>>, vector<16xf32>,
      %get3A_225 = arith.index_cast %scan3A_28 : i32 to index
      %get3A_226 = arith.constant 96 : index
      %get3A_227 = tpu.vector_load %arg7[%get3A_225, %get3A_226] {strides = array<i32>} : memref<80x128xi32, #tpu.memory_space<vmem>>, vector<16xi32>,
      %mul3A_228 = arith.constant 2 : i32
      %mul3A_229 = vector.broadcast %mul3A_228 : i32 to vector<16xi32>
      %mul3A_230 = arith.muli %get3A_227, %mul3A_229 : vector<16xi32>
      %get3A_231 = arith.index_cast %scan3A_28 : i32 to index
      %get3A_232 = arith.constant 96 : index
      %get3A_233 = tpu.vector_load %arg8[%get3A_231, %get3A_232] {strides = array<i32>} : memref<80x128xi32, #tpu.memory_space<vmem>>, vector<16xi32>,
      %mul3A_234 = arith.constant 2 : i32
      %mul3A_235 = vector.broadcast %mul3A_234 : i32 to vector<16xi32>
      %mul3A_236 = arith.muli %get3A_233, %mul3A_235 : vector<16xi32>
      %get3A_237 = arith.index_cast %scan3A_28 : i32 to index
      %get3A_238 = arith.constant 96 : index
      %get3A_239 = tpu.vector_load %arg9[%get3A_237, %get3A_238] {strides = array<i32>} : memref<80x128xf32, #tpu.memory_space<vmem>>, vector<16xf32>,
      %swap3A_240 = arith.constant 96 : index
      %swap3A_241 = tpu.vector_load %arg12[%swap3A_240] {strides = array<i32>} : memref<128xi32, #tpu.memory_space<vmem>>, vector<16xi32>,
      tpu.vector_store %arg12[%swap3A_240], %mul3A_236 {strides = array<i32>} : memref<128xi32, #tpu.memory_space<vmem>>, vector<16xi32>,
      %add3A_242 = arith.constant 1 : i32
      %add3A_243 = vector.broadcast %add3A_242 : i32 to vector<16xi32>
      %add3A_244 = arith.addi %mul3A_236, %add3A_243 : vector<16xi32>
      %swap3A_245 = arith.constant 96 : index
      %swap3A_246 = tpu.vector_load %arg13[%swap3A_245] {strides = array<i32>} : memref<128xi32, #tpu.memory_space<vmem>>, vector<16xi32>,
      tpu.vector_store %arg13[%swap3A_245], %add3A_244 {strides = array<i32>} : memref<128xi32, #tpu.memory_space<vmem>>, vector<16xi32>,
      %gather3A_247 = tpu.vector_load_idx %arg10[%mul3A_230] : memref<20480xf32, #tpu.memory_space<vmem>>[vector<16xi32>], vector<16xf32>,
      %mul3A_248 = arith.mulf %gather3A_247, %get3A_239 : vector<16xf32>
      %swap3A_249 = arith.constant 96 : index
      %swap3A_250 = tpu.vector_load %arg14[%swap3A_249] {strides = array<i32>} : memref<128xf32, #tpu.memory_space<vmem>>, vector<16xf32>,
      tpu.vector_store %arg14[%swap3A_249], %mul3A_248 {strides = array<i32>} : memref<128xf32, #tpu.memory_space<vmem>>, vector<16xf32>,
      %add3A_251 = arith.constant 1 : i32
      %add3A_252 = vector.broadcast %add3A_251 : i32 to vector<16xi32>
      %add3A_253 = arith.addi %mul3A_230, %add3A_252 : vector<16xi32>
      %gather3A_254 = tpu.vector_load_idx %arg10[%add3A_253] : memref<20480xf32, #tpu.memory_space<vmem>>[vector<16xi32>], vector<16xf32>,
      %mul3A_255 = arith.mulf %gather3A_254, %get3A_239 : vector<16xf32>
      %swap3A_256 = arith.constant 96 : index
      %swap3A_257 = tpu.vector_load %arg15[%swap3A_256] {strides = array<i32>} : memref<128xf32, #tpu.memory_space<vmem>>, vector<16xf32>,
      tpu.vector_store %arg15[%swap3A_256], %mul3A_255 {strides = array<i32>} : memref<128xf32, #tpu.memory_space<vmem>>, vector<16xf32>,
      %get3A_258 = arith.index_cast %scan3A_28 : i32 to index
      %get3A_259 = arith.constant 112 : index
      %get3A_260 = tpu.vector_load %arg7[%get3A_258, %get3A_259] {strides = array<i32>} : memref<80x128xi32, #tpu.memory_space<vmem>>, vector<16xi32>,
      %mul3A_261 = arith.constant 2 : i32
      %mul3A_262 = vector.broadcast %mul3A_261 : i32 to vector<16xi32>
      %mul3A_263 = arith.muli %get3A_260, %mul3A_262 : vector<16xi32>
      %get3A_264 = arith.index_cast %scan3A_28 : i32 to index
      %get3A_265 = arith.constant 112 : index
      %get3A_266 = tpu.vector_load %arg8[%get3A_264, %get3A_265] {strides = array<i32>} : memref<80x128xi32, #tpu.memory_space<vmem>>, vector<16xi32>,
      %mul3A_267 = arith.constant 2 : i32
      %mul3A_268 = vector.broadcast %mul3A_267 : i32 to vector<16xi32>
      %mul3A_269 = arith.muli %get3A_266, %mul3A_268 : vector<16xi32>
      %get3A_270 = arith.index_cast %scan3A_28 : i32 to index
      %get3A_271 = arith.constant 112 : index
      %get3A_272 = tpu.vector_load %arg9[%get3A_270, %get3A_271] {strides = array<i32>} : memref<80x128xf32, #tpu.memory_space<vmem>>, vector<16xf32>,
      %swap3A_273 = arith.constant 112 : index
      %swap3A_274 = tpu.vector_load %arg12[%swap3A_273] {strides = array<i32>} : memref<128xi32, #tpu.memory_space<vmem>>, vector<16xi32>,
      tpu.vector_store %arg12[%swap3A_273], %mul3A_269 {strides = array<i32>} : memref<128xi32, #tpu.memory_space<vmem>>, vector<16xi32>,
      %add3A_275 = arith.constant 1 : i32
      %add3A_276 = vector.broadcast %add3A_275 : i32 to vector<16xi32>
      %add3A_277 = arith.addi %mul3A_269, %add3A_276 : vector<16xi32>
      %swap3A_278 = arith.constant 112 : index
      %swap3A_279 = tpu.vector_load %arg13[%swap3A_278] {strides = array<i32>} : memref<128xi32, #tpu.memory_space<vmem>>, vector<16xi32>,
      tpu.vector_store %arg13[%swap3A_278], %add3A_277 {strides = array<i32>} : memref<128xi32, #tpu.memory_space<vmem>>, vector<16xi32>,
      %gather3A_280 = tpu.vector_load_idx %arg10[%mul3A_263] : memref<20480xf32, #tpu.memory_space<vmem>>[vector<16xi32>], vector<16xf32>,
      %mul3A_281 = arith.mulf %gather3A_280, %get3A_272 : vector<16xf32>
      %swap3A_282 = arith.constant 112 : index
      %swap3A_283 = tpu.vector_load %arg14[%swap3A_282] {strides = array<i32>} : memref<128xf32, #tpu.memory_space<vmem>>, vector<16xf32>,
      tpu.vector_store %arg14[%swap3A_282], %mul3A_281 {strides = array<i32>} : memref<128xf32, #tpu.memory_space<vmem>>, vector<16xf32>,
      %add3A_284 = arith.constant 1 : i32
      %add3A_285 = vector.broadcast %add3A_284 : i32 to vector<16xi32>
      %add3A_286 = arith.addi %mul3A_263, %add3A_285 : vector<16xi32>
      %gather3A_287 = tpu.vector_load_idx %arg10[%add3A_286] : memref<20480xf32, #tpu.memory_space<vmem>>[vector<16xi32>], vector<16xf32>,
      %mul3A_288 = arith.mulf %gather3A_287, %get3A_272 : vector<16xf32>
      %swap3A_289 = arith.constant 112 : index
      %swap3A_290 = tpu.vector_load %arg15[%swap3A_289] {strides = array<i32>} : memref<128xf32, #tpu.memory_space<vmem>>, vector<16xf32>,
      tpu.vector_store %arg15[%swap3A_289], %mul3A_288 {strides = array<i32>} : memref<128xf32, #tpu.memory_space<vmem>>, vector<16xf32>,
      "tpu.region"() ({
        %run_scoped3A = tpu.sem_alloc : memref<!tpu.dma_semaphore, #tpu.memory_space<semaphore_mem>>
        %dma_start3A = arith.constant 0 : i32
        %dma_start3A_292 = tpu.memref_slice %arg16[%dma_start3A] : memref<20480xf32, #tpu.memory_space<vmem_shared>> -> memref<20480xf32, #tpu.memory_space<vmem_shared>>
        tpu.enqueue_indirect_dma source(%arg14 : memref<128xf32, #tpu.memory_space<vmem>>) target(%dma_start3A_292 : memref<20480xf32, #tpu.memory_space<vmem_shared>>) offsets(%arg12 : memref<128xi32, #tpu.memory_space<vmem>>) semaphore(%run_scoped3A : memref<!tpu.dma_semaphore, #tpu.memory_space<semaphore_mem>>) {add = true}
        %dma_wait3A = arith.constant 0 : i32
        %dma_wait3A_293 = tpu.memref_slice %arg16[%dma_wait3A] : memref<20480xf32, #tpu.memory_space<vmem_shared>> -> memref<20480xf32, #tpu.memory_space<vmem_shared>>
        tpu.wait_indirect_dma semaphore(%run_scoped3A : memref<!tpu.dma_semaphore, #tpu.memory_space<semaphore_mem>>) src(%arg14 : memref<128xf32, #tpu.memory_space<vmem>>) dst(%dma_wait3A_293 : memref<20480xf32, #tpu.memory_space<vmem_shared>>)
        tpu.yield
      }) : () -> ()
      "tpu.region"() ({
        %run_scoped3A = tpu.sem_alloc : memref<!tpu.dma_semaphore, #tpu.memory_space<semaphore_mem>>
        %dma_start3A = arith.constant 0 : i32
        %dma_start3A_292 = tpu.memref_slice %arg16[%dma_start3A] : memref<20480xf32, #tpu.memory_space<vmem_shared>> -> memref<20480xf32, #tpu.memory_space<vmem_shared>>
        tpu.enqueue_indirect_dma source(%arg15 : memref<128xf32, #tpu.memory_space<vmem>>) target(%dma_start3A_292 : memref<20480xf32, #tpu.memory_space<vmem_shared>>) offsets(%arg13 : memref<128xi32, #tpu.memory_space<vmem>>) semaphore(%run_scoped3A : memref<!tpu.dma_semaphore, #tpu.memory_space<semaphore_mem>>) {add = true}
        %dma_wait3A = arith.constant 0 : i32
        %dma_wait3A_293 = tpu.memref_slice %arg16[%dma_wait3A] : memref<20480xf32, #tpu.memory_space<vmem_shared>> -> memref<20480xf32, #tpu.memory_space<vmem_shared>>
        tpu.wait_indirect_dma semaphore(%run_scoped3A : memref<!tpu.dma_semaphore, #tpu.memory_space<semaphore_mem>>) src(%arg15 : memref<128xf32, #tpu.memory_space<vmem>>) dst(%dma_wait3A_293 : memref<20480xf32, #tpu.memory_space<vmem_shared>>)
        tpu.yield
      }) : () -> ()
      %scan3A_291 = arith.constant 0 : i32
      scf.yield %scan3A_291 : i32
    }
    %scan3A_22 = arith.constant 80 : i32
    %barrier3A_23 = arith.constant 0 : index
    tpu.barrier barrier_id(%barrier3A_23)
    %mul3A_24 = arith.constant 1280 : i32
    %mul3A_25 = arith.muli %arg1, %mul3A_24 : i32
    "tpu.region"() ({
      %run_scoped3A = tpu.sem_alloc : memref<!tpu.dma_semaphore, #tpu.memory_space<semaphore_mem>>
      %dma_start3A = tpu.memref_slice %arg16[%mul3A_25] : memref<20480xf32, #tpu.memory_space<vmem_shared>> -> memref<1280xf32, #tpu.memory_space<vmem_shared>>
      %dma_start3A_28 = tpu.memref_slice %arg16[%mul3A_25] : memref<20480xf32, #tpu.memory_space<vmem_shared>> -> memref<1280xf32, #tpu.memory_space<vmem_shared>>
      tpu.enqueue_dma source(%dma_start3A_28 : memref<1280xf32, #tpu.memory_space<vmem_shared>>) target(%arg11 : memref<1280xf32, #tpu.memory_space<vmem>>) target_semaphore(%run_scoped3A : memref<!tpu.dma_semaphore, #tpu.memory_space<semaphore_mem>>)
      %dma_wait3A = tpu.memref_slice %arg16[%mul3A_25] : memref<20480xf32, #tpu.memory_space<vmem_shared>> -> memref<1280xf32, #tpu.memory_space<vmem_shared>>
      %dma_wait3A_29 = tpu.memref_slice %arg16[%mul3A_25] : memref<20480xf32, #tpu.memory_space<vmem_shared>> -> memref<1280xf32, #tpu.memory_space<vmem_shared>>
      tpu.wait_dma2 semaphore(%run_scoped3A : memref<!tpu.dma_semaphore, #tpu.memory_space<semaphore_mem>>) src(%dma_wait3A_29 : memref<1280xf32, #tpu.memory_space<vmem_shared>>) dst(%arg11 : memref<1280xf32, #tpu.memory_space<vmem>>)
      tpu.yield
    }) : () -> ()
    %mul3A_26 = arith.constant 1280 : i32
    %mul3A_27 = arith.muli %arg1, %mul3A_26 : i32
    "tpu.region"() ({
      %run_scoped3A = tpu.sem_alloc : memref<!tpu.dma_semaphore, #tpu.memory_space<semaphore_mem>>
      %dma_start3A = tpu.memref_slice %arg6[%arg0, %mul3A_27] : memref<2x20480xf32, #tpu.memory_space<hbm>> -> memref<1x1280xf32, #tpu.memory_space<hbm>>
      %dma_start3A_28 = tpu.memref_squeeze %dma_start3A : memref<1x1280xf32, #tpu.memory_space<hbm>> -> memref<1280xf32, #tpu.memory_space<hbm>>
      %dma_start3A_29 = tpu.memref_slice %arg6[%arg0, %mul3A_27] : memref<2x20480xf32, #tpu.memory_space<hbm>> -> memref<1x1280xf32, #tpu.memory_space<hbm>>
      %dma_start3A_30 = tpu.memref_squeeze %dma_start3A_29 : memref<1x1280xf32, #tpu.memory_space<hbm>> -> memref<1280xf32, #tpu.memory_space<hbm>>
      tpu.enqueue_dma source(%arg11 : memref<1280xf32, #tpu.memory_space<vmem>>) target(%dma_start3A_30 : memref<1280xf32, #tpu.memory_space<hbm>>) target_semaphore(%run_scoped3A : memref<!tpu.dma_semaphore, #tpu.memory_space<semaphore_mem>>)
      %dma_wait3A = tpu.memref_slice %arg6[%arg0, %mul3A_27] : memref<2x20480xf32, #tpu.memory_space<hbm>> -> memref<1x1280xf32, #tpu.memory_space<hbm>>
      %dma_wait3A_31 = tpu.memref_squeeze %dma_wait3A : memref<1x1280xf32, #tpu.memory_space<hbm>> -> memref<1280xf32, #tpu.memory_space<hbm>>
      %dma_wait3A_32 = tpu.memref_slice %arg6[%arg0, %mul3A_27] : memref<2x20480xf32, #tpu.memory_space<hbm>> -> memref<1x1280xf32, #tpu.memory_space<hbm>>
      %dma_wait3A_33 = tpu.memref_squeeze %dma_wait3A_32 : memref<1x1280xf32, #tpu.memory_space<hbm>> -> memref<1280xf32, #tpu.memory_space<hbm>>
      tpu.wait_dma2 semaphore(%run_scoped3A : memref<!tpu.dma_semaphore, #tpu.memory_space<semaphore_mem>>) src(%arg11 : memref<1280xf32, #tpu.memory_space<vmem>>) dst(%dma_wait3A_33 : memref<1280xf32, #tpu.memory_space<hbm>>)
      tpu.yield
    }) : () -> ()
    return
  }
}

module attributes {stable_mosaic.version = 14 : i64} {
  func.func @body(%arg0: memref<10000x128xf32, #tpu.memory_space<vmem>>, %arg1: memref<128x64xf32, #tpu.memory_space<vmem>>, %arg2: memref<128x32xf32, #tpu.memory_space<vmem>>, %arg3: memref<128x32xf32, #tpu.memory_space<vmem>>, %arg4: memref<10000x1xf32, #tpu.memory_space<vmem>>, %arg5: memref<2x10240x32xbf16, #tpu.memory_space<vmem>>, %arg6: memref<10000x64xf32, #tpu.memory_space<vmem>>) attributes {dimension_semantics = [], scalar_prefetch = 0 : i64, scratch_operands = 0 : i64, tpu.core_type = #tpu.core_type<tc>} {
    %get3A = arith.constant 0 : index
    %get3A_0 = arith.constant 0 : index
    %get3A_1 = vector.load %arg0[%get3A, %get3A_0] : memref<10000x128xf32, #tpu.memory_space<vmem>>, vector<10000x128xf32>
    %get3A_2 = arith.constant 0 : index
    %get3A_3 = arith.constant 0 : index
    %get3A_4 = vector.load %arg1[%get3A_2, %get3A_3] : memref<128x64xf32, #tpu.memory_space<vmem>>, vector<128x64xf32>
    %dot_general3A = arith.constant dense<0.000000e+00> : vector<10000x64xf32>
    %dot_general3A_5 = tpu.matmul %get3A_1, %get3A_4, %dot_general3A {dimension_numbers = #tpu.dot_dimension_numbers<[1], [0], [0], [1], [0, 0, 1, 1], [], []>, transpose_lhs_hint = false} : vector<10000x128xf32>, vector<128x64xf32>, vector<10000x64xf32> -> vector<10000x64xf32>
    %get3A_6 = arith.constant 0 : index
    %get3A_7 = arith.constant 0 : index
    %get3A_8 = vector.load %arg0[%get3A_6, %get3A_7] : memref<10000x128xf32, #tpu.memory_space<vmem>>, vector<10000x128xf32>
    %get3A_9 = arith.constant 0 : index
    %get3A_10 = arith.constant 0 : index
    %get3A_11 = vector.load %arg2[%get3A_9, %get3A_10] : memref<128x32xf32, #tpu.memory_space<vmem>>, vector<128x32xf32>
    %dot_general3A_12 = arith.constant dense<0.000000e+00> : vector<10000x32xf32>
    %dot_general3A_13 = tpu.matmul %get3A_8, %get3A_11, %dot_general3A_12 {dimension_numbers = #tpu.dot_dimension_numbers<[1], [0], [0], [1], [0, 0, 1, 1], [], []>, transpose_lhs_hint = false} : vector<10000x128xf32>, vector<128x32xf32>, vector<10000x32xf32> -> vector<10000x32xf32>
    %get3A_14 = arith.constant 0 : index
    %get3A_15 = arith.constant 0 : index
    %get3A_16 = vector.load %arg0[%get3A_14, %get3A_15] : memref<10000x128xf32, #tpu.memory_space<vmem>>, vector<10000x128xf32>
    %get3A_17 = arith.constant 0 : index
    %get3A_18 = arith.constant 0 : index
    %get3A_19 = vector.load %arg3[%get3A_17, %get3A_18] : memref<128x32xf32, #tpu.memory_space<vmem>>, vector<128x32xf32>
    %dot_general3A_20 = arith.constant dense<0.000000e+00> : vector<10000x32xf32>
    %dot_general3A_21 = tpu.matmul %get3A_16, %get3A_19, %dot_general3A_20 {dimension_numbers = #tpu.dot_dimension_numbers<[1], [0], [0], [1], [0, 0, 1, 1], [], []>, transpose_lhs_hint = false} : vector<10000x128xf32>, vector<128x32xf32>, vector<10000x32xf32> -> vector<10000x32xf32>
    %get3A_22 = arith.constant 0 : index
    %get3A_23 = arith.constant 0 : index
    %get3A_24 = vector.load %arg4[%get3A_22, %get3A_23] : memref<10000x1xf32, #tpu.memory_space<vmem>>, vector<10000x1xf32>
    %mul3A = vector.broadcast %get3A_24 : vector<10000x1xf32> to vector<10000x64xf32>
    %mul3A_25 = arith.mulf %dot_general3A_5, %mul3A : vector<10000x64xf32>
    %swap3A = arith.constant 0 : index
    %swap3A_26 = arith.constant 0 : index
    %swap3A_27 = vector.load %arg6[%swap3A, %swap3A_26] : memref<10000x64xf32, #tpu.memory_space<vmem>>, vector<10000x64xf32>
    tpu.vector_store %arg6[%swap3A, %swap3A_26], %mul3A_25 {strides = array<i32>} : memref<10000x64xf32, #tpu.memory_space<vmem>>, vector<10000x64xf32>,
    %broadcast_in_dim3A = arith.constant 0.000000e+00 : bf16
    %broadcast_in_dim3A_28 = vector.broadcast %broadcast_in_dim3A : bf16 to vector<240x32xbf16>
    %get3A_29 = arith.constant 0 : index
    %get3A_30 = arith.constant 0 : index
    %get3A_31 = vector.load %arg4[%get3A_29, %get3A_30] : memref<10000x1xf32, #tpu.memory_space<vmem>>, vector<10000x1xf32>
    %mul3A_32 = vector.broadcast %get3A_31 : vector<10000x1xf32> to vector<10000x32xf32>
    %mul3A_33 = arith.mulf %dot_general3A_13, %mul3A_32 : vector<10000x32xf32>
    %convert_element_type3A = arith.truncf %mul3A_33 : vector<10000x32xf32> to vector<10000x32xbf16>
    %swap3A_34 = arith.constant 0 : index
    %swap3A_35 = arith.constant 0 : index
    %swap3A_36 = arith.constant 0 : index
    %swap3A_37 = vector.load %arg5[%swap3A_34, %swap3A_35, %swap3A_36] : memref<2x10240x32xbf16, #tpu.memory_space<vmem>>, vector<1x10000x32xbf16>
    %swap3A_38 = vector.shape_cast %swap3A_37 : vector<1x10000x32xbf16> to vector<10000x32xbf16>
    %swap3A_39 = vector.shape_cast %convert_element_type3A : vector<10000x32xbf16> to vector<1x10000x32xbf16>
    tpu.vector_store %arg5[%swap3A_34, %swap3A_35, %swap3A_36], %swap3A_39 {strides = array<i32>} : memref<2x10240x32xbf16, #tpu.memory_space<vmem>>, vector<1x10000x32xbf16>,
    %swap3A_40 = arith.constant 0 : index
    %swap3A_41 = arith.constant 10000 : index
    %swap3A_42 = arith.constant 0 : index
    %swap3A_43 = vector.load %arg5[%swap3A_40, %swap3A_41, %swap3A_42] : memref<2x10240x32xbf16, #tpu.memory_space<vmem>>, vector<1x240x32xbf16>
    %swap3A_44 = vector.shape_cast %swap3A_43 : vector<1x240x32xbf16> to vector<240x32xbf16>
    %swap3A_45 = vector.shape_cast %broadcast_in_dim3A_28 : vector<240x32xbf16> to vector<1x240x32xbf16>
    tpu.vector_store %arg5[%swap3A_40, %swap3A_41, %swap3A_42], %swap3A_45 {strides = array<i32>} : memref<2x10240x32xbf16, #tpu.memory_space<vmem>>, vector<1x240x32xbf16>,
    %get3A_46 = arith.constant 0 : index
    %get3A_47 = arith.constant 0 : index
    %get3A_48 = vector.load %arg4[%get3A_46, %get3A_47] : memref<10000x1xf32, #tpu.memory_space<vmem>>, vector<10000x1xf32>
    %mul3A_49 = vector.broadcast %get3A_48 : vector<10000x1xf32> to vector<10000x32xf32>
    %mul3A_50 = arith.mulf %dot_general3A_21, %mul3A_49 : vector<10000x32xf32>
    %convert_element_type3A_51 = arith.truncf %mul3A_50 : vector<10000x32xf32> to vector<10000x32xbf16>
    %swap3A_52 = arith.constant 1 : index
    %swap3A_53 = arith.constant 0 : index
    %swap3A_54 = arith.constant 0 : index
    %swap3A_55 = vector.load %arg5[%swap3A_52, %swap3A_53, %swap3A_54] : memref<2x10240x32xbf16, #tpu.memory_space<vmem>>, vector<1x10000x32xbf16>
    %swap3A_56 = vector.shape_cast %swap3A_55 : vector<1x10000x32xbf16> to vector<10000x32xbf16>
    %swap3A_57 = vector.shape_cast %convert_element_type3A_51 : vector<10000x32xbf16> to vector<1x10000x32xbf16>
    tpu.vector_store %arg5[%swap3A_52, %swap3A_53, %swap3A_54], %swap3A_57 {strides = array<i32>} : memref<2x10240x32xbf16, #tpu.memory_space<vmem>>, vector<1x10000x32xbf16>,
    %swap3A_58 = arith.constant 1 : index
    %swap3A_59 = arith.constant 10000 : index
    %swap3A_60 = arith.constant 0 : index
    %swap3A_61 = vector.load %arg5[%swap3A_58, %swap3A_59, %swap3A_60] : memref<2x10240x32xbf16, #tpu.memory_space<vmem>>, vector<1x240x32xbf16>
    %swap3A_62 = vector.shape_cast %swap3A_61 : vector<1x240x32xbf16> to vector<240x32xbf16>
    %swap3A_63 = vector.shape_cast %broadcast_in_dim3A_28 : vector<240x32xbf16> to vector<1x240x32xbf16>
    tpu.vector_store %arg5[%swap3A_58, %swap3A_59, %swap3A_60], %swap3A_63 {strides = array<i32>} : memref<2x10240x32xbf16, #tpu.memory_space<vmem>>, vector<1x240x32xbf16>,
    return
  }
}

module attributes {stable_mosaic.version = 14 : i64} {
  func.func @body(%arg0: memref<10000x64xf32, #tpu.memory_space<vmem>>, %arg1: memref<10000x64xf32, #tpu.memory_space<vmem>>, %arg2: memref<10000x1xf32, #tpu.memory_space<vmem>>, %arg3: memref<64xf32, #tpu.memory_space<vmem>>, %arg4: memref<64x2xf32, #tpu.memory_space<vmem>>, %arg5: memref<10240x2xf32, #tpu.memory_space<vmem>>) attributes {dimension_semantics = [], scalar_prefetch = 0 : i64, scratch_operands = 0 : i64, tpu.core_type = #tpu.core_type<tc>} {
    %get3A = arith.constant 0 : index
    %get3A_0 = arith.constant 0 : index
    %get3A_1 = vector.load %arg0[%get3A, %get3A_0] : memref<10000x64xf32, #tpu.memory_space<vmem>>, vector<10000x64xf32>
    %get3A_2 = arith.constant 0 : index
    %get3A_3 = arith.constant 0 : index
    %get3A_4 = vector.load %arg1[%get3A_2, %get3A_3] : memref<10000x64xf32, #tpu.memory_space<vmem>>, vector<10000x64xf32>
    %add3A = arith.addf %get3A_1, %get3A_4 : vector<10000x64xf32>
    %get3A_5 = arith.constant 0 : index
    %get3A_6 = arith.constant 0 : index
    %get3A_7 = vector.load %arg2[%get3A_5, %get3A_6] : memref<10000x1xf32, #tpu.memory_space<vmem>>, vector<10000x1xf32>
    %mul3A = vector.broadcast %get3A_7 : vector<10000x1xf32> to vector<10000x64xf32>
    %mul3A_8 = arith.mulf %add3A, %mul3A : vector<10000x64xf32>
    %get3A_9 = arith.constant 0 : index
    %get3A_10 = vector.load %arg3[%get3A_9] : memref<64xf32, #tpu.memory_space<vmem>>, vector<64xf32>
    %broadcast_in_dim3A = vector.shape_cast %get3A_10 : vector<64xf32> to vector<1x64xf32>
    %add3A_11 = vector.broadcast %broadcast_in_dim3A : vector<1x64xf32> to vector<10000x64xf32>
    %add3A_12 = arith.addf %mul3A_8, %add3A_11 : vector<10000x64xf32>
    %max3A = arith.constant 0.000000e+00 : f32
    %max3A_13 = vector.broadcast %max3A : f32 to vector<10000x64xf32>
    %max3A_14 = arith.maximumf %add3A_12, %max3A_13 : vector<10000x64xf32>
    %get3A_15 = arith.constant 0 : index
    %get3A_16 = arith.constant 0 : index
    %get3A_17 = vector.load %arg4[%get3A_15, %get3A_16] : memref<64x2xf32, #tpu.memory_space<vmem>>, vector<64x2xf32>
    %dot_general3A = arith.constant dense<0.000000e+00> : vector<10000x2xf32>
    %dot_general3A_18 = tpu.matmul %max3A_14, %get3A_17, %dot_general3A {dimension_numbers = #tpu.dot_dimension_numbers<[1], [0], [0], [1], [0, 0, 1, 1], [], []>, transpose_lhs_hint = false} : vector<10000x64xf32>, vector<64x2xf32>, vector<10000x2xf32> -> vector<10000x2xf32>
    %get3A_19 = arith.constant 0 : index
    %get3A_20 = arith.constant 0 : index
    %get3A_21 = vector.load %arg2[%get3A_19, %get3A_20] : memref<10000x1xf32, #tpu.memory_space<vmem>>, vector<10000x1xf32>
    %mul3A_22 = vector.broadcast %get3A_21 : vector<10000x1xf32> to vector<10000x2xf32>
    %mul3A_23 = arith.mulf %dot_general3A_18, %mul3A_22 : vector<10000x2xf32>
    %swap3A = arith.constant 0 : index
    %swap3A_24 = arith.constant 0 : index
    %swap3A_25 = vector.load %arg5[%swap3A, %swap3A_24] : memref<10240x2xf32, #tpu.memory_space<vmem>>, vector<10000x2xf32>
    tpu.vector_store %arg5[%swap3A, %swap3A_24], %mul3A_23 {strides = array<i32>} : memref<10240x2xf32, #tpu.memory_space<vmem>>, vector<10000x2xf32>,
    %broadcast_in_dim3A_26 = arith.constant 0.000000e+00 : f32
    %broadcast_in_dim3A_27 = vector.broadcast %broadcast_in_dim3A_26 : f32 to vector<240x2xf32>
    %swap3A_28 = arith.constant 10000 : index
    %swap3A_29 = arith.constant 0 : index
    %swap3A_30 = vector.load %arg5[%swap3A_28, %swap3A_29] : memref<10240x2xf32, #tpu.memory_space<vmem>>, vector<240x2xf32>
    tpu.vector_store %arg5[%swap3A_28, %swap3A_29], %broadcast_in_dim3A_27 {strides = array<i32>} : memref<10240x2xf32, #tpu.memory_space<vmem>>, vector<240x2xf32>,
    return
  }
}

module attributes {stable_mosaic.version = 14 : i64} {
  func.func @body(%arg0: memref<10000x2xf32, #tpu.memory_space<vmem>>, %arg1: memref<10000x2xf32, #tpu.memory_space<vmem>>, %arg2: memref<10000x2xf32, #tpu.memory_space<vmem>>, %arg3: memref<10000x1xf32, #tpu.memory_space<vmem>>, %arg4: memref<2xf32, #tpu.memory_space<vmem>>, %arg5: memref<10000x2xf32, #tpu.memory_space<vmem>>) attributes {dimension_semantics = [], scalar_prefetch = 0 : i64, scratch_operands = 0 : i64, tpu.core_type = #tpu.core_type<tc>} {
    %get3A = arith.constant 0 : index
    %get3A_0 = arith.constant 0 : index
    %get3A_1 = vector.load %arg0[%get3A, %get3A_0] : memref<10000x2xf32, #tpu.memory_space<vmem>>, vector<10000x2xf32>
    %get3A_2 = arith.constant 0 : index
    %get3A_3 = arith.constant 0 : index
    %get3A_4 = vector.load %arg1[%get3A_2, %get3A_3] : memref<10000x2xf32, #tpu.memory_space<vmem>>, vector<10000x2xf32>
    %add3A = arith.addf %get3A_1, %get3A_4 : vector<10000x2xf32>
    %get3A_5 = arith.constant 0 : index
    %get3A_6 = arith.constant 0 : index
    %get3A_7 = vector.load %arg2[%get3A_5, %get3A_6] : memref<10000x2xf32, #tpu.memory_space<vmem>>, vector<10000x2xf32>
    %add3A_8 = arith.addf %add3A, %get3A_7 : vector<10000x2xf32>
    %get3A_9 = arith.constant 0 : index
    %get3A_10 = arith.constant 0 : index
    %get3A_11 = vector.load %arg3[%get3A_9, %get3A_10] : memref<10000x1xf32, #tpu.memory_space<vmem>>, vector<10000x1xf32>
    %mul3A = vector.broadcast %get3A_11 : vector<10000x1xf32> to vector<10000x2xf32>
    %mul3A_12 = arith.mulf %add3A_8, %mul3A : vector<10000x2xf32>
    %get3A_13 = arith.constant 0 : index
    %get3A_14 = vector.load %arg4[%get3A_13] : memref<2xf32, #tpu.memory_space<vmem>>, vector<2xf32>
    %broadcast_in_dim3A = vector.shape_cast %get3A_14 : vector<2xf32> to vector<1x2xf32>
    %add3A_15 = vector.broadcast %broadcast_in_dim3A : vector<1x2xf32> to vector<10000x2xf32>
    %add3A_16 = arith.addf %mul3A_12, %add3A_15 : vector<10000x2xf32>
    %swap3A = arith.constant 0 : index
    %swap3A_17 = arith.constant 0 : index
    %swap3A_18 = vector.load %arg5[%swap3A, %swap3A_17] : memref<10000x2xf32, #tpu.memory_space<vmem>>, vector<10000x2xf32>
    tpu.vector_store %arg5[%swap3A, %swap3A_17], %add3A_16 {strides = array<i32>} : memref<10000x2xf32, #tpu.memory_space<vmem>>, vector<10000x2xf32>,
    return
  }
}

</mosaic_0001>

<sc_bundles>
// kernel: kernel.11.cloned.1.call-start
scs
__scs_entry_jumppad:
0x0: {  	(pc) =	sbr.rel $0x88, $3  }
0x1: {  	(tag) =	ssettag $0x0;
	lr =	simm.s32 $0x1  }
0x2: {  	[smem:$0x3F9A] =	sst lr;
	_ =	strace $0xD0000000  }
0x3: {  	_ = 	snop  }
0x4: {  	_ = 	snop  }
0x5: {  	_ = 	snop  }
0x6: {  	_ = 	snop  }
0x7: {  	_ = 	snop  }
__scs_overlays_trampoline_lowered:
0x8: {  	[smem:$0x3FA9] =	sst s0  }
0x9: {  	[smem:$0x3FAA] =	sst s1  }
0xa: {  	[smem:$0x3FAB] =	sst s2  }
0xb: {  	[smem:$0x3FAC] =	sst s3  }
0xc: {  	[smem:$0x3FAD] =	sst s4  }
0xd: {  	[smem:$0x3FAE] =	sst s5  }
0xe: {  	[smem:$0x3FAF] =	sst s6  }
0xf: {  	[smem:$0x3FB0] =	sst s7  }
0x10: {  	[smem:$0x3FB1] =	sst s8  }
0x11: {  	[smem:$0x3FB2] =	sst s9;
	s0 =	simm.s32 @!p0 $0x0  }
0x12: {  	s1 =	sld [smem:$0x3F98];
	s0 =	simm.s32 @p0 $0x1  }
0x13: {  	[smem:$0x3FB3] =	sst s0;
	s0 =	simm.s32 @!p1 $0x0  }
0x14: {  	s2 =	sld [smem:$0x3F97];
	s0 =	simm.s32 @p1 $0x1  }
0x15: {  	[smem:$0x3FB4] =	sst s0;
	s0 =	simm.s32 @!p2 $0x0  }
0x16: {  	s3 =	sld [smem:$0x3FDB];
	s0 =	simm.s32 @p2 $0x1  }
0x17: {  	s4 =	simm.s32 $0x1BF5;
	[smem:$0x3FB6] =	sst s0  }
0x18: {  	s0 =	sld [smem:$0x3F99];
	_ =	swait.ge [sflag:s4], $0x0  }
0x19: {  	s7 =	sld [smem:$0x3F9A]  }
0x1a: {  	s8 =	sadd.s32 $0xFFFFE003, lr  }
0x1b: {  	s9 =	sadd.s32 $0xFFFFFEF7, lr;
	s5 =	simm.s32 $0xFFFFFFFF;
	p2 =	slt.u32 s8, $0xFFFFF086  }
0x1c: {  	p1 =	slt.u32 s9, $0xF7A;
	s5 =	simm.s32 @!p2 $0x0  }
0x1d: {  	s5 =	simm.s32 @p1 $0x1;
	p0 =	seq.s32 s7, s2  }
0x1e: {  	s7 =	smul.u32 @!p0 $0xF7A, s2;
	p2 =	seq.s32 @!p0 s5, $0x0  }
0x1f: {  	s9 =	smul.u32 $0xF7A, s1;
	s8 =	simm.s32 @!p0 $0x1BF5;
	p2 =	por !p2, p0  }
0x20: {  	[sflag:s8] =	ssyncset.s32 @!p0 $0xFFFFF086;
	s6 =	sadd.s32 @!p0 s3, s7;
	s7 =	simm.s32 @!p0 $0x108  }
0x21: {  	s3 =	sadd.s32 s3, s9;
	s6 =	sadd.s32 @!p0 $0x88, s6;
	s7 =	simm.s32 @p2 $0x1082  }
0x22: {  	[simem:s7], [sflag:s8] =	dma.local @!p0 [hbm:s6], $0xF7A  }
0x23: {  	s9 =	sor.u32 $0xD0000000, s2;
	s6 =	simm.s32 $0x108;
	_ =	swait.ge @!p0 [sflag:s8], $0x0  }
0x24: {  	s3 =	sadd.s32 $0x88, s3;
	s6 =	simm.s32 @!p1 $0x1082;
	[sflag:s4] =	ssyncset.s32 $0xFFFFF086  }
0x25: {  	[simem:s6], [sflag:s4] =	dma.local [hbm:s3], $0xF7A  }
0x26: {  	[smem:$0x3F9A] =	sst s1;
	(tag) =	ssettag s2;
	_ =	strace s9  }
0x27: {  	s1 =	sld [smem:$0x3FAA]  }
0x28: {  	s2 =	sld [smem:$0x3FAB]  }
0x29: {  	s4 =	sld [smem:$0x3FAD]  }
0x2a: {  	p0 =	seq.s32 s5, $0x0;
	s5 =	sld [smem:$0x3FAE]  }
0x2b: {  	s6 =	sld [smem:$0x3FAF]  }
0x2c: {  	s7 =	sld [smem:$0x3FB0]  }
0x2d: {  	s3 =	simm.s32 $0x108;
	s8 =	sld [smem:$0x3FB1]  }
0x2e: {  	s3 =	simm.s32 @!p0 $0x1082;
	s9 =	sld [smem:$0x3FB2]  }
0x2f: {  	lr =	sadd.s32 s0, s3;
	s0 =	sld [smem:$0x3FA9]  }
0x30: {  	s3 =	sld [smem:$0x3FAC]  }
0x31: {  	[smem:$0x3FB5] =	sst s10  }
0x32: {  	s10 =	sld [smem:$0x3FB3];
	_ =	sdelay $0x3  }
0x33: {  	p0 =	seq.s32 s10, $0x1;
	s10 =	sld [smem:$0x3FB5];
	_ =	sdelay $0x3  }
0x34: {  	[smem:$0x3FB5] =	sst s10  }
0x35: {  	s10 =	sld [smem:$0x3FB4];
	_ =	sdelay $0x3  }
0x36: {  	p1 =	seq.s32 s10, $0x1;
	s10 =	sld [smem:$0x3FB5];
	_ =	sdelay $0x3  }
0x37: {  	[smem:$0x3FB5] =	sst s10  }
0x38: {  	s10 =	sld [smem:$0x3FB6]  }
0x39: {  	_ = 	snop;
	(pc) =	sbr.ind lr, $3  }
0x3a: {  	_ = 	snop  }
0x3b: {  	_ = 	snop  }
0x3c: {  	p2 =	seq.s32 s10, $0x1;
	s10 =	sld [smem:$0x3FB5]  }
0x3d: {  	_ =	shalt  }
0x3e: {  	_ =	shalt  }
0x3f: {  	_ =	shalt  }
0x40: {  	_ =	shalt  }
0x41: {  	_ =	shalt  }
0x42: {  	_ =	shalt  }
0x43: {  	_ =	shalt  }
0x44: {  	_ =	shalt  }
0x45: {  	_ =	shalt  }
0x46: {  	_ =	shalt  }
0x47: {  	_ =	shalt  }
0x48: {  	_ =	shalt  }
0x49: {  	_ =	shalt  }
0x4a: {  	_ =	shalt  }
0x4b: {  	_ =	shalt  }
0x4c: {  	_ =	shalt  }
0x4d: {  	_ =	shalt  }
0x4e: {  	_ =	shalt  }
0x4f: {  	_ =	shalt  }
0x50: {  	_ =	shalt  }
0x51: {  	_ =	shalt  }
0x52: {  	_ =	shalt  }
0x53: {  	_ =	shalt  }
0x54: {  	_ =	shalt  }
0x55: {  	_ =	shalt  }
0x56: {  	_ =	shalt  }
0x57: {  	_ =	shalt  }
0x58: {  	_ =	shalt  }
0x59: {  	_ =	shalt  }
0x5a: {  	_ =	shalt  }
0x5b: {  	_ =	shalt  }
0x5c: {  	_ =	shalt  }
0x5d: {  	_ =	shalt  }
0x5e: {  	_ =	shalt  }
0x5f: {  	_ =	shalt  }
0x60: {  	_ =	shalt  }
0x61: {  	_ =	shalt  }
0x62: {  	_ =	shalt  }
0x63: {  	_ =	shalt  }
0x64: {  	_ =	shalt  }
0x65: {  	_ =	shalt  }
0x66: {  	_ =	shalt  }
0x67: {  	_ =	shalt  }
0x68: {  	_ =	shalt  }
0x69: {  	_ =	shalt  }
0x6a: {  	_ =	shalt  }
0x6b: {  	_ =	shalt  }
0x6c: {  	_ =	shalt  }
0x6d: {  	_ =	shalt  }
0x6e: {  	_ =	shalt  }
0x6f: {  	_ =	shalt  }
0x70: {  	_ =	shalt  }
0x71: {  	_ =	shalt  }
0x72: {  	_ =	shalt  }
0x73: {  	_ =	shalt  }
0x74: {  	_ =	shalt  }
0x75: {  	_ =	shalt  }
0x76: {  	_ =	shalt  }
0x77: {  	_ =	shalt  }
0x78: {  	_ =	shalt  }
0x79: {  	_ =	shalt  }
0x7a: {  	_ =	shalt  }
0x7b: {  	_ =	shalt  }
0x7c: {  	_ =	shalt  }
0x7d: {  	_ =	shalt  }
0x7e: {  	_ =	shalt  }
0x7f: {  	_ =	shalt  }
0x80: {  	_ =	shalt  }
0x81: {  	_ =	shalt  }
0x82: {  	_ =	shalt  }
0x83: {  	_ =	shalt  }
0x84: {  	_ =	shalt  }
0x85: {  	_ =	shalt  }
0x86: {  	_ =	shalt  }
0x87: {  	_ =	shalt  }
.Lfunc_end0:
.L_simem_size_0:
called_computation.1_lowered:
.L_overlay_start_0:
0x88: {  	s2 =	sld [smem:$0x3FD9]  }
0x89: {  	s3 =	sld [smem:$0x3FFE];
	_ =	sdelay $0x1  }
0x8a: {  	s1 =	srdreg.scid  }
0x8b: {  	s0 =	sand.u32 $0x1, s1  }
0x8c: {  	s16 =	sshll.u32 s0, $0xA;
	s2 =	sadd.s32 s3, s2  }
0x8d: {  	s2 =	sadd.s32 s2, s16  }
0x8e: {  	[smem:$0x3FC1] =	sst s2  }
0x8f: {  	_ = 	snop  }
0x90: {  	(tm) =	ssettm $0x1  }
0x91: {  	s17 =	sld [smem:$0x3FFB];
	_ =	sdelay $0x3  }
0x92: {  	_ =	strace s17  }
0x93: {  	s2 =	sld [smem:$0x3FFC];
	_ =	sdelay $0x3  }
0x94: {  	_ =	strace s2  }
0x95: {  	s2 =	sld [smem:$0x3FFD];
	_ =	sdelay $0x3  }
0x96: {  	_ =	strace s2  }
0x97: {  	_ =	strace $0x8FFFFFFF  }
0x98: {  	s18 =	sld [smem:$0x3FDB];
	_ =	sdelay $0x1  }
0x99: {  	s19 =	simm.s32 $_scs_section_size  }
0x9a: {  	s4 =	simm.s32 $_size__tile_overlayer_lowered;
	s5 =	simm.s32 $_tile_overlayer_lowered  }
0x9b: {  	s22 =	simm.s32 $0x1BFF;
	s21 =	sshll.u32 s5, $0x1;
	s2 =	sadd.s32 s19, s18  }
0x9c: {  	s6 =	simm.s32 $0x0;
	s20 =	sshll.u32 s4, $0x1;
	s4 =	sadd.s32 s21, s2  }
0x9d: {  	[timem:s6], [sflag:s22] =	dma.local [hbm:s4], s20  }
0x9e: {  	_ =	swait.ge [sflag:s22], s20  }
0x9f: {  	s3 =	ssub.s32 $0x0, s20;
	[sflag:s22] =	ssyncset.done $0x0  }
0xa0: {  	[sflag:s22] =	ssyncadd.s32 s3;
	_ =	sdelay $0x1  }
0xa1: {  	s23 =	simm.s32 $0x1B8B  }
0xa2: {  	_ =	swait.ge [sflag:s23], $0x1  }
0xa3: {  	[sflag:s23] =	ssyncset.done $0x0  }
0xa4: {  	s25 =	simm.s32 $0x1B8E;
	s24 =	sld [smem:$0x3FFE];
	[sflag:s23] =	ssyncadd.s32 $0xFFFFFFFF  }
0xa5: {  	s26 =	simm.s32 $execute0_lowered;
	[smem:$0x3FD2] =	sst s25  }
0xa6: {  	s4 =	sshll.u32 s26, $0x1;
	_ =	strace $0x80000049;
	[dreg:$0x1] =	wrdreg $0xFFFFFFFF  }
0xa7: {  	s28 =	simm.s32 $_size_execute0_lowered;
	s2 =	sadd.s32 s2, s4;
	[dreg:$0x0] =	wrdreg $0x0  }
0xa8: {  	s4 =	sshll.u32 s28, $0x1;
	[dreg:$0x2] =	wrdreg s2  }
0xa9: {  	[dreg:$0x3] =	wrdreg s4  }
0xaa: {  	[dreg:$0x4] =	wrdreg $0xC0  }
0xab: {  	_ =	task [dreg:s6], $0x5FFFF  }
0xac: {  	[dreg:$0x1] =	wrdreg $0xFFFFFFFF  }
0xad: {  	[dreg:$0x0] =	wrdreg $0x60  }
0xae: {  	[dreg:$0x2] =	wrdreg s24  }
0xaf: {  	[dreg:$0x3] =	wrdreg $0x178000  }
0xb0: {  	[dreg:$0x4] =	wrdreg $0x9  }
0xb1: {  	_ =	task.clear_ibuf [dreg:s6], $0x5FFFF;
	_ =	strace $0x90000049  }
0xb2: {  	s29 =	simm.s32 $0x9;
	_ =	strace $0x8000004B  }
0xb3: {  	_ =	swait.ge [sflag:s29], $0x1  }
0xb4: {  	[sflag:s29] =	ssyncadd.s32 $0xFFFFFFFF  }
0xb5: {  	_ =	strace $0x9000004B  }
0xb6: {  	_ =	sfence  }
0xb7: {  	s30 =	sld [smem:$0x0];
	_ =	sdelay $0x2  }
0xb8: {  	s31 =	sshll.u32 s1, $0xD;
	s1 =	sshrl.u32 s1, $0x2  }
0xb9: {  	s3 =	sand.u32 $0x4000, s31;
	s1 =	sadd.s32 s1, s30  }
0xba: {  	s0 =	sor.u32 s3, s0;
	s1 =	sshll.u32 s1, $0x11  }
0xbb: {  	s0 =	sor.u32 s1, s0  }
0xbc: {  	s0 =	sadd.s32 $0x8F2B, s0  }
0xbd: {  	[sflag:s0] =	ssyncadd.remote.s32 $0x1  }
0xbe: {  	_ =	sfence.sel $0xFFFF  }
0xbf: {  	[dreg:$0x0] =	wrdreg $0xFFFFFFFF;
	(pc) =	sbr.abs _section_cstart, $3  }
0xc0: {  	[dreg:$0x1] =	wrdreg $0xFFFFFFFF  }
0xc1: {  	_ =	task.clear_ibuf [dreg:s6], $0x2FFFF;
	_ =	strace $0x9FFFFFFF  }
0xc2: {  	(tm) =	ssettm $0x7FFFFFFF  }
0xc3: {  	_ =	shalt  }
tec
execute0_lowered:
.L_overlay_start_1:
0x0: {  	(tag) =	ssettag $0x1  }
0x1: {  	s0 =	rddreg [dreg:$0x0]  }
0x2: {  	s2 =	rddreg [dreg:$0x1];
	s12 =	simm.s32 $0x0  }
0x3: {  	s4 =	stileid.u32;
	s1 =	srdreg.scid;
	s31 =	simm.s32 $0x1  }
0x4: {  	s28 =	simm.s32 $0x13800;
	s29 =	simm.s32 $0x4;
	s3 =	smul.u32 $0xA00, s4  }
0x5: {  	[smem:$0x7FF] =	sst s12;
	s1 =	sand.u32 $0x1, s1;
	s6 =	smul.u32 $0x5000, s4  }
0x6: {  	s4 =	sadd.s32 $0x20000, s0;
	_ =	strace $0x8000004A;
	s11 =	smul.u32 $0x50000, s1  }
0x7: {  	s5 =	ssub.s32 $0x2, s1;
	s1 =	smul.u32 $0x2800, s1;
	s3 =	sadd.s32 s3, s0  }
0x8: {  	s7 =	sshrl.u32 s5, $0x1;
	s0 =	sadd.s32 $0x2A000, s0;
	s26 =	sadd.s32 $0x1000, s6  }
0x9: {  	s13 =	sadd.s32 s6, s2;
	s8 =	sadd.s32 $0x2000, s6;
	s9 =	sadd.s32 $0x3000, s6  }
0xa: {  	s10 =	sadd.s32 $0x4000, s6;
	s5 =	ssub.s32 s5, s7;
	s14 =	sadd.s32 s26, s2  }
0xb: {  	s15 =	sadd.s32 s8, s2;
	s30 =	sadd.s32 s9, s2;
	[dreg:$0x4] =	wrdreg s13  }
0xc: {  	s16 =	sadd.s32 s10, s2;
	s17 =	sadd.s32 $0x16000, s3;
	[dreg:$0x6] =	wrdreg s15  }
0xd: {  	s18 =	sadd.s32 $0x2000, s3;
	s6 =	sadd.s32 s6, s11;
	[dreg:$0x7] =	wrdreg s30  }
0xe: {  	s3 =	sadd.s32 $0xC000, s3;
	s20 =	sadd.s32 s11, s26;
	[dreg:$0x8] =	wrdreg s16  }
0xf: {  	s22 =	sadd.s32 s11, s8;
	s23 =	sadd.s32 s11, s9;
	[dreg:$0x9] =	wrdreg s17  }
0x10: {  	s24 =	sadd.s32 s11, s10;
	v0 =	vmov s1;
	s1 =	simm.s32 $0x14800;
	[dreg:$0xa] =	wrdreg s18  }
0x11: {  	s10 =	simm.s32 $0x5;
	s11 =	simm.s32 $0x15800;
	[dreg:$0xb] =	wrdreg s3  }
0x12: {  	s19 =	sshrl.u32 s6, $0x3;
	s21 =	sshrl.u32 s20, $0x3;
	s6 =	sshrl.u32 s23, $0x3  }
0x13: {  	s26 =	sshrl.u32 s24, $0x3;
	s30 =	smax.u32 s5, $0x1;
	[dreg:$0x5] =	wrdreg s14  }
0x14: {  	s20 =	simm.s32 $0x6;
	s3 =	sadd.s32 s0, s19;
	[dreg:$0x11] =	wrdreg s30  }
0x15: {  	s23 =	simm.s32 $0x80;
	s25 =	sadd.s32 s0, s6;
	[dreg:$0xc] =	wrdreg s3  }
.Ltmp0:
0x16: {  	s3 =	sadd.s32 s0, s21;
	[dreg:$0xf] =	wrdreg s25;
	(pc) =	sbr.rel .LBB2_1-.Ltmp0, $4  }
0x17: {  	s24 =	simm.s32 $0x2;
	[dreg:$0xd] =	wrdreg s3;
	s3 =	sshrl.u32 s22, $0x3  }
0x18: {  	s21 =	simm.s32 $0x11000;
	s25 =	simm.s32 $0x12800;
	s3 =	sadd.s32 s0, s3  }
0x19: {  	s22 =	simm.s32 $0xA000;
	s0 =	sadd.s32 s0, s26;
	[dreg:$0xe] =	wrdreg s3  }
0x1a: {  	v1 =	vimm.f32 $0.0e+00;
	s26 =	simm.s32 $0x3;
	[dreg:$0x10] =	wrdreg s0;
	s0 =	simm.s32 $0x11800  }
.LBB2_18:
0x1b: {  	_ =	swait.ge [sflag:s31], $0x1000  }
0x1c: {  	[sflag:s31] =	ssyncset.done $0x0  }
0x1d: {  	[sflag:s31] =	ssyncadd.s32 $0xFFFFF000  }
0x1e: {  	_ =	swait.ge [sflag:s24], $0x1000  }
0x1f: {  	[sflag:s24] =	ssyncset.done $0x0  }
0x20: {  	[sflag:s24] =	ssyncadd.s32 $0xFFFFF000  }
0x21: {  	_ =	swait.ge [sflag:s26], $0x1000  }
0x22: {  	[sflag:s26] =	ssyncset.done $0x0  }
0x23: {  	[sflag:s26] =	ssyncadd.s32 $0xFFFFF000  }
0x24: {  	_ =	swait.ge [sflag:s29], $0x1000  }
0x25: {  	[sflag:s29] =	ssyncset.done $0x0  }
0x26: {  	[sflag:s29] =	ssyncadd.s32 $0xFFFFF000  }
0x27: {  	_ =	swait.ge [sflag:s10], $0x1000  }
0x28: {  	[sflag:s10] =	ssyncset.done $0x0  }
0x29: {  	[sflag:s10] =	ssyncadd.s32 $0xFFFFF000  }
0x2a: {  	s3 =	stileid.u32;
	[bflag:$0x0] =	sbarrier.arrive $0xFFFF  }
0x2b: {  	s3 =	sshll.u32 s3, $0x6;
	s13 =	rddreg [dreg:$0x4]  }
0x2c: {  	s3 =	sor.u32 $0x1C06, s3;
	s6 =	rddreg [dreg:$0xc];
	s5 =	sshrl.u32 s13, $0x3  }
0x2d: {  	[hbm:s6], [sflag:s3] =	dma.local [spmem:s5], $0x200  }
0x2e: {  	_ =	swait.ge [sflag:s20], $0x200  }
0x2f: {  	[sflag:s20] =	ssyncset.done $0x0;
	s14 =	rddreg [dreg:$0x5]  }
0x30: {  	s9 =	rddreg [dreg:$0xd];
	[sflag:s20] =	ssyncadd.s32 $0xFFFFFE00;
	s8 =	sshrl.u32 s14, $0x3  }
0x31: {  	[hbm:s9], [sflag:s3] =	dma.local [spmem:s8], $0x200  }
0x32: {  	_ =	swait.ge [sflag:s20], $0x200  }
0x33: {  	[sflag:s20] =	ssyncset.done $0x0;
	s12 =	rddreg [dreg:$0x6]  }
0x34: {  	s15 =	rddreg [dreg:$0xe];
	[sflag:s20] =	ssyncadd.s32 $0xFFFFFE00;
	s5 =	sshrl.u32 s12, $0x3  }
0x35: {  	[hbm:s15], [sflag:s3] =	dma.local [spmem:s5], $0x200  }
0x36: {  	_ =	swait.ge [sflag:s20], $0x200  }
0x37: {  	[sflag:s20] =	ssyncset.done $0x0;
	s16 =	rddreg [dreg:$0x7]  }
0x38: {  	s17 =	rddreg [dreg:$0xf];
	[sflag:s20] =	ssyncadd.s32 $0xFFFFFE00;
	s5 =	sshrl.u32 s16, $0x3  }
0x39: {  	[hbm:s17], [sflag:s3] =	dma.local [spmem:s5], $0x200  }
0x3a: {  	_ =	swait.ge [sflag:s20], $0x200  }
0x3b: {  	[sflag:s20] =	ssyncset.done $0x0;
	s18 =	rddreg [dreg:$0x8]  }
0x3c: {  	s19 =	rddreg [dreg:$0x10];
	[sflag:s20] =	ssyncadd.s32 $0xFFFFFE00;
	s5 =	sshrl.u32 s18, $0x3  }
0x3d: {  	[hbm:s19], [sflag:s3] =	dma.local [spmem:s5], $0x200  }
0x3e: {  	_ =	swait.ge [sflag:s20], $0x200  }
0x3f: {  	s12 =	rddreg [dreg:$0x3]  }
0x40: {  	s30 =	rddreg [dreg:$0x11];
	s12 =	sadd.s32 $0x1, s12  }
0x41: {  	p0 =	sne.s32 s12, s30  }
.Ltmp1:
0x42: {  	_ = 	snop;
	(pc) =	sbr.rel @!p0 .LBB2_19-.Ltmp1, $3  }
0x43: {  	_ =	sdelay $0x1  }
0x44: {  	[sflag:s20] =	ssyncset.done $0x0  }
0x45: {  	[sflag:s20] =	ssyncadd.s32 $0xFFFFFE00  }
.LBB2_1:
0x46: {  	s3 =	simm.s32 $0x80;
	s5 =	simm.s32 $0x0  }
.LBB2_2:
0x47: {  	p0 =	sne.s32 s3, $0x3F80;
	[tilespmem:s5+$0x16800] =	vst v1;
	s6 =	smov.u32 s3;
	s3 =	sadd.s32 $0x80, s3  }
.Ltmp2:
0x48: {  	[tilespmem:s5+$0x16810] =	vst v1;
	(pc) =	sbr.rel @p0 .LBB2_2-.Ltmp2, $2  }
0x49: {  	_ =	sdelay $0x2  }
0x4a: {  	s5 =	sshra.s32 s6, $0x2  }
0x4b: {  	[tilespmem:s5+$0x16800] =	vst v1  }
0x4c: {  	[dreg:$0x3] =	wrdreg s12;
	[tilespmem:s5+$0x16810] =	vst v1;
	s12 =	simm.s32 $0x16800  }
0x4d: {  	[spmem:s13] =	stream.linear.scatter [tilespmem:s12], [sflag:$0x6], $0x1000, $0x38;
	[tilespmem:$0x1C800] =	vst v63  }
0x4e: {  	_ =	swait.ge [sflag:s20], $0x1000  }
0x4f: {  	[sflag:s20] =	ssyncset.done $0x0  }
0x50: {  	[sflag:s20] =	ssyncadd.s32 $0xFFFFF000  }
0x51: {  	[spmem:s14] =	stream.linear.scatter [tilespmem:s12], [sflag:$0x6], $0x1000, $0x38;
	[tilespmem:$0x1C800] =	vst v63  }
0x52: {  	_ =	swait.ge [sflag:s20], $0x1000  }
0x53: {  	[sflag:s20] =	ssyncset.done $0x0  }
0x54: {  	s3 =	rddreg [dreg:$0x6];
	[sflag:s20] =	ssyncadd.s32 $0xFFFFF000  }
0x55: {  	[spmem:s3] =	stream.linear.scatter [tilespmem:s12], [sflag:$0x6], $0x1000, $0x38;
	[tilespmem:$0x1C800] =	vst v63  }
0x56: {  	_ =	swait.ge [sflag:s20], $0x1000  }
0x57: {  	[sflag:s20] =	ssyncset.done $0x0  }
0x58: {  	s15 =	rddreg [dreg:$0x7];
	[sflag:s20] =	ssyncadd.s32 $0xFFFFF000  }
0x59: {  	[spmem:s15] =	stream.linear.scatter [tilespmem:s12], [sflag:$0x6], $0x1000, $0x38;
	[tilespmem:$0x1C800] =	vst v63  }
0x5a: {  	_ =	swait.ge [sflag:s20], $0x1000  }
0x5b: {  	[sflag:s20] =	ssyncset.done $0x0  }
0x5c: {  	s16 =	rddreg [dreg:$0x8];
	[sflag:s20] =	ssyncadd.s32 $0xFFFFF000  }
0x5d: {  	[spmem:s16] =	stream.linear.scatter [tilespmem:s12], [sflag:$0x6], $0x1000, $0x38;
	[tilespmem:$0x1C800] =	vst v63  }
0x5e: {  	_ =	swait.ge [sflag:s20], $0x1000  }
0x5f: {  	[sflag:s20] =	ssyncset.done $0x0  }
0x60: {  	[sflag:s20] =	ssyncadd.s32 $0xFFFFF000  }
0x61: {  	[bflag:$0x0] =	sbarrier.arrive $0xFFFF  }
0x62: {  	s17 =	simm.s32 $0x0;
	s18 =	rddreg [dreg:$0x9]  }
0x63: {  	[tilespmem:s17], [sflag:$0x6] =	stream.linear.gather [hbm4b:s18+s17], $0x5000, $0x38;
	[tilespmem:$0x1C800] =	vst v63  }
0x64: {  	_ =	swait.ge [sflag:s20], $0x5000  }
0x65: {  	[sflag:s20] =	ssyncset.done $0x0  }
0x66: {  	s6 =	simm.s32 $0x5000;
	s19 =	rddreg [dreg:$0xa];
	[sflag:s20] =	ssyncadd.s32 $0xFFFFB000  }
0x67: {  	[tilespmem:s6], [sflag:$0x6] =	stream.linear.gather [hbm4b:s19+s17], $0x5000, $0x38;
	[tilespmem:$0x1C800] =	vst v63  }
0x68: {  	_ =	swait.ge [sflag:s20], $0x5000  }
0x69: {  	[sflag:s20] =	ssyncset.done $0x0  }
0x6a: {  	s30 =	rddreg [dreg:$0xb];
	[sflag:s20] =	ssyncadd.s32 $0xFFFFB000  }
0x6b: {  	[tilespmem:s22], [sflag:$0x6] =	stream.linear.gather [hbm4b:s30+s17], $0x5000, $0x38;
	[tilespmem:$0x1C800] =	vst v63  }
0x6c: {  	_ =	swait.ge [sflag:s20], $0x5000  }
0x6d: {  	[sflag:s20] =	ssyncset.done $0x0  }
0x6e: {  	s3 =	simm.s32 $0x0;
	[sflag:s20] =	ssyncadd.s32 $0xFFFFB000  }
0x6f: {  	v4 =	vld [tilespmem:s3+$0x0]  }
0x70: {  	v6 =	vld [tilespmem:s3+$0x10]  }
0x71: {  	v5 =	vld [tilespmem:s3+$0x20]  }
0x72: {  	v3 =	vld [tilespmem:s3+$0x30]  }
0x73: {  	v2 =	vld [tilespmem:s3+$0x40]  }
0x74: {  	v7 =	vadd.s32 v0, v4;
	v4 =	vld [tilespmem:s3+$0x50]  }
0x75: {  	s5 =	simm.s32 $0x200;
	[tilespmem:s3+$0x0] =	vst v7;
	v7 =	vadd.s32 v0, v6;
	v6 =	vld [tilespmem:s3+$0x60]  }
.LBB2_4:
0x76: {  	s6 =	sshra.s32 s5, $0x2;
	p0 =	sne.s32 s5, $0x13E00;
	[tilespmem:s3+$0x10] =	vst v7;
	v5 =	vadd.s32 v0, v5;
	v7 =	vld [tilespmem:s3+$0x70]  }
0x77: {  	v8 =	vld [tilespmem:s6+$0x0];
	[tilespmem:s3+$0x20] =	vst v5;
	v3 =	vadd.s32 v0, v3  }
0x78: {  	v9 =	vld [tilespmem:s6+$0x10];
	[tilespmem:s3+$0x30] =	vst v3;
	v2 =	vadd.s32 v0, v2  }
.Ltmp3:
0x79: {  	v5 =	vld [tilespmem:s6+$0x20];
	[tilespmem:s3+$0x40] =	vst v2;
	v2 =	vadd.s32 v0, v4;
	(pc) =	sbr.rel @p0 .LBB2_4-.Ltmp3, $4  }
0x7a: {  	v3 =	vld [tilespmem:s6+$0x30];
	[tilespmem:s3+$0x50] =	vst v2;
	v4 =	vadd.s32 v0, v6  }
0x7b: {  	v2 =	vld [tilespmem:s6+$0x40];
	[tilespmem:s3+$0x60] =	vst v4;
	v6 =	vadd.s32 v0, v7  }
0x7c: {  	v7 =	vadd.s32 v0, v8;
	v4 =	vld [tilespmem:s6+$0x50];
	[tilespmem:s3+$0x70] =	vst v6;
	s3 =	smov.u32 s6  }
0x7d: {  	s5 =	sadd.s32 $0x200, s5;
	[tilespmem:s3+$0x0] =	vst v7;
	v7 =	vadd.s32 v0, v9;
	v6 =	vld [tilespmem:s3+$0x60]  }
0x7e: {  	[tilespmem:s3+$0x10] =	vst v7;
	v5 =	vadd.s32 v0, v5;
	v63 =	vld [tilespmem:s3+$0x70]  }
0x7f: {  	[tilespmem:s3+$0x20] =	vst v5;
	v3 =	vadd.s32 v0, v3  }
0x80: {  	[tilespmem:s3+$0x30] =	vst v3;
	v2 =	vadd.s32 v0, v2  }
0x81: {  	[tilespmem:s3+$0x40] =	vst v2;
	v2 =	vadd.s32 v0, v4  }
0x82: {  	[tilespmem:s3+$0x50] =	vst v2;
	v2 =	vadd.s32 v0, v6  }
0x83: {  	[tilespmem:s3+$0x60] =	vst v2;
	v2 =	vadd.s32 v0, v63  }
0x84: {  	s12 =	simm.s32 $0x0;
	s16 =	simm.s32 $0xF000;
	[tilespmem:s3+$0x70] =	vst v2  }
0x85: {  	[tilespmem:s16], [sflag:$0x1] =	stream.indirect.gather [hbm4b:s4+s23], $0x10, s12, s23, $0xb8;
	[tilespmem:$0x1C800] =	vst v63  }
0x86: {  	s17 =	simm.s32 $0xF800  }
0x87: {  	[tilespmem:s17], [sflag:$0x2] =	stream.indirect.gather [hbm4b:s4+s23], $0x10, s23, s23, $0xb8;
	[tilespmem:$0x1C800] =	vst v63  }
0x88: {  	s18 =	simm.s32 $0x100;
	s5 =	simm.s32 $0x10000  }
0x89: {  	[tilespmem:s5], [sflag:$0x3] =	stream.indirect.gather [hbm4b:s4+s23], $0x10, s18, s23, $0xb8;
	[tilespmem:$0x1C800] =	vst v63  }
0x8a: {  	s19 =	simm.s32 $0x180;
	s30 =	simm.s32 $0x10800;
	s13 =	simm.s32 $0x0  }
0x8b: {  	[tilespmem:s30], [sflag:$0x4] =	stream.indirect.gather [hbm4b:s4+s23], $0x10, s19, s23, $0xb8;
	[tilespmem:$0x1C800] =	vst v63  }
.LBB2_6:
0x8c: {  	s17 =	smul.u32 $0x5, s13;
	_ =	sdelay $0x1  }
0x8d: {  	v3 =	vmov s12;
	s3 =	sshll.u32 s17, $0x7  }
0x8e: {  	v3 =	vand.u32 $0x7C, v3;
	v2 =	vmov s3  }
0x8f: {  	v3 =	vor.u32 v2, v3  }
0x90: {  	v3 =	vbroadcast v3, $0x0;
	_ =	sdelay $0x1  }
0x91: {  	_ =	swait.ge [sflag:s31], $0x800  }
0x92: {  	[sflag:s31] =	ssyncset.done $0x0  }
0x93: {  	s6 =	simm.s32 $0xF020;
	[sflag:s31] =	ssyncadd.s32 $0xFFFFF800  }
0x94: {  	v4 =	vld [tilespmem:s6+$0xFFFFFFE0]  }
0x95: {  	s18 =	simm.s32 $0x1;
	v3 =	vld.idx.msk [tilespmem:v3+s22+$0x0], $0xffff  }
0x96: {  	v5 =	vmov s18  }
0x97: {  	v5 =	vand.u32 $0x7D, v5  }
0x98: {  	v5 =	vor.u32 v2, v5  }
0x99: {  	v5 =	vbroadcast v5, $0x0;
	v6 =	vunpack.i.l.bf16.f32 v4  }
0x9a: {  	v4 =	vunpack.i.u.bf16.f32 v4;
	v6 =	vmul.f32 v6, v3  }
0x9b: {  	s5 =	simm.s32 $0x11840;
	v3 =	vmul.f32 v4, v3  }
0x9c: {  	[tilespmem:s5+$0xFFFFFFC0] =	vst v6  }
0x9d: {  	[tilespmem:s5+$0xFFFFFFD0] =	vst v3  }
0x9e: {  	v3 =	vld [tilespmem:s6+$0xFFFFFFF0]  }
0x9f: {  	s19 =	simm.s32 $0x2;
	v4 =	vld.idx.msk [tilespmem:v5+s22+$0x0], $0xffff  }
0xa0: {  	v5 =	vmov s19  }
0xa1: {  	v5 =	vand.u32 $0x7E, v5  }
0xa2: {  	v5 =	vor.u32 v2, v5  }
0xa3: {  	v5 =	vbroadcast v5, $0x0;
	v6 =	vunpack.i.l.bf16.f32 v3  }
0xa4: {  	v3 =	vunpack.i.u.bf16.f32 v3;
	v6 =	vmul.f32 v6, v4  }
0xa5: {  	v3 =	vmul.f32 v3, v4  }
0xa6: {  	[tilespmem:s5+$0xFFFFFFE0] =	vst v6  }
0xa7: {  	[tilespmem:s5+$0xFFFFFFF0] =	vst v3  }
0xa8: {  	s30 =	simm.s32 $0x3;
	v3 =	vld [tilespmem:s6+$0x0]  }
0xa9: {  	v4 =	vld.idx.msk [tilespmem:v5+s22+$0x0], $0xffff;
	v5 =	vmov s30  }
0xaa: {  	v5 =	vand.u32 $0x7F, v5  }
0xab: {  	v5 =	vor.u32 v2, v5  }
0xac: {  	v5 =	vbroadcast v5, $0x0  }
0xad: {  	v6 =	vunpack.i.l.bf16.f32 v3  }
0xae: {  	v3 =	vunpack.i.u.bf16.f32 v3;
	v6 =	vmul.f32 v6, v4  }
0xaf: {  	v3 =	vmul.f32 v3, v4  }
0xb0: {  	[tilespmem:s5+$0x0] =	vst v6  }
0xb1: {  	[tilespmem:s5+$0x10] =	vst v3  }
0xb2: {  	v3 =	vld.idx.msk [tilespmem:v5+s22+$0x0], $0xffff  }
0xb3: {  	s7 =	simm.s32 $0x4;
	s8 =	simm.s32 $0x11840;
	s3 =	simm.s32 $0x8;
	v4 =	vld [tilespmem:s6+$0x10]  }
.LBB2_7:
0xb4: {  	s6 =	sadd.s32 $0x40, s6  }
0xb5: {  	v5 =	vmov s7;
	s5 =	sadd.s32 $0x80, s5;
	s14 =	smov.u32 s3;
	s9 =	sadd.s32 $0x4, s3  }
0xb6: {  	p0 =	sne.s32 s3, $0x7C;
	v5 =	vand.u32 $0x7C, v5  }
0xb7: {  	v5 =	vor.u32 v2, v5  }
0xb8: {  	v5 =	vbroadcast v5, $0x0;
	v6 =	vunpack.i.u.bf16.f32 v4;
	v4 =	vunpack.i.l.bf16.f32 v4  }
0xb9: {  	v4 =	vmul.f32 v4, v3;
	v3 =	vmul.f32 v6, v3;
	_ =	sdelay $0x1  }
0xba: {  	[tilespmem:s8+$0x20] =	vst v4  }
0xbb: {  	[tilespmem:s8+$0x30] =	vst v3;
	s8 =	smov.u32 s5  }
0xbc: {  	v3 =	vld [tilespmem:s6+$0xFFFFFFE0]  }
0xbd: {  	s3 =	sadd.s32 $0x1, s7;
	v4 =	vld.idx.msk [tilespmem:v5+s22+$0x0], $0xffff  }
0xbe: {  	v5 =	vmov s3  }
0xbf: {  	v5 =	vand.u32 $0x7D, v5  }
0xc0: {  	v5 =	vor.u32 v2, v5  }
0xc1: {  	v5 =	vbroadcast v5, $0x0  }
0xc2: {  	v6 =	vunpack.i.u.bf16.f32 v3;
	v3 =	vunpack.i.l.bf16.f32 v3  }
0xc3: {  	v3 =	vmul.f32 v3, v4;
	v4 =	vmul.f32 v6, v4;
	_ =	sdelay $0x1  }
0xc4: {  	[tilespmem:s5+$0xFFFFFFC0] =	vst v3  }
0xc5: {  	[tilespmem:s5+$0xFFFFFFD0] =	vst v4  }
0xc6: {  	v3 =	vld.idx.msk [tilespmem:v5+s22+$0x0], $0xffff  }
0xc7: {  	s3 =	sadd.s32 $0x2, s7;
	v4 =	vld [tilespmem:s6+$0xFFFFFFF0]  }
0xc8: {  	v5 =	vmov s3  }
0xc9: {  	v5 =	vand.u32 $0x7E, v5  }
0xca: {  	v5 =	vor.u32 v2, v5  }
0xcb: {  	v5 =	vbroadcast v5, $0x0  }
0xcc: {  	v6 =	vunpack.i.u.bf16.f32 v4;
	v4 =	vunpack.i.l.bf16.f32 v4  }
0xcd: {  	v4 =	vmul.f32 v4, v3;
	v3 =	vmul.f32 v6, v3;
	_ =	sdelay $0x1  }
0xce: {  	[tilespmem:s5+$0xFFFFFFE0] =	vst v4  }
0xcf: {  	[tilespmem:s5+$0xFFFFFFF0] =	vst v3  }
0xd0: {  	v3 =	vld.idx.msk [tilespmem:v5+s22+$0x0], $0xffff  }
0xd1: {  	s3 =	sadd.s32 $0x3, s7;
	s7 =	smov.u32 s14;
	v4 =	vld [tilespmem:s6+$0x0]  }
0xd2: {  	v5 =	vmov s3  }
0xd3: {  	v5 =	vand.u32 $0x7F, v5  }
0xd4: {  	v5 =	vor.u32 v2, v5  }
0xd5: {  	v5 =	vbroadcast v5, $0x0  }
0xd6: {  	v6 =	vunpack.i.u.bf16.f32 v4;
	v4 =	vunpack.i.l.bf16.f32 v4  }
0xd7: {  	v4 =	vmul.f32 v4, v3;
	v3 =	vmul.f32 v6, v3  }
.Ltmp4:
0xd8: {  	(pc) =	sbr.rel @p0 .LBB2_7-.Ltmp4, $4  }
0xd9: {  	[tilespmem:s5+$0x0] =	vst v4  }
0xda: {  	[tilespmem:s5+$0x10] =	vst v3  }
0xdb: {  	v3 =	vld.idx.msk [tilespmem:v5+s22+$0x0], $0xffff  }
0xdc: {  	s3 =	smov.u32 s9;
	v4 =	vld [tilespmem:s6+$0x10]  }
0xdd: {  	_ = 	snop  }
0xde: {  	v5 =	vmov s7  }
0xdf: {  	v5 =	vand.u32 $0x7C, v5  }
0xe0: {  	v5 =	vor.u32 v2, v5  }
0xe1: {  	v5 =	vbroadcast v5, $0x0;
	v6 =	vunpack.i.l.bf16.f32 v4  }
0xe2: {  	v4 =	vunpack.i.u.bf16.f32 v4;
	v6 =	vmul.f32 v6, v3  }
0xe3: {  	v3 =	vmul.f32 v4, v3  }
0xe4: {  	[tilespmem:s8+$0x20] =	vst v6  }
0xe5: {  	s3 =	sadd.s32 $0x40, s6;
	[tilespmem:s8+$0x30] =	vst v3  }
0xe6: {  	v3 =	vld [tilespmem:s3+$0xFFFFFFE0]  }
0xe7: {  	s8 =	sadd.s32 $0x1, s7;
	v4 =	vld.idx.msk [tilespmem:v5+s22+$0x0], $0xffff  }
0xe8: {  	v5 =	vmov s8  }
0xe9: {  	v5 =	vand.u32 $0x7D, v5  }
0xea: {  	v5 =	vor.u32 v2, v5  }
0xeb: {  	v5 =	vbroadcast v5, $0x0;
	v6 =	vunpack.i.l.bf16.f32 v3  }
0xec: {  	v3 =	vunpack.i.u.bf16.f32 v3;
	v6 =	vmul.f32 v6, v4  }
0xed: {  	s5 =	sadd.s32 $0x80, s5;
	v3 =	vmul.f32 v3, v4  }
0xee: {  	[tilespmem:s5+$0xFFFFFFC0] =	vst v6  }
0xef: {  	[tilespmem:s5+$0xFFFFFFD0] =	vst v3  }
0xf0: {  	v3 =	vld [tilespmem:s3+$0xFFFFFFF0]  }
0xf1: {  	s9 =	sadd.s32 $0x2, s7;
	v4 =	vld.idx.msk [tilespmem:v5+s22+$0x0], $0xffff  }
0xf2: {  	v5 =	vmov s9  }
0xf3: {  	v5 =	vand.u32 $0x7E, v5  }
0xf4: {  	v5 =	vor.u32 v2, v5  }
0xf5: {  	v5 =	vbroadcast v5, $0x0;
	v6 =	vunpack.i.l.bf16.f32 v3  }
0xf6: {  	v3 =	vunpack.i.u.bf16.f32 v3;
	v6 =	vmul.f32 v6, v4  }
0xf7: {  	v3 =	vmul.f32 v3, v4  }
0xf8: {  	[tilespmem:s5+$0xFFFFFFE0] =	vst v6  }
0xf9: {  	[tilespmem:s5+$0xFFFFFFF0] =	vst v3  }
0xfa: {  	v3 =	vld [tilespmem:s3+$0x0]  }
0xfb: {  	s14 =	sadd.s32 $0x3, s7;
	v4 =	vld.idx.msk [tilespmem:v5+s22+$0x0], $0xffff  }
0xfc: {  	v5 =	vmov s14  }
0xfd: {  	v5 =	vand.u32 $0x7F, v5  }
0xfe: {  	v2 =	vor.u32 v2, v5  }
0xff: {  	v2 =	vbroadcast v2, $0x0;
	v5 =	vunpack.i.l.bf16.f32 v3  }
0x100: {  	v3 =	vunpack.i.u.bf16.f32 v3;
	v5 =	vmul.f32 v5, v4  }
0x101: {  	v3 =	vmul.f32 v3, v4  }
0x102: {  	[tilespmem:s5+$0x0] =	vst v5  }
0x103: {  	[tilespmem:s5+$0x10] =	vst v3  }
0x104: {  	v3 =	vld [tilespmem:s3+$0x10]  }
0x105: {  	v2 =	vld.idx.msk [tilespmem:v2+s22+$0x0], $0xffff;
	_ =	sdelay $0x3  }
0x106: {  	v4 =	vunpack.i.l.bf16.f32 v3  }
0x107: {  	s18 =	smul.u32 $0xA00, s13;
	v3 =	vunpack.i.u.bf16.f32 v3;
	v4 =	vmul.f32 v4, v2  }
0x108: {  	s16 =	sadd.s32 $0xFFFFFFFF, s17;
	s19 =	sadd.s32 $0x1, s17;
	v2 =	vmul.f32 v3, v2  }
0x109: {  	s30 =	simm.s32 $0x0;
	p0 =	sgt.u32 s16, $0x9A;
	s14 =	sshra.s32 s18, $0x2;
	[tilespmem:s5+$0x20] =	vst v4  }
0x10a: {  	s7 =	simm.s32 @!p0 $0x5;
	s15 =	sadd.s32 $0x5000, s14;
	[tilespmem:s5+$0x30] =	vst v2;
	s5 =	sshll.u32 s19, $0x7  }
0x10b: {  	v3 =	vmov s30;
	[spmem:s2] =	stream.indirect.scatter.add.f32 [tilespmem:s0], [sflag:$0x1], $0x20, s15, s23, $0xb8;
	[tilespmem:$0x1C800] =	vst v63  }
0x10c: {  	s16 =	sadd.s32 $0x4, s17;
	v3 =	vand.u32 $0x7C, v3;
	v2 =	vmov s5;
	_ =	swait.ge @!p0 [sflag:s7], $0x1000  }
0x10d: {  	s8 =	sshll.u32 s16, $0x9;
	v3 =	vor.u32 v2, v3;
	[sflag:s7] =	ssyncset.done @!p0 $0x0  }
0x10e: {  	s15 =	sshrl.u32 s8, $0x2;
	v3 =	vbroadcast v3, $0x0;
	[sflag:s7] =	ssyncadd.s32 @!p0 $0xFFFFF000  }
0x10f: {  	[tilespmem:s21], [sflag:$0x5] =	stream.indirect.gather [hbm4b:s4+s23], $0x10, s15, s23, $0xb8;
	[tilespmem:$0x1C800] =	vst v63  }
0x110: {  	_ =	swait.ge [sflag:s24], $0x800  }
0x111: {  	[sflag:s24] =	ssyncset.done $0x0  }
0x112: {  	s7 =	simm.s32 $0xF820;
	[sflag:s24] =	ssyncadd.s32 $0xFFFFF800  }
0x113: {  	v4 =	vld [tilespmem:s7+$0xFFFFFFE0]  }
0x114: {  	s9 =	simm.s32 $0x1;
	v3 =	vld.idx.msk [tilespmem:v3+s22+$0x0], $0xffff  }
0x115: {  	v5 =	vmov s9  }
0x116: {  	v5 =	vand.u32 $0x7D, v5  }
0x117: {  	v5 =	vor.u32 v2, v5  }
0x118: {  	v5 =	vbroadcast v5, $0x0;
	v6 =	vunpack.i.l.bf16.f32 v4  }
0x119: {  	v4 =	vunpack.i.u.bf16.f32 v4;
	v6 =	vmul.f32 v6, v3  }
0x11a: {  	s6 =	simm.s32 $0x12840;
	v3 =	vmul.f32 v4, v3  }
0x11b: {  	[tilespmem:s6+$0xFFFFFFC0] =	vst v6  }
0x11c: {  	[tilespmem:s6+$0xFFFFFFD0] =	vst v3  }
0x11d: {  	v3 =	vld [tilespmem:s7+$0xFFFFFFF0]  }
0x11e: {  	s19 =	simm.s32 $0x2;
	v4 =	vld.idx.msk [tilespmem:v5+s22+$0x0], $0xffff  }
0x11f: {  	v5 =	vmov s19  }
0x120: {  	v5 =	vand.u32 $0x7E, v5  }
0x121: {  	v5 =	vor.u32 v2, v5  }
0x122: {  	v5 =	vbroadcast v5, $0x0;
	v6 =	vunpack.i.l.bf16.f32 v3  }
0x123: {  	v3 =	vunpack.i.u.bf16.f32 v3;
	v6 =	vmul.f32 v6, v4  }
0x124: {  	v3 =	vmul.f32 v3, v4  }
0x125: {  	[tilespmem:s6+$0xFFFFFFE0] =	vst v6  }
0x126: {  	[tilespmem:s6+$0xFFFFFFF0] =	vst v3  }
0x127: {  	s30 =	simm.s32 $0x3;
	v3 =	vld [tilespmem:s7+$0x0]  }
0x128: {  	v4 =	vld.idx.msk [tilespmem:v5+s22+$0x0], $0xffff;
	v5 =	vmov s30  }
0x129: {  	v5 =	vand.u32 $0x7F, v5  }
0x12a: {  	v5 =	vor.u32 v2, v5  }
0x12b: {  	v5 =	vbroadcast v5, $0x0  }
0x12c: {  	v6 =	vunpack.i.l.bf16.f32 v3  }
0x12d: {  	v3 =	vunpack.i.u.bf16.f32 v3;
	v6 =	vmul.f32 v6, v4  }
0x12e: {  	v3 =	vmul.f32 v3, v4  }
0x12f: {  	[tilespmem:s6+$0x0] =	vst v6  }
0x130: {  	[tilespmem:s6+$0x10] =	vst v3  }
0x131: {  	v3 =	vld.idx.msk [tilespmem:v5+s22+$0x0], $0xffff  }
0x132: {  	s9 =	simm.s32 $0x12840;
	s8 =	simm.s32 $0x4;
	s19 =	simm.s32 $0x8;
	v4 =	vld [tilespmem:s7+$0x10]  }
.LBB2_9:
0x133: {  	s7 =	sadd.s32 $0x40, s7  }
0x134: {  	v5 =	vmov s8;
	s6 =	sadd.s32 $0x80, s6;
	s3 =	smov.u32 s19;
	s30 =	sadd.s32 $0x4, s19  }
0x135: {  	p0 =	sne.s32 s19, $0x7C;
	v5 =	vand.u32 $0x7C, v5  }
0x136: {  	v5 =	vor.u32 v2, v5  }
0x137: {  	v5 =	vbroadcast v5, $0x0;
	v6 =	vunpack.i.u.bf16.f32 v4;
	v4 =	vunpack.i.l.bf16.f32 v4  }
0x138: {  	v4 =	vmul.f32 v4, v3;
	v3 =	vmul.f32 v6, v3;
	_ =	sdelay $0x1  }
0x139: {  	[tilespmem:s9+$0x20] =	vst v4  }
0x13a: {  	[tilespmem:s9+$0x30] =	vst v3;
	s9 =	smov.u32 s6  }
0x13b: {  	v3 =	vld [tilespmem:s7+$0xFFFFFFE0]  }
0x13c: {  	s19 =	sadd.s32 $0x1, s8;
	v4 =	vld.idx.msk [tilespmem:v5+s22+$0x0], $0xffff  }
0x13d: {  	v5 =	vmov s19  }
0x13e: {  	v5 =	vand.u32 $0x7D, v5  }
0x13f: {  	v5 =	vor.u32 v2, v5  }
0x140: {  	v5 =	vbroadcast v5, $0x0  }
0x141: {  	v6 =	vunpack.i.u.bf16.f32 v3;
	v3 =	vunpack.i.l.bf16.f32 v3  }
0x142: {  	v3 =	vmul.f32 v3, v4;
	v4 =	vmul.f32 v6, v4;
	_ =	sdelay $0x1  }
0x143: {  	[tilespmem:s6+$0xFFFFFFC0] =	vst v3  }
0x144: {  	[tilespmem:s6+$0xFFFFFFD0] =	vst v4  }
0x145: {  	v3 =	vld.idx.msk [tilespmem:v5+s22+$0x0], $0xffff  }
0x146: {  	s19 =	sadd.s32 $0x2, s8;
	v4 =	vld [tilespmem:s7+$0xFFFFFFF0]  }
0x147: {  	v5 =	vmov s19  }
0x148: {  	v5 =	vand.u32 $0x7E, v5  }
0x149: {  	v5 =	vor.u32 v2, v5  }
0x14a: {  	v5 =	vbroadcast v5, $0x0  }
0x14b: {  	v6 =	vunpack.i.u.bf16.f32 v4;
	v4 =	vunpack.i.l.bf16.f32 v4  }
0x14c: {  	v4 =	vmul.f32 v4, v3;
	v3 =	vmul.f32 v6, v3;
	_ =	sdelay $0x1  }
0x14d: {  	[tilespmem:s6+$0xFFFFFFE0] =	vst v4  }
0x14e: {  	[tilespmem:s6+$0xFFFFFFF0] =	vst v3  }
0x14f: {  	v3 =	vld.idx.msk [tilespmem:v5+s22+$0x0], $0xffff  }
0x150: {  	s19 =	sadd.s32 $0x3, s8;
	s8 =	smov.u32 s3;
	v4 =	vld [tilespmem:s7+$0x0]  }
0x151: {  	v5 =	vmov s19  }
0x152: {  	v5 =	vand.u32 $0x7F, v5  }
0x153: {  	v5 =	vor.u32 v2, v5  }
0x154: {  	v5 =	vbroadcast v5, $0x0  }
0x155: {  	v6 =	vunpack.i.u.bf16.f32 v4;
	v4 =	vunpack.i.l.bf16.f32 v4  }
0x156: {  	v4 =	vmul.f32 v4, v3;
	v3 =	vmul.f32 v6, v3  }
.Ltmp5:
0x157: {  	(pc) =	sbr.rel @p0 .LBB2_9-.Ltmp5, $4  }
0x158: {  	[tilespmem:s6+$0x0] =	vst v4  }
0x159: {  	[tilespmem:s6+$0x10] =	vst v3  }
0x15a: {  	v3 =	vld.idx.msk [tilespmem:v5+s22+$0x0], $0xffff  }
0x15b: {  	s19 =	smov.u32 s30;
	v4 =	vld [tilespmem:s7+$0x10]  }
0x15c: {  	_ = 	snop  }
0x15d: {  	v5 =	vmov s8  }
0x15e: {  	v5 =	vand.u32 $0x7C, v5  }
0x15f: {  	v5 =	vor.u32 v2, v5  }
0x160: {  	v5 =	vbroadcast v5, $0x0;
	v6 =	vunpack.i.l.bf16.f32 v4  }
0x161: {  	v4 =	vunpack.i.u.bf16.f32 v4;
	v6 =	vmul.f32 v6, v3  }
0x162: {  	v3 =	vmul.f32 v4, v3  }
0x163: {  	[tilespmem:s9+$0x20] =	vst v6  }
0x164: {  	s3 =	sadd.s32 $0x40, s7;
	[tilespmem:s9+$0x30] =	vst v3  }
0x165: {  	v3 =	vld [tilespmem:s3+$0xFFFFFFE0]  }
0x166: {  	s19 =	sadd.s32 $0x1, s8;
	v4 =	vld.idx.msk [tilespmem:v5+s22+$0x0], $0xffff  }
0x167: {  	v5 =	vmov s19  }
0x168: {  	v5 =	vand.u32 $0x7D, v5  }
0x169: {  	v5 =	vor.u32 v2, v5  }
0x16a: {  	v5 =	vbroadcast v5, $0x0;
	v6 =	vunpack.i.l.bf16.f32 v3  }
0x16b: {  	v3 =	vunpack.i.u.bf16.f32 v3;
	v6 =	vmul.f32 v6, v4  }
0x16c: {  	s6 =	sadd.s32 $0x80, s6;
	v3 =	vmul.f32 v3, v4  }
0x16d: {  	[tilespmem:s6+$0xFFFFFFC0] =	vst v6  }
0x16e: {  	[tilespmem:s6+$0xFFFFFFD0] =	vst v3  }
0x16f: {  	v3 =	vld [tilespmem:s3+$0xFFFFFFF0]  }
0x170: {  	s9 =	sadd.s32 $0x2, s8;
	v4 =	vld.idx.msk [tilespmem:v5+s22+$0x0], $0xffff  }
0x171: {  	v5 =	vmov s9  }
0x172: {  	v5 =	vand.u32 $0x7E, v5  }
0x173: {  	v5 =	vor.u32 v2, v5  }
0x174: {  	v5 =	vbroadcast v5, $0x0;
	v6 =	vunpack.i.l.bf16.f32 v3  }
0x175: {  	v3 =	vunpack.i.u.bf16.f32 v3;
	v6 =	vmul.f32 v6, v4  }
0x176: {  	v3 =	vmul.f32 v3, v4  }
0x177: {  	[tilespmem:s6+$0xFFFFFFE0] =	vst v6  }
0x178: {  	[tilespmem:s6+$0xFFFFFFF0] =	vst v3  }
0x179: {  	v3 =	vld [tilespmem:s3+$0x0]  }
0x17a: {  	s19 =	sadd.s32 $0x3, s8;
	v4 =	vld.idx.msk [tilespmem:v5+s22+$0x0], $0xffff  }
0x17b: {  	v5 =	vmov s19  }
0x17c: {  	v5 =	vand.u32 $0x7F, v5  }
0x17d: {  	v2 =	vor.u32 v2, v5  }
0x17e: {  	v2 =	vbroadcast v2, $0x0;
	v5 =	vunpack.i.l.bf16.f32 v3  }
0x17f: {  	v3 =	vunpack.i.u.bf16.f32 v3;
	v5 =	vmul.f32 v5, v4  }
0x180: {  	v3 =	vmul.f32 v3, v4  }
0x181: {  	[tilespmem:s6+$0x0] =	vst v5  }
0x182: {  	[tilespmem:s6+$0x10] =	vst v3  }
0x183: {  	v3 =	vld [tilespmem:s3+$0x10]  }
0x184: {  	v2 =	vld.idx.msk [tilespmem:v2+s22+$0x0], $0xffff;
	_ =	sdelay $0x3  }
0x185: {  	v4 =	vunpack.i.l.bf16.f32 v3  }
0x186: {  	v3 =	vunpack.i.u.bf16.f32 v3;
	v4 =	vmul.f32 v4, v2  }
0x187: {  	v2 =	vmul.f32 v3, v2  }
0x188: {  	s5 =	sand.u32 $0x3FFFFF80, s5;
	p0 =	seq.s32 s13, $0x1F;
	[tilespmem:s6+$0x20] =	vst v4  }
0x189: {  	s7 =	simm.s32 $0x0;
	s3 =	sadd.s32 $0x5000, s5;
	[tilespmem:s6+$0x30] =	vst v2;
	s6 =	sadd.s32 $0x2, s17  }
0x18a: {  	[spmem:s2] =	stream.indirect.scatter.add.f32 [tilespmem:s25], [sflag:$0x2], $0x20, s3, s23, $0xb8;
	[tilespmem:$0x1C800] =	vst v63  }
0x18b: {  	v3 =	vmov s7;
	s3 =	simm.s32 @!p0 $0x1;
	s5 =	sshll.u32 s6, $0x7  }
0x18c: {  	v3 =	vand.u32 $0x7C, v3;
	_ =	swait.ge @!p0 [sflag:s3], $0x1000;
	v2 =	vmov s5  }
0x18d: {  	s18 =	sshra.s32 @!p0 s18, $0x2;
	s7 =	simm.s32 @!p0 $0xF000;
	[sflag:s3] =	ssyncset.done @!p0 $0x0;
	v3 =	vor.u32 v2, v3  }
0x18e: {  	s6 =	simm.s32 @!p0 $0x80;
	[sflag:s3] =	ssyncadd.s32 @!p0 $0xFFFFF000;
	s3 =	sadd.s32 @!p0 $0x280, s18;
	v3 =	vbroadcast v3, $0x0  }
0x18f: {  	[tilespmem:s7], [sflag:$0x1] =	stream.indirect.gather @!p0 [hbm4b:s4+s6], $0x10, s3, s6, $0xb8;
	[tilespmem:$0x1C800] =	vst v63  }
0x190: {  	_ =	swait.ge [sflag:s26], $0x800  }
0x191: {  	[sflag:s26] =	ssyncset.done $0x0  }
0x192: {  	s7 =	simm.s32 $0x10020;
	[sflag:s26] =	ssyncadd.s32 $0xFFFFF800  }
0x193: {  	v4 =	vld [tilespmem:s7+$0xFFFFFFE0]  }
0x194: {  	s8 =	simm.s32 $0x1;
	v3 =	vld.idx.msk [tilespmem:v3+s22+$0x0], $0xffff  }
0x195: {  	v5 =	vmov s8  }
0x196: {  	v5 =	vand.u32 $0x7D, v5  }
0x197: {  	v5 =	vor.u32 v2, v5  }
0x198: {  	v5 =	vbroadcast v5, $0x0;
	v6 =	vunpack.i.l.bf16.f32 v4  }
0x199: {  	v4 =	vunpack.i.u.bf16.f32 v4;
	v6 =	vmul.f32 v6, v3  }
0x19a: {  	s6 =	simm.s32 $0x13840;
	v3 =	vmul.f32 v4, v3  }
0x19b: {  	[tilespmem:s6+$0xFFFFFFC0] =	vst v6  }
0x19c: {  	[tilespmem:s6+$0xFFFFFFD0] =	vst v3  }
0x19d: {  	v3 =	vld [tilespmem:s7+$0xFFFFFFF0]  }
0x19e: {  	s9 =	simm.s32 $0x2;
	v4 =	vld.idx.msk [tilespmem:v5+s22+$0x0], $0xffff  }
0x19f: {  	v5 =	vmov s9  }
0x1a0: {  	v5 =	vand.u32 $0x7E, v5  }
0x1a1: {  	v5 =	vor.u32 v2, v5  }
0x1a2: {  	v5 =	vbroadcast v5, $0x0;
	v6 =	vunpack.i.l.bf16.f32 v3  }
0x1a3: {  	v3 =	vunpack.i.u.bf16.f32 v3;
	v6 =	vmul.f32 v6, v4  }
0x1a4: {  	v3 =	vmul.f32 v3, v4  }
0x1a5: {  	[tilespmem:s6+$0xFFFFFFE0] =	vst v6  }
0x1a6: {  	[tilespmem:s6+$0xFFFFFFF0] =	vst v3  }
0x1a7: {  	s19 =	simm.s32 $0x3;
	v3 =	vld [tilespmem:s7+$0x0]  }
0x1a8: {  	v4 =	vld.idx.msk [tilespmem:v5+s22+$0x0], $0xffff;
	v5 =	vmov s19  }
0x1a9: {  	v5 =	vand.u32 $0x7F, v5  }
0x1aa: {  	v5 =	vor.u32 v2, v5  }
0x1ab: {  	v5 =	vbroadcast v5, $0x0  }
0x1ac: {  	v6 =	vunpack.i.l.bf16.f32 v3  }
0x1ad: {  	v3 =	vunpack.i.u.bf16.f32 v3;
	v6 =	vmul.f32 v6, v4  }
0x1ae: {  	v3 =	vmul.f32 v3, v4  }
0x1af: {  	[tilespmem:s6+$0x0] =	vst v6  }
0x1b0: {  	[tilespmem:s6+$0x10] =	vst v3  }
0x1b1: {  	v3 =	vld.idx.msk [tilespmem:v5+s22+$0x0], $0xffff  }
0x1b2: {  	s30 =	simm.s32 $0x8;
	s8 =	simm.s32 $0x4;
	s9 =	simm.s32 $0x13840;
	v4 =	vld [tilespmem:s7+$0x10]  }
.LBB2_11:
0x1b3: {  	s7 =	sadd.s32 $0x40, s7  }
0x1b4: {  	v5 =	vmov s8;
	s6 =	sadd.s32 $0x80, s6;
	s3 =	smov.u32 s30;
	s19 =	sadd.s32 $0x4, s30  }
0x1b5: {  	p1 =	sne.s32 s30, $0x7C;
	v5 =	vand.u32 $0x7C, v5  }
0x1b6: {  	v5 =	vor.u32 v2, v5  }
0x1b7: {  	v5 =	vbroadcast v5, $0x0;
	v6 =	vunpack.i.u.bf16.f32 v4;
	v4 =	vunpack.i.l.bf16.f32 v4  }
0x1b8: {  	v4 =	vmul.f32 v4, v3;
	v3 =	vmul.f32 v6, v3;
	_ =	sdelay $0x1  }
0x1b9: {  	[tilespmem:s9+$0x20] =	vst v4  }
0x1ba: {  	[tilespmem:s9+$0x30] =	vst v3;
	s9 =	smov.u32 s6  }
0x1bb: {  	v3 =	vld [tilespmem:s7+$0xFFFFFFE0]  }
0x1bc: {  	s30 =	sadd.s32 $0x1, s8;
	v4 =	vld.idx.msk [tilespmem:v5+s22+$0x0], $0xffff  }
0x1bd: {  	v5 =	vmov s30  }
0x1be: {  	v5 =	vand.u32 $0x7D, v5  }
0x1bf: {  	v5 =	vor.u32 v2, v5  }
0x1c0: {  	v5 =	vbroadcast v5, $0x0  }
0x1c1: {  	v6 =	vunpack.i.u.bf16.f32 v3;
	v3 =	vunpack.i.l.bf16.f32 v3  }
0x1c2: {  	v3 =	vmul.f32 v3, v4;
	v4 =	vmul.f32 v6, v4;
	_ =	sdelay $0x1  }
0x1c3: {  	[tilespmem:s6+$0xFFFFFFC0] =	vst v3  }
0x1c4: {  	[tilespmem:s6+$0xFFFFFFD0] =	vst v4  }
0x1c5: {  	v3 =	vld.idx.msk [tilespmem:v5+s22+$0x0], $0xffff  }
0x1c6: {  	s30 =	sadd.s32 $0x2, s8;
	v4 =	vld [tilespmem:s7+$0xFFFFFFF0]  }
0x1c7: {  	v5 =	vmov s30  }
0x1c8: {  	v5 =	vand.u32 $0x7E, v5  }
0x1c9: {  	v5 =	vor.u32 v2, v5  }
0x1ca: {  	v5 =	vbroadcast v5, $0x0  }
0x1cb: {  	v6 =	vunpack.i.u.bf16.f32 v4;
	v4 =	vunpack.i.l.bf16.f32 v4  }
0x1cc: {  	v4 =	vmul.f32 v4, v3;
	v3 =	vmul.f32 v6, v3;
	_ =	sdelay $0x1  }
0x1cd: {  	[tilespmem:s6+$0xFFFFFFE0] =	vst v4  }
0x1ce: {  	[tilespmem:s6+$0xFFFFFFF0] =	vst v3  }
0x1cf: {  	v3 =	vld.idx.msk [tilespmem:v5+s22+$0x0], $0xffff  }
0x1d0: {  	s30 =	sadd.s32 $0x3, s8;
	s8 =	smov.u32 s3;
	v4 =	vld [tilespmem:s7+$0x0]  }
0x1d1: {  	v5 =	vmov s30  }
0x1d2: {  	v5 =	vand.u32 $0x7F, v5  }
0x1d3: {  	v5 =	vor.u32 v2, v5  }
0x1d4: {  	v5 =	vbroadcast v5, $0x0  }
0x1d5: {  	v6 =	vunpack.i.u.bf16.f32 v4;
	v4 =	vunpack.i.l.bf16.f32 v4  }
0x1d6: {  	v4 =	vmul.f32 v4, v3;
	v3 =	vmul.f32 v6, v3  }
.Ltmp6:
0x1d7: {  	(pc) =	sbr.rel @p1 .LBB2_11-.Ltmp6, $4  }
0x1d8: {  	[tilespmem:s6+$0x0] =	vst v4  }
0x1d9: {  	[tilespmem:s6+$0x10] =	vst v3  }
0x1da: {  	v3 =	vld.idx.msk [tilespmem:v5+s22+$0x0], $0xffff  }
0x1db: {  	s30 =	smov.u32 s19;
	v4 =	vld [tilespmem:s7+$0x10]  }
0x1dc: {  	_ = 	snop  }
0x1dd: {  	v5 =	vmov s8  }
0x1de: {  	v5 =	vand.u32 $0x7C, v5  }
0x1df: {  	v5 =	vor.u32 v2, v5  }
0x1e0: {  	v5 =	vbroadcast v5, $0x0;
	v6 =	vunpack.i.l.bf16.f32 v4  }
0x1e1: {  	v4 =	vunpack.i.u.bf16.f32 v4;
	v6 =	vmul.f32 v6, v3  }
0x1e2: {  	v3 =	vmul.f32 v4, v3  }
0x1e3: {  	[tilespmem:s9+$0x20] =	vst v6  }
0x1e4: {  	s3 =	sadd.s32 $0x40, s7;
	[tilespmem:s9+$0x30] =	vst v3  }
0x1e5: {  	v3 =	vld [tilespmem:s3+$0xFFFFFFE0]  }
0x1e6: {  	s9 =	sadd.s32 $0x1, s8;
	v4 =	vld.idx.msk [tilespmem:v5+s22+$0x0], $0xffff  }
0x1e7: {  	v5 =	vmov s9  }
0x1e8: {  	v5 =	vand.u32 $0x7D, v5  }
0x1e9: {  	v5 =	vor.u32 v2, v5  }
0x1ea: {  	v5 =	vbroadcast v5, $0x0;
	v6 =	vunpack.i.l.bf16.f32 v3  }
0x1eb: {  	v3 =	vunpack.i.u.bf16.f32 v3;
	v6 =	vmul.f32 v6, v4  }
0x1ec: {  	s6 =	sadd.s32 $0x80, s6;
	v3 =	vmul.f32 v3, v4  }
0x1ed: {  	[tilespmem:s6+$0xFFFFFFC0] =	vst v6  }
0x1ee: {  	[tilespmem:s6+$0xFFFFFFD0] =	vst v3  }
0x1ef: {  	v3 =	vld [tilespmem:s3+$0xFFFFFFF0]  }
0x1f0: {  	s19 =	sadd.s32 $0x2, s8;
	v4 =	vld.idx.msk [tilespmem:v5+s22+$0x0], $0xffff  }
0x1f1: {  	v5 =	vmov s19  }
0x1f2: {  	v5 =	vand.u32 $0x7E, v5  }
0x1f3: {  	v5 =	vor.u32 v2, v5  }
0x1f4: {  	v5 =	vbroadcast v5, $0x0;
	v6 =	vunpack.i.l.bf16.f32 v3  }
0x1f5: {  	v3 =	vunpack.i.u.bf16.f32 v3;
	v6 =	vmul.f32 v6, v4  }
0x1f6: {  	v3 =	vmul.f32 v3, v4  }
0x1f7: {  	[tilespmem:s6+$0xFFFFFFE0] =	vst v6  }
0x1f8: {  	[tilespmem:s6+$0xFFFFFFF0] =	vst v3  }
0x1f9: {  	v3 =	vld [tilespmem:s3+$0x0]  }
0x1fa: {  	s30 =	sadd.s32 $0x3, s8;
	v4 =	vld.idx.msk [tilespmem:v5+s22+$0x0], $0xffff  }
0x1fb: {  	v5 =	vmov s30  }
0x1fc: {  	v5 =	vand.u32 $0x7F, v5  }
0x1fd: {  	v2 =	vor.u32 v2, v5  }
0x1fe: {  	v2 =	vbroadcast v2, $0x0;
	v5 =	vunpack.i.l.bf16.f32 v3  }
0x1ff: {  	v3 =	vunpack.i.u.bf16.f32 v3;
	v5 =	vmul.f32 v5, v4  }
0x200: {  	v3 =	vmul.f32 v3, v4  }
0x201: {  	[tilespmem:s6+$0x0] =	vst v5  }
0x202: {  	[tilespmem:s6+$0x10] =	vst v3  }
0x203: {  	v3 =	vld [tilespmem:s3+$0x10]  }
0x204: {  	v2 =	vld.idx.msk [tilespmem:v2+s22+$0x0], $0xffff;
	_ =	sdelay $0x3  }
0x205: {  	v4 =	vunpack.i.l.bf16.f32 v3  }
0x206: {  	v3 =	vunpack.i.u.bf16.f32 v3;
	v4 =	vmul.f32 v4, v2  }
0x207: {  	v2 =	vmul.f32 v3, v2  }
0x208: {  	s7 =	sand.u32 $0x3FFFFF80, s5;
	[tilespmem:s6+$0x20] =	vst v4  }
0x209: {  	s8 =	sadd.s32 $0x3, s17;
	s9 =	simm.s32 $0x0;
	s3 =	sadd.s32 $0x5000, s7;
	[tilespmem:s6+$0x30] =	vst v2  }
0x20a: {  	[spmem:s2] =	stream.indirect.scatter.add.f32 [tilespmem:s28], [sflag:$0x3], $0x20, s3, s23, $0xb8;
	[tilespmem:$0x1C800] =	vst v63  }
0x20b: {  	s5 =	sshll.u32 s8, $0x7;
	v3 =	vmov s9;
	s3 =	simm.s32 @!p0 $0x2  }
0x20c: {  	v3 =	vand.u32 $0x7C, v3;
	v2 =	vmov s5;
	_ =	swait.ge @!p0 [sflag:s3], $0x1000  }
0x20d: {  	s7 =	simm.s32 @!p0 $0xF800;
	v3 =	vor.u32 v2, v3;
	[sflag:s3] =	ssyncset.done @!p0 $0x0  }
0x20e: {  	s6 =	simm.s32 @!p0 $0x80;
	v3 =	vbroadcast v3, $0x0;
	[sflag:s3] =	ssyncadd.s32 @!p0 $0xFFFFF000;
	s3 =	sadd.s32 @!p0 $0x300, s18  }
0x20f: {  	[tilespmem:s7], [sflag:$0x2] =	stream.indirect.gather @!p0 [hbm4b:s4+s6], $0x10, s3, s6, $0xb8;
	[tilespmem:$0x1C800] =	vst v63  }
0x210: {  	_ =	swait.ge [sflag:s29], $0x800  }
0x211: {  	[sflag:s29] =	ssyncset.done $0x0  }
0x212: {  	s7 =	simm.s32 $0x10820;
	[sflag:s29] =	ssyncadd.s32 $0xFFFFF800  }
0x213: {  	v4 =	vld [tilespmem:s7+$0xFFFFFFE0]  }
0x214: {  	s17 =	simm.s32 $0x1;
	v3 =	vld.idx.msk [tilespmem:v3+s22+$0x0], $0xffff  }
0x215: {  	v5 =	vmov s17  }
0x216: {  	v5 =	vand.u32 $0x7D, v5  }
0x217: {  	v5 =	vor.u32 v2, v5  }
0x218: {  	v5 =	vbroadcast v5, $0x0;
	v6 =	vunpack.i.l.bf16.f32 v4  }
0x219: {  	v4 =	vunpack.i.u.bf16.f32 v4;
	v6 =	vmul.f32 v6, v3  }
0x21a: {  	s6 =	simm.s32 $0x14840;
	v3 =	vmul.f32 v4, v3  }
0x21b: {  	[tilespmem:s6+$0xFFFFFFC0] =	vst v6  }
0x21c: {  	[tilespmem:s6+$0xFFFFFFD0] =	vst v3  }
0x21d: {  	v3 =	vld [tilespmem:s7+$0xFFFFFFF0]  }
0x21e: {  	s19 =	simm.s32 $0x2;
	v4 =	vld.idx.msk [tilespmem:v5+s22+$0x0], $0xffff  }
0x21f: {  	v5 =	vmov s19  }
0x220: {  	v5 =	vand.u32 $0x7E, v5  }
0x221: {  	v5 =	vor.u32 v2, v5  }
0x222: {  	v5 =	vbroadcast v5, $0x0;
	v6 =	vunpack.i.l.bf16.f32 v3  }
0x223: {  	v3 =	vunpack.i.u.bf16.f32 v3;
	v6 =	vmul.f32 v6, v4  }
0x224: {  	v3 =	vmul.f32 v3, v4  }
0x225: {  	[tilespmem:s6+$0xFFFFFFE0] =	vst v6  }
0x226: {  	[tilespmem:s6+$0xFFFFFFF0] =	vst v3  }
0x227: {  	s30 =	simm.s32 $0x3;
	v3 =	vld [tilespmem:s7+$0x0]  }
0x228: {  	v4 =	vld.idx.msk [tilespmem:v5+s22+$0x0], $0xffff;
	v5 =	vmov s30  }
0x229: {  	v5 =	vand.u32 $0x7F, v5  }
0x22a: {  	v5 =	vor.u32 v2, v5  }
0x22b: {  	v5 =	vbroadcast v5, $0x0  }
0x22c: {  	v6 =	vunpack.i.l.bf16.f32 v3  }
0x22d: {  	v3 =	vunpack.i.u.bf16.f32 v3;
	v6 =	vmul.f32 v6, v4  }
0x22e: {  	v3 =	vmul.f32 v3, v4  }
0x22f: {  	[tilespmem:s6+$0x0] =	vst v6  }
0x230: {  	[tilespmem:s6+$0x10] =	vst v3  }
0x231: {  	v3 =	vld.idx.msk [tilespmem:v5+s22+$0x0], $0xffff  }
0x232: {  	s8 =	simm.s32 $0x4;
	s9 =	simm.s32 $0x14840;
	s19 =	simm.s32 $0x8;
	v4 =	vld [tilespmem:s7+$0x10]  }
.LBB2_13:
0x233: {  	s7 =	sadd.s32 $0x40, s7  }
0x234: {  	v5 =	vmov s8;
	s6 =	sadd.s32 $0x80, s6;
	s3 =	smov.u32 s19;
	s17 =	sadd.s32 $0x4, s19  }
0x235: {  	p1 =	sne.s32 s19, $0x7C;
	v5 =	vand.u32 $0x7C, v5  }
0x236: {  	v5 =	vor.u32 v2, v5  }
0x237: {  	v5 =	vbroadcast v5, $0x0;
	v6 =	vunpack.i.u.bf16.f32 v4;
	v4 =	vunpack.i.l.bf16.f32 v4  }
0x238: {  	v4 =	vmul.f32 v4, v3;
	v3 =	vmul.f32 v6, v3;
	_ =	sdelay $0x1  }
0x239: {  	[tilespmem:s9+$0x20] =	vst v4  }
0x23a: {  	[tilespmem:s9+$0x30] =	vst v3;
	s9 =	smov.u32 s6  }
0x23b: {  	v3 =	vld [tilespmem:s7+$0xFFFFFFE0]  }
0x23c: {  	s19 =	sadd.s32 $0x1, s8;
	v4 =	vld.idx.msk [tilespmem:v5+s22+$0x0], $0xffff  }
0x23d: {  	v5 =	vmov s19  }
0x23e: {  	v5 =	vand.u32 $0x7D, v5  }
0x23f: {  	v5 =	vor.u32 v2, v5  }
0x240: {  	v5 =	vbroadcast v5, $0x0  }
0x241: {  	v6 =	vunpack.i.u.bf16.f32 v3;
	v3 =	vunpack.i.l.bf16.f32 v3  }
0x242: {  	v3 =	vmul.f32 v3, v4;
	v4 =	vmul.f32 v6, v4;
	_ =	sdelay $0x1  }
0x243: {  	[tilespmem:s6+$0xFFFFFFC0] =	vst v3  }
0x244: {  	[tilespmem:s6+$0xFFFFFFD0] =	vst v4  }
0x245: {  	v3 =	vld.idx.msk [tilespmem:v5+s22+$0x0], $0xffff  }
0x246: {  	s19 =	sadd.s32 $0x2, s8;
	v4 =	vld [tilespmem:s7+$0xFFFFFFF0]  }
0x247: {  	v5 =	vmov s19  }
0x248: {  	v5 =	vand.u32 $0x7E, v5  }
0x249: {  	v5 =	vor.u32 v2, v5  }
0x24a: {  	v5 =	vbroadcast v5, $0x0  }
0x24b: {  	v6 =	vunpack.i.u.bf16.f32 v4;
	v4 =	vunpack.i.l.bf16.f32 v4  }
0x24c: {  	v4 =	vmul.f32 v4, v3;
	v3 =	vmul.f32 v6, v3;
	_ =	sdelay $0x1  }
0x24d: {  	[tilespmem:s6+$0xFFFFFFE0] =	vst v4  }
0x24e: {  	[tilespmem:s6+$0xFFFFFFF0] =	vst v3  }
0x24f: {  	v3 =	vld.idx.msk [tilespmem:v5+s22+$0x0], $0xffff  }
0x250: {  	s19 =	sadd.s32 $0x3, s8;
	s8 =	smov.u32 s3;
	v4 =	vld [tilespmem:s7+$0x0]  }
0x251: {  	v5 =	vmov s19  }
0x252: {  	v5 =	vand.u32 $0x7F, v5  }
0x253: {  	v5 =	vor.u32 v2, v5  }
0x254: {  	v5 =	vbroadcast v5, $0x0  }
0x255: {  	v6 =	vunpack.i.u.bf16.f32 v4;
	v4 =	vunpack.i.l.bf16.f32 v4  }
0x256: {  	v4 =	vmul.f32 v4, v3;
	v3 =	vmul.f32 v6, v3  }
.Ltmp7:
0x257: {  	(pc) =	sbr.rel @p1 .LBB2_13-.Ltmp7, $4  }
0x258: {  	[tilespmem:s6+$0x0] =	vst v4  }
0x259: {  	[tilespmem:s6+$0x10] =	vst v3  }
0x25a: {  	v3 =	vld.idx.msk [tilespmem:v5+s22+$0x0], $0xffff  }
0x25b: {  	s19 =	smov.u32 s17;
	v4 =	vld [tilespmem:s7+$0x10]  }
0x25c: {  	_ = 	snop  }
0x25d: {  	v5 =	vmov s8  }
0x25e: {  	v5 =	vand.u32 $0x7C, v5  }
0x25f: {  	v5 =	vor.u32 v2, v5  }
0x260: {  	v5 =	vbroadcast v5, $0x0;
	v6 =	vunpack.i.l.bf16.f32 v4  }
0x261: {  	v4 =	vunpack.i.u.bf16.f32 v4;
	v6 =	vmul.f32 v6, v3  }
0x262: {  	v3 =	vmul.f32 v4, v3  }
0x263: {  	[tilespmem:s9+$0x20] =	vst v6  }
0x264: {  	s3 =	sadd.s32 $0x40, s7;
	[tilespmem:s9+$0x30] =	vst v3  }
0x265: {  	v3 =	vld [tilespmem:s3+$0xFFFFFFE0]  }
0x266: {  	s17 =	sadd.s32 $0x1, s8;
	v4 =	vld.idx.msk [tilespmem:v5+s22+$0x0], $0xffff  }
0x267: {  	v5 =	vmov s17  }
0x268: {  	v5 =	vand.u32 $0x7D, v5  }
0x269: {  	v5 =	vor.u32 v2, v5  }
0x26a: {  	v5 =	vbroadcast v5, $0x0;
	v6 =	vunpack.i.l.bf16.f32 v3  }
0x26b: {  	v3 =	vunpack.i.u.bf16.f32 v3;
	v6 =	vmul.f32 v6, v4  }
0x26c: {  	s6 =	sadd.s32 $0x80, s6;
	v3 =	vmul.f32 v3, v4  }
0x26d: {  	[tilespmem:s6+$0xFFFFFFC0] =	vst v6  }
0x26e: {  	[tilespmem:s6+$0xFFFFFFD0] =	vst v3  }
0x26f: {  	v3 =	vld [tilespmem:s3+$0xFFFFFFF0]  }
0x270: {  	s19 =	sadd.s32 $0x2, s8;
	v4 =	vld.idx.msk [tilespmem:v5+s22+$0x0], $0xffff  }
0x271: {  	v5 =	vmov s19  }
0x272: {  	v5 =	vand.u32 $0x7E, v5  }
0x273: {  	v5 =	vor.u32 v2, v5  }
0x274: {  	v5 =	vbroadcast v5, $0x0;
	v6 =	vunpack.i.l.bf16.f32 v3  }
0x275: {  	v3 =	vunpack.i.u.bf16.f32 v3;
	v6 =	vmul.f32 v6, v4  }
0x276: {  	v3 =	vmul.f32 v3, v4  }
0x277: {  	[tilespmem:s6+$0xFFFFFFE0] =	vst v6  }
0x278: {  	[tilespmem:s6+$0xFFFFFFF0] =	vst v3  }
0x279: {  	v3 =	vld [tilespmem:s3+$0x0]  }
0x27a: {  	s30 =	sadd.s32 $0x3, s8;
	v4 =	vld.idx.msk [tilespmem:v5+s22+$0x0], $0xffff  }
0x27b: {  	v5 =	vmov s30  }
0x27c: {  	v5 =	vand.u32 $0x7F, v5  }
0x27d: {  	v2 =	vor.u32 v2, v5  }
0x27e: {  	v2 =	vbroadcast v2, $0x0;
	v5 =	vunpack.i.l.bf16.f32 v3  }
0x27f: {  	v3 =	vunpack.i.u.bf16.f32 v3;
	v5 =	vmul.f32 v5, v4  }
0x280: {  	v3 =	vmul.f32 v3, v4  }
0x281: {  	[tilespmem:s6+$0x0] =	vst v5  }
0x282: {  	[tilespmem:s6+$0x10] =	vst v3  }
0x283: {  	v3 =	vld [tilespmem:s3+$0x10]  }
0x284: {  	v2 =	vld.idx.msk [tilespmem:v2+s22+$0x0], $0xffff;
	_ =	sdelay $0x3  }
0x285: {  	v4 =	vunpack.i.l.bf16.f32 v3  }
0x286: {  	v3 =	vunpack.i.u.bf16.f32 v3;
	v4 =	vmul.f32 v4, v2  }
0x287: {  	v2 =	vmul.f32 v3, v2  }
0x288: {  	s8 =	sand.u32 $0x3FFFFF80, s5;
	[tilespmem:s6+$0x20] =	vst v4  }
0x289: {  	s9 =	simm.s32 $0x0;
	s3 =	sadd.s32 $0x5000, s8;
	[tilespmem:s6+$0x30] =	vst v2  }
0x28a: {  	[spmem:s2] =	stream.indirect.scatter.add.f32 [tilespmem:s1], [sflag:$0x4], $0x20, s3, s23, $0xb8;
	[tilespmem:$0x1C800] =	vst v63  }
0x28b: {  	s17 =	sshll.u32 s16, $0x7;
	v3 =	vmov s9;
	s3 =	simm.s32 @!p0 $0x3  }
0x28c: {  	v3 =	vand.u32 $0x7C, v3;
	v2 =	vmov s17;
	_ =	swait.ge @!p0 [sflag:s3], $0x1000  }
0x28d: {  	s5 =	simm.s32 @!p0 $0x80;
	v3 =	vor.u32 v2, v3;
	[sflag:s3] =	ssyncset.done @!p0 $0x0  }
0x28e: {  	s6 =	simm.s32 @!p0 $0x10000;
	v3 =	vbroadcast v3, $0x0;
	[sflag:s3] =	ssyncadd.s32 @!p0 $0xFFFFF000;
	s3 =	sadd.s32 @!p0 $0x380, s18  }
0x28f: {  	[tilespmem:s6], [sflag:$0x3] =	stream.indirect.gather @!p0 [hbm4b:s4+s5], $0x10, s3, s5, $0xb8;
	[tilespmem:$0x1C800] =	vst v63  }
0x290: {  	_ =	swait.ge [sflag:s10], $0x800  }
0x291: {  	[sflag:s10] =	ssyncset.done $0x0  }
0x292: {  	s6 =	simm.s32 $0x11020;
	[sflag:s10] =	ssyncadd.s32 $0xFFFFF800  }
0x293: {  	v4 =	vld [tilespmem:s6+$0xFFFFFFE0]  }
0x294: {  	s18 =	simm.s32 $0x1;
	v3 =	vld.idx.msk [tilespmem:v3+s22+$0x0], $0xffff  }
0x295: {  	v5 =	vmov s18  }
0x296: {  	v5 =	vand.u32 $0x7D, v5  }
0x297: {  	v5 =	vor.u32 v2, v5  }
0x298: {  	v5 =	vbroadcast v5, $0x0;
	v6 =	vunpack.i.l.bf16.f32 v4  }
0x299: {  	v4 =	vunpack.i.u.bf16.f32 v4;
	v6 =	vmul.f32 v6, v3  }
0x29a: {  	s5 =	simm.s32 $0x15840;
	v3 =	vmul.f32 v4, v3  }
0x29b: {  	[tilespmem:s5+$0xFFFFFFC0] =	vst v6  }
0x29c: {  	[tilespmem:s5+$0xFFFFFFD0] =	vst v3  }
0x29d: {  	v3 =	vld [tilespmem:s6+$0xFFFFFFF0]  }
0x29e: {  	s19 =	simm.s32 $0x2;
	v4 =	vld.idx.msk [tilespmem:v5+s22+$0x0], $0xffff  }
0x29f: {  	v5 =	vmov s19  }
0x2a0: {  	v5 =	vand.u32 $0x7E, v5  }
0x2a1: {  	v5 =	vor.u32 v2, v5  }
0x2a2: {  	v5 =	vbroadcast v5, $0x0;
	v6 =	vunpack.i.l.bf16.f32 v3  }
0x2a3: {  	v3 =	vunpack.i.u.bf16.f32 v3;
	v6 =	vmul.f32 v6, v4  }
0x2a4: {  	v3 =	vmul.f32 v3, v4  }
0x2a5: {  	[tilespmem:s5+$0xFFFFFFE0] =	vst v6  }
0x2a6: {  	[tilespmem:s5+$0xFFFFFFF0] =	vst v3  }
0x2a7: {  	s30 =	simm.s32 $0x3;
	v3 =	vld [tilespmem:s6+$0x0]  }
0x2a8: {  	v4 =	vld.idx.msk [tilespmem:v5+s22+$0x0], $0xffff;
	v5 =	vmov s30  }
0x2a9: {  	v5 =	vand.u32 $0x7F, v5  }
0x2aa: {  	v5 =	vor.u32 v2, v5  }
0x2ab: {  	v5 =	vbroadcast v5, $0x0  }
0x2ac: {  	v6 =	vunpack.i.l.bf16.f32 v3  }
0x2ad: {  	v3 =	vunpack.i.u.bf16.f32 v3;
	v6 =	vmul.f32 v6, v4  }
0x2ae: {  	v3 =	vmul.f32 v3, v4  }
0x2af: {  	[tilespmem:s5+$0x0] =	vst v6  }
0x2b0: {  	[tilespmem:s5+$0x10] =	vst v3  }
0x2b1: {  	v3 =	vld.idx.msk [tilespmem:v5+s22+$0x0], $0xffff  }
0x2b2: {  	s7 =	simm.s32 $0x4;
	s16 =	simm.s32 $0x8;
	s8 =	simm.s32 $0x15840;
	v4 =	vld [tilespmem:s6+$0x10]  }
.LBB2_15:
0x2b3: {  	s6 =	sadd.s32 $0x40, s6  }
0x2b4: {  	v5 =	vmov s7;
	s5 =	sadd.s32 $0x80, s5;
	s3 =	smov.u32 s16;
	s9 =	sadd.s32 $0x4, s16  }
0x2b5: {  	p1 =	sne.s32 s16, $0x7C;
	v5 =	vand.u32 $0x7C, v5  }
0x2b6: {  	v5 =	vor.u32 v2, v5  }
0x2b7: {  	v5 =	vbroadcast v5, $0x0;
	v6 =	vunpack.i.u.bf16.f32 v4;
	v4 =	vunpack.i.l.bf16.f32 v4  }
0x2b8: {  	v4 =	vmul.f32 v4, v3;
	v3 =	vmul.f32 v6, v3;
	_ =	sdelay $0x1  }
0x2b9: {  	[tilespmem:s8+$0x20] =	vst v4  }
0x2ba: {  	[tilespmem:s8+$0x30] =	vst v3;
	s8 =	smov.u32 s5  }
0x2bb: {  	v3 =	vld [tilespmem:s6+$0xFFFFFFE0]  }
0x2bc: {  	s16 =	sadd.s32 $0x1, s7;
	v4 =	vld.idx.msk [tilespmem:v5+s22+$0x0], $0xffff  }
0x2bd: {  	v5 =	vmov s16  }
0x2be: {  	v5 =	vand.u32 $0x7D, v5  }
0x2bf: {  	v5 =	vor.u32 v2, v5  }
0x2c0: {  	v5 =	vbroadcast v5, $0x0  }
0x2c1: {  	v6 =	vunpack.i.u.bf16.f32 v3;
	v3 =	vunpack.i.l.bf16.f32 v3  }
0x2c2: {  	v3 =	vmul.f32 v3, v4;
	v4 =	vmul.f32 v6, v4;
	_ =	sdelay $0x1  }
0x2c3: {  	[tilespmem:s5+$0xFFFFFFC0] =	vst v3  }
0x2c4: {  	[tilespmem:s5+$0xFFFFFFD0] =	vst v4  }
0x2c5: {  	v3 =	vld.idx.msk [tilespmem:v5+s22+$0x0], $0xffff  }
0x2c6: {  	s16 =	sadd.s32 $0x2, s7;
	v4 =	vld [tilespmem:s6+$0xFFFFFFF0]  }
0x2c7: {  	v5 =	vmov s16  }
0x2c8: {  	v5 =	vand.u32 $0x7E, v5  }
0x2c9: {  	v5 =	vor.u32 v2, v5  }
0x2ca: {  	v5 =	vbroadcast v5, $0x0  }
0x2cb: {  	v6 =	vunpack.i.u.bf16.f32 v4;
	v4 =	vunpack.i.l.bf16.f32 v4  }
0x2cc: {  	v4 =	vmul.f32 v4, v3;
	v3 =	vmul.f32 v6, v3;
	_ =	sdelay $0x1  }
0x2cd: {  	[tilespmem:s5+$0xFFFFFFE0] =	vst v4  }
0x2ce: {  	[tilespmem:s5+$0xFFFFFFF0] =	vst v3  }
0x2cf: {  	v3 =	vld.idx.msk [tilespmem:v5+s22+$0x0], $0xffff  }
0x2d0: {  	s16 =	sadd.s32 $0x3, s7;
	s7 =	smov.u32 s3;
	v4 =	vld [tilespmem:s6+$0x0]  }
0x2d1: {  	v5 =	vmov s16  }
0x2d2: {  	v5 =	vand.u32 $0x7F, v5  }
0x2d3: {  	v5 =	vor.u32 v2, v5  }
0x2d4: {  	v5 =	vbroadcast v5, $0x0  }
0x2d5: {  	v6 =	vunpack.i.u.bf16.f32 v4;
	v4 =	vunpack.i.l.bf16.f32 v4  }
0x2d6: {  	v4 =	vmul.f32 v4, v3;
	v3 =	vmul.f32 v6, v3  }
.Ltmp8:
0x2d7: {  	(pc) =	sbr.rel @p1 .LBB2_15-.Ltmp8, $4  }
0x2d8: {  	[tilespmem:s5+$0x0] =	vst v4  }
0x2d9: {  	[tilespmem:s5+$0x10] =	vst v3  }
0x2da: {  	v3 =	vld.idx.msk [tilespmem:v5+s22+$0x0], $0xffff  }
0x2db: {  	s16 =	smov.u32 s9;
	v4 =	vld [tilespmem:s6+$0x10]  }
0x2dc: {  	_ = 	snop  }
0x2dd: {  	v5 =	vmov s7  }
0x2de: {  	v5 =	vand.u32 $0x7C, v5  }
0x2df: {  	v5 =	vor.u32 v2, v5  }
0x2e0: {  	v5 =	vbroadcast v5, $0x0;
	v6 =	vunpack.i.l.bf16.f32 v4  }
0x2e1: {  	v53 =	vunpack.i.u.bf16.f32 v4;
	v6 =	vmul.f32 v6, v3  }
0x2e2: {  	v3 =	vmul.f32 v53, v3  }
0x2e3: {  	[tilespmem:s8+$0x20] =	vst v6  }
0x2e4: {  	s3 =	sadd.s32 $0x40, s6;
	[tilespmem:s8+$0x30] =	vst v3  }
0x2e5: {  	v3 =	vld [tilespmem:s3+$0xFFFFFFE0]  }
0x2e6: {  	s17 =	sadd.s32 $0x1, s7;
	v54 =	vld.idx.msk [tilespmem:v5+s22+$0x0], $0xffff  }
0x2e7: {  	v55 =	vmov s17  }
0x2e8: {  	v5 =	vand.u32 $0x7D, v55  }
0x2e9: {  	v5 =	vor.u32 v2, v5  }
0x2ea: {  	v5 =	vbroadcast v5, $0x0;
	v56 =	vunpack.i.l.bf16.f32 v3  }
0x2eb: {  	v3 =	vunpack.i.u.bf16.f32 v3;
	v6 =	vmul.f32 v56, v54  }
0x2ec: {  	s5 =	sadd.s32 $0x80, s5;
	v3 =	vmul.f32 v3, v54  }
0x2ed: {  	[tilespmem:s5+$0xFFFFFFC0] =	vst v6  }
0x2ee: {  	[tilespmem:s5+$0xFFFFFFD0] =	vst v3  }
0x2ef: {  	v3 =	vld [tilespmem:s3+$0xFFFFFFF0]  }
0x2f0: {  	s18 =	sadd.s32 $0x2, s7;
	v57 =	vld.idx.msk [tilespmem:v5+s22+$0x0], $0xffff  }
0x2f1: {  	v58 =	vmov s18  }
0x2f2: {  	v5 =	vand.u32 $0x7E, v58  }
0x2f3: {  	v5 =	vor.u32 v2, v5  }
0x2f4: {  	v5 =	vbroadcast v5, $0x0;
	v59 =	vunpack.i.l.bf16.f32 v3  }
0x2f5: {  	v3 =	vunpack.i.u.bf16.f32 v3;
	v6 =	vmul.f32 v59, v57  }
0x2f6: {  	v3 =	vmul.f32 v3, v57  }
0x2f7: {  	[tilespmem:s5+$0xFFFFFFE0] =	vst v6  }
0x2f8: {  	[tilespmem:s5+$0xFFFFFFF0] =	vst v3  }
0x2f9: {  	v3 =	vld [tilespmem:s3+$0x0]  }
0x2fa: {  	s19 =	sadd.s32 $0x3, s7;
	v60 =	vld.idx.msk [tilespmem:v5+s22+$0x0], $0xffff  }
0x2fb: {  	v61 =	vmov s19  }
0x2fc: {  	v5 =	vand.u32 $0x7F, v61  }
0x2fd: {  	v2 =	vor.u32 v2, v5  }
0x2fe: {  	v2 =	vbroadcast v2, $0x0;
	v62 =	vunpack.i.l.bf16.f32 v3  }
0x2ff: {  	v3 =	vunpack.i.u.bf16.f32 v3;
	v5 =	vmul.f32 v62, v60  }
0x300: {  	v3 =	vmul.f32 v3, v60  }
0x301: {  	[tilespmem:s5+$0x0] =	vst v5  }
0x302: {  	[tilespmem:s5+$0x10] =	vst v3  }
0x303: {  	v3 =	vld [tilespmem:s3+$0x10]  }
0x304: {  	v2 =	vld.idx.msk [tilespmem:v2+s22+$0x0], $0xffff;
	_ =	sdelay $0x3  }
0x305: {  	v63 =	vunpack.i.l.bf16.f32 v3  }
.Ltmp9:
0x306: {  	v3 =	vunpack.i.u.bf16.f32 v3;
	v4 =	vmul.f32 v63, v2;
	(pc) =	sbr.rel @p0 .LBB2_18-.Ltmp9, $4  }
0x307: {  	v2 =	vmul.f32 v3, v2  }
0x308: {  	[tilespmem:s5+$0x20] =	vst v4  }
0x309: {  	s30 =	sadd.s32 $0x5000, s15;
	[tilespmem:s5+$0x30] =	vst v2  }
0x30a: {  	[spmem:s2] =	stream.indirect.scatter.add.f32 [tilespmem:s11], [sflag:$0x5], $0x20, s30, s23, $0xb8;
	[tilespmem:$0x1C800] =	vst v63  }
.Ltmp10:
0x30b: {  	(pc) =	sbr.rel .LBB2_6-.Ltmp10, $4  }
0x30c: {  	_ =	swait.ge [sflag:s29], $0x1000  }
0x30d: {  	s3 =	sadd.s32 $0x400, s14;
	[sflag:s29] =	ssyncset.done $0x0  }
0x30e: {  	s5 =	simm.s32 $0x10800;
	s13 =	sadd.s32 $0x1, s13;
	[sflag:s29] =	ssyncadd.s32 $0xFFFFF000  }
0x30f: {  	[tilespmem:s5], [sflag:$0x4] =	stream.indirect.gather [hbm4b:s4+s23], $0x10, s3, s23, $0xb8;
	[tilespmem:$0x1C800] =	vst v63  }
.LBB2_19:
0x310: {  	_ =	sfence.sel $0x180000  }
0x311: {  	[bflag:$0x0] =	sbarrier.arrive $0xFFFF  }
0x312: {  	_ =	strace $0x9000004A  }
0x313: {  	s0 =	stileid.u32;
	[bflag:$0x2] =	sbarrier.arrive $0xFFFF  }
0x314: {  	p0 =	sne.s32 s0, $0x0;
	s0 =	rddreg [dreg:$0x2]  }
0x315: {  	s0 =	sadd.s32 @!p0 $0x100000, s0  }
0x316: {  	[sflag:s0] =	ssyncadd.tile.s32 @!p0 $0x1;
	_ =	shalt  }
.Lfunc_end2:
_tile_overlayer_lowered:
.L_overlay_start_2:
0x317: {  	(tag) =	ssettag $0x2  }
0x318: {  	s0 =	rddreg [dreg:$0x0];
	s2 =	stileid.u32  }
0x319: {  	s1 =	rddreg [dreg:$0x1];
	p0 =	sne.s32 s2, $0x0  }
0x31a: {  	s3 =	rddreg [dreg:$0x2];
	[bflag:$0x3] =	sbarrier.arrive $0xFFFF;
	s2 =	simm.s32 @!p0 $0x1C06  }
0x31b: {  	[timem:s3], [sflag:s2] =	dma.local @!p0 [hbm:s0], s1  }
0x31c: {  	s0 =	simm.s32 @!p0 $0x6  }
0x31d: {  	_ =	swait.ge @!p0 [sflag:s0], s1  }
0x31e: {  	s1 =	ssub.s32 @!p0 $0x0, s1;
	[sflag:s0] =	ssyncset.done @!p0 $0x0  }
0x31f: {  	[sflag:s0] =	ssyncadd.s32 @!p0 s1  }
0x320: {  	[bflag:$0x3] =	sbarrier.arrive $0xFFFF  }
0x321: {  	_ =	shalt  }

// kernel: kernel.14.cloned.1.call-start
scs
__scs_entry_jumppad:
0x0: {  	(pc) =	sbr.rel $0x88, $3  }
0x1: {  	(tag) =	ssettag $0x0;
	lr =	simm.s32 $0x1  }
0x2: {  	[smem:$0x3F9A] =	sst lr;
	_ =	strace $0xD0000000  }
0x3: {  	_ = 	snop  }
0x4: {  	_ = 	snop  }
0x5: {  	_ = 	snop  }
0x6: {  	_ = 	snop  }
0x7: {  	_ = 	snop  }
__scs_overlays_trampoline_lowered:
0x8: {  	[smem:$0x3FA9] =	sst s0  }
0x9: {  	[smem:$0x3FAA] =	sst s1  }
0xa: {  	[smem:$0x3FAB] =	sst s2  }
0xb: {  	[smem:$0x3FAC] =	sst s3  }
0xc: {  	[smem:$0x3FAD] =	sst s4  }
0xd: {  	[smem:$0x3FAE] =	sst s5  }
0xe: {  	[smem:$0x3FAF] =	sst s6  }
0xf: {  	[smem:$0x3FB0] =	sst s7  }
0x10: {  	[smem:$0x3FB1] =	sst s8  }
0x11: {  	[smem:$0x3FB2] =	sst s9;
	s0 =	simm.s32 @!p0 $0x0  }
0x12: {  	s1 =	sld [smem:$0x3F98];
	s0 =	simm.s32 @p0 $0x1  }
0x13: {  	[smem:$0x3FB3] =	sst s0;
	s0 =	simm.s32 @!p1 $0x0  }
0x14: {  	s2 =	sld [smem:$0x3F97];
	s0 =	simm.s32 @p1 $0x1  }
0x15: {  	[smem:$0x3FB4] =	sst s0;
	s0 =	simm.s32 @!p2 $0x0  }
0x16: {  	s3 =	sld [smem:$0x3FDB];
	s0 =	simm.s32 @p2 $0x1  }
0x17: {  	s4 =	simm.s32 $0x1BF5;
	[smem:$0x3FB6] =	sst s0  }
0x18: {  	s0 =	sld [smem:$0x3F99];
	_ =	swait.ge [sflag:s4], $0x0  }
0x19: {  	s7 =	sld [smem:$0x3F9A]  }
0x1a: {  	s8 =	sadd.s32 $0xFFFFE003, lr  }
0x1b: {  	s9 =	sadd.s32 $0xFFFFFEF7, lr;
	s5 =	simm.s32 $0xFFFFFFFF;
	p2 =	slt.u32 s8, $0xFFFFF086  }
0x1c: {  	p1 =	slt.u32 s9, $0xF7A;
	s5 =	simm.s32 @!p2 $0x0  }
0x1d: {  	s5 =	simm.s32 @p1 $0x1;
	p0 =	seq.s32 s7, s2  }
0x1e: {  	s7 =	smul.u32 @!p0 $0xF7A, s2;
	p2 =	seq.s32 @!p0 s5, $0x0  }
0x1f: {  	s9 =	smul.u32 $0xF7A, s1;
	s8 =	simm.s32 @!p0 $0x1BF5;
	p2 =	por !p2, p0  }
0x20: {  	[sflag:s8] =	ssyncset.s32 @!p0 $0xFFFFF086;
	s6 =	sadd.s32 @!p0 s3, s7;
	s7 =	simm.s32 @!p0 $0x108  }
0x21: {  	s3 =	sadd.s32 s3, s9;
	s6 =	sadd.s32 @!p0 $0x88, s6;
	s7 =	simm.s32 @p2 $0x1082  }
0x22: {  	[simem:s7], [sflag:s8] =	dma.local @!p0 [hbm:s6], $0xF7A  }
0x23: {  	s9 =	sor.u32 $0xD0000000, s2;
	s6 =	simm.s32 $0x108;
	_ =	swait.ge @!p0 [sflag:s8], $0x0  }
0x24: {  	s3 =	sadd.s32 $0x88, s3;
	s6 =	simm.s32 @!p1 $0x1082;
	[sflag:s4] =	ssyncset.s32 $0xFFFFF086  }
0x25: {  	[simem:s6], [sflag:s4] =	dma.local [hbm:s3], $0xF7A  }
0x26: {  	[smem:$0x3F9A] =	sst s1;
	(tag) =	ssettag s2;
	_ =	strace s9  }
0x27: {  	s1 =	sld [smem:$0x3FAA]  }
0x28: {  	s2 =	sld [smem:$0x3FAB]  }
0x29: {  	s4 =	sld [smem:$0x3FAD]  }
0x2a: {  	p0 =	seq.s32 s5, $0x0;
	s5 =	sld [smem:$0x3FAE]  }
0x2b: {  	s6 =	sld [smem:$0x3FAF]  }
0x2c: {  	s7 =	sld [smem:$0x3FB0]  }
0x2d: {  	s3 =	simm.s32 $0x108;
	s8 =	sld [smem:$0x3FB1]  }
0x2e: {  	s3 =	simm.s32 @!p0 $0x1082;
	s9 =	sld [smem:$0x3FB2]  }
0x2f: {  	lr =	sadd.s32 s0, s3;
	s0 =	sld [smem:$0x3FA9]  }
0x30: {  	s3 =	sld [smem:$0x3FAC]  }
0x31: {  	[smem:$0x3FB5] =	sst s10  }
0x32: {  	s10 =	sld [smem:$0x3FB3];
	_ =	sdelay $0x3  }
0x33: {  	p0 =	seq.s32 s10, $0x1;
	s10 =	sld [smem:$0x3FB5];
	_ =	sdelay $0x3  }
0x34: {  	[smem:$0x3FB5] =	sst s10  }
0x35: {  	s10 =	sld [smem:$0x3FB4];
	_ =	sdelay $0x3  }
0x36: {  	p1 =	seq.s32 s10, $0x1;
	s10 =	sld [smem:$0x3FB5];
	_ =	sdelay $0x3  }
0x37: {  	[smem:$0x3FB5] =	sst s10  }
0x38: {  	s10 =	sld [smem:$0x3FB6]  }
0x39: {  	_ = 	snop;
	(pc) =	sbr.ind lr, $3  }
0x3a: {  	_ = 	snop  }
0x3b: {  	_ = 	snop  }
0x3c: {  	p2 =	seq.s32 s10, $0x1;
	s10 =	sld [smem:$0x3FB5]  }
0x3d: {  	_ =	shalt  }
0x3e: {  	_ =	shalt  }
0x3f: {  	_ =	shalt  }
0x40: {  	_ =	shalt  }
0x41: {  	_ =	shalt  }
0x42: {  	_ =	shalt  }
0x43: {  	_ =	shalt  }
0x44: {  	_ =	shalt  }
0x45: {  	_ =	shalt  }
0x46: {  	_ =	shalt  }
0x47: {  	_ =	shalt  }
0x48: {  	_ =	shalt  }
0x49: {  	_ =	shalt  }
0x4a: {  	_ =	shalt  }
0x4b: {  	_ =	shalt  }
0x4c: {  	_ =	shalt  }
0x4d: {  	_ =	shalt  }
0x4e: {  	_ =	shalt  }
0x4f: {  	_ =	shalt  }
0x50: {  	_ =	shalt  }
0x51: {  	_ =	shalt  }
0x52: {  	_ =	shalt  }
0x53: {  	_ =	shalt  }
0x54: {  	_ =	shalt  }
0x55: {  	_ =	shalt  }
0x56: {  	_ =	shalt  }
0x57: {  	_ =	shalt  }
0x58: {  	_ =	shalt  }
0x59: {  	_ =	shalt  }
0x5a: {  	_ =	shalt  }
0x5b: {  	_ =	shalt  }
0x5c: {  	_ =	shalt  }
0x5d: {  	_ =	shalt  }
0x5e: {  	_ =	shalt  }
0x5f: {  	_ =	shalt  }
0x60: {  	_ =	shalt  }
0x61: {  	_ =	shalt  }
0x62: {  	_ =	shalt  }
0x63: {  	_ =	shalt  }
0x64: {  	_ =	shalt  }
0x65: {  	_ =	shalt  }
0x66: {  	_ =	shalt  }
0x67: {  	_ =	shalt  }
0x68: {  	_ =	shalt  }
0x69: {  	_ =	shalt  }
0x6a: {  	_ =	shalt  }
0x6b: {  	_ =	shalt  }
0x6c: {  	_ =	shalt  }
0x6d: {  	_ =	shalt  }
0x6e: {  	_ =	shalt  }
0x6f: {  	_ =	shalt  }
0x70: {  	_ =	shalt  }
0x71: {  	_ =	shalt  }
0x72: {  	_ =	shalt  }
0x73: {  	_ =	shalt  }
0x74: {  	_ =	shalt  }
0x75: {  	_ =	shalt  }
0x76: {  	_ =	shalt  }
0x77: {  	_ =	shalt  }
0x78: {  	_ =	shalt  }
0x79: {  	_ =	shalt  }
0x7a: {  	_ =	shalt  }
0x7b: {  	_ =	shalt  }
0x7c: {  	_ =	shalt  }
0x7d: {  	_ =	shalt  }
0x7e: {  	_ =	shalt  }
0x7f: {  	_ =	shalt  }
0x80: {  	_ =	shalt  }
0x81: {  	_ =	shalt  }
0x82: {  	_ =	shalt  }
0x83: {  	_ =	shalt  }
0x84: {  	_ =	shalt  }
0x85: {  	_ =	shalt  }
0x86: {  	_ =	shalt  }
0x87: {  	_ =	shalt  }
.Lfunc_end0:
.L_simem_size_0:
called_computation.2_lowered:
.L_overlay_start_0:
0x88: {  	s2 =	sld [smem:$0x3FD9]  }
0x89: {  	s3 =	sld [smem:$0x3FFE];
	_ =	sdelay $0x1  }
0x8a: {  	s1 =	srdreg.scid  }
0x8b: {  	s0 =	sand.u32 $0x1, s1  }
0x8c: {  	s16 =	sshll.u32 s0, $0xA;
	s2 =	sadd.s32 s3, s2  }
0x8d: {  	s2 =	sadd.s32 s2, s16  }
0x8e: {  	[smem:$0x3FC1] =	sst s2  }
0x8f: {  	_ = 	snop  }
0x90: {  	(tm) =	ssettm $0x1  }
0x91: {  	s17 =	sld [smem:$0x3FFB];
	_ =	sdelay $0x3  }
0x92: {  	_ =	strace s17  }
0x93: {  	s2 =	sld [smem:$0x3FFC];
	_ =	sdelay $0x3  }
0x94: {  	_ =	strace s2  }
0x95: {  	s2 =	sld [smem:$0x3FFD];
	_ =	sdelay $0x3  }
0x96: {  	_ =	strace s2  }
0x97: {  	_ =	strace $0x8FFFFFFF  }
0x98: {  	s18 =	sld [smem:$0x3FDB];
	_ =	sdelay $0x1  }
0x99: {  	s19 =	simm.s32 $_scs_section_size  }
0x9a: {  	s4 =	simm.s32 $_size__tile_overlayer_lowered;
	s5 =	simm.s32 $_tile_overlayer_lowered  }
0x9b: {  	s22 =	simm.s32 $0x1BFF;
	s21 =	sshll.u32 s5, $0x1;
	s2 =	sadd.s32 s19, s18  }
0x9c: {  	s6 =	simm.s32 $0x0;
	s20 =	sshll.u32 s4, $0x1;
	s4 =	sadd.s32 s21, s2  }
0x9d: {  	[timem:s6], [sflag:s22] =	dma.local [hbm:s4], s20  }
0x9e: {  	_ =	swait.ge [sflag:s22], s20  }
0x9f: {  	s3 =	ssub.s32 $0x0, s20;
	[sflag:s22] =	ssyncset.done $0x0  }
0xa0: {  	[sflag:s22] =	ssyncadd.s32 s3;
	_ =	sdelay $0x1  }
0xa1: {  	s23 =	simm.s32 $0x1B8B  }
0xa2: {  	_ =	swait.ge [sflag:s23], $0x1  }
0xa3: {  	[sflag:s23] =	ssyncset.done $0x0  }
0xa4: {  	s25 =	simm.s32 $0x1B8E;
	s24 =	sld [smem:$0x3FFE];
	[sflag:s23] =	ssyncadd.s32 $0xFFFFFFFF  }
0xa5: {  	s26 =	simm.s32 $execute0_lowered;
	[smem:$0x3FD2] =	sst s25  }
0xa6: {  	s4 =	sshll.u32 s26, $0x1;
	_ =	strace $0x8000004C;
	[dreg:$0x1] =	wrdreg $0xFFFFFFFF  }
0xa7: {  	s28 =	simm.s32 $_size_execute0_lowered;
	s2 =	sadd.s32 s2, s4;
	[dreg:$0x0] =	wrdreg $0x0  }
0xa8: {  	s4 =	sshll.u32 s28, $0x1;
	[dreg:$0x2] =	wrdreg s2  }
0xa9: {  	[dreg:$0x3] =	wrdreg s4  }
0xaa: {  	[dreg:$0x4] =	wrdreg $0xC0  }
0xab: {  	_ =	task [dreg:s6], $0x5FFFF  }
0xac: {  	[dreg:$0x1] =	wrdreg $0xFFFFFFFF  }
0xad: {  	[dreg:$0x0] =	wrdreg $0x60  }
0xae: {  	[dreg:$0x2] =	wrdreg s24  }
0xaf: {  	[dreg:$0x3] =	wrdreg $0xCF000  }
0xb0: {  	[dreg:$0x4] =	wrdreg $0x9  }
0xb1: {  	_ =	task.clear_ibuf [dreg:s6], $0x5FFFF;
	_ =	strace $0x9000004C  }
0xb2: {  	s29 =	simm.s32 $0x9;
	_ =	strace $0x8000004E  }
0xb3: {  	_ =	swait.ge [sflag:s29], $0x1  }
0xb4: {  	[sflag:s29] =	ssyncadd.s32 $0xFFFFFFFF  }
0xb5: {  	_ =	strace $0x9000004E  }
0xb6: {  	_ =	sfence  }
0xb7: {  	s30 =	sld [smem:$0x0];
	_ =	sdelay $0x2  }
0xb8: {  	s31 =	sshll.u32 s1, $0xD;
	s1 =	sshrl.u32 s1, $0x2  }
0xb9: {  	s3 =	sand.u32 $0x4000, s31;
	s1 =	sadd.s32 s1, s30  }
0xba: {  	s0 =	sor.u32 s3, s0;
	s1 =	sshll.u32 s1, $0x11  }
0xbb: {  	s0 =	sor.u32 s1, s0  }
0xbc: {  	s0 =	sadd.s32 $0x8F2B, s0  }
0xbd: {  	[sflag:s0] =	ssyncadd.remote.s32 $0x1  }
0xbe: {  	_ =	sfence.sel $0xFFFF  }
0xbf: {  	[dreg:$0x0] =	wrdreg $0xFFFFFFFF;
	(pc) =	sbr.abs _section_cstart, $3  }
0xc0: {  	[dreg:$0x1] =	wrdreg $0xFFFFFFFF  }
0xc1: {  	_ =	task.clear_ibuf [dreg:s6], $0x2FFFF;
	_ =	strace $0x9FFFFFFF  }
0xc2: {  	(tm) =	ssettm $0x7FFFFFFF  }
0xc3: {  	_ =	shalt  }
tec
execute0_lowered:
.L_overlay_start_1:
0x0: {  	(tag) =	ssettag $0x1  }
0x1: {  	s5 =	rddreg [dreg:$0x0]  }
0x2: {  	s0 =	srdreg.scid;
	s2 =	rddreg [dreg:$0x1]  }
0x3: {  	s1 =	stileid.u32;
	s3 =	simm.s32 $0x0;
	s12 =	simm.s32 $0x1  }
0x4: {  	s13 =	simm.s32 $0x7800;
	s14 =	simm.s32 $0x2800;
	s15 =	simm.s32 $0x5000  }
0x5: {  	s16 =	simm.s32 $0x80;
	s17 =	simm.s32 $0xCD00;
	s18 =	simm.s32 $0xCE00  }
0x6: {  	s19 =	simm.s32 $0xCD80;
	s20 =	simm.s32 $0xCE80;
	s21 =	simm.s32 $0x0  }
0x7: {  	s4 =	sand.u32 $0x1, s0;
	s0 =	rddreg [dreg:$0x2];
	s7 =	smul.u32 $0x500, s1  }
0x8: {  	[smem:$0x7FF] =	sst s3;
	s6 =	sshll.u32 s4, $0x4;
	s8 =	smul.u32 $0x5000, s4  }
0x9: {  	_ =	strace $0x8000004D;
	s30 =	ssub.s32 $0x2, s4;
	s6 =	sor.u32 s1, s6  }
0xa: {  	s31 =	sshrl.u32 s30, $0x1;
	s6 =	smul.u32 $0x500, s6;
	s8 =	sadd.s32 s7, s8  }
0xb: {  	s4 =	sadd.s32 $0x20000, s5;
	s11 =	ssub.s32 s30, s31;
	s29 =	sshrl.u32 s8, $0x3  }
0xc: {  	s9 =	sadd.s32 s6, s5;
	s10 =	sadd.s32 s29, s5;
	s5 =	sadd.s32 s7, s2  }
0xd: {  	s6 =	sadd.s32 $0x16000, s9;
	s7 =	sadd.s32 $0x2000, s9;
	s8 =	sadd.s32 $0xC000, s9  }
0xe: {  	v0 =	vimm.f32 $0.0e+00;
	s9 =	sadd.s32 $0x20A00, s10;
	s10 =	smax.u32 s11, $0x1;
	s11 =	simm.s32 $0xC800  }
.LBB2_1:
0xf: {  	s22 =	simm.s32 $0x40;
	s23 =	simm.s32 $0x0  }
.LBB2_2:
0x10: {  	p0 =	sne.s32 s22, $0x13C0;
	[tilespmem:s23+$0xC800] =	vst v0;
	s23 =	smov.u32 s22;
	s22 =	sadd.s32 $0x40, s22  }
.Ltmp0:
0x11: {  	(pc) =	sbr.rel @p0 .LBB2_2-.Ltmp0, $2  }
0x12: {  	_ =	sdelay $0x2  }
0x13: {  	s23 =	sshra.s32 s23, $0x2  }
0x14: {  	[tilespmem:s23+$0xC800] =	vst v0  }
0x15: {  	[spmem:s5] =	stream.linear.scatter [tilespmem:s11], [sflag:$0x1], $0x500, $0x38;
	[tilespmem:$0xD400] =	vst v63  }
0x16: {  	_ =	swait.ge [sflag:s12], $0x500  }
0x17: {  	[sflag:s12] =	ssyncset.done $0x0  }
0x18: {  	s22 =	simm.s32 $0x0;
	[sflag:s12] =	ssyncadd.s32 $0xFFFFFB00  }
0x19: {  	[tilespmem:s13], [sflag:$0x1] =	stream.linear.gather [hbm4b:s4+s22], $0x5000, $0x38;
	[tilespmem:$0xD400] =	vst v63  }
0x1a: {  	_ =	swait.ge [sflag:s12], $0x5000  }
0x1b: {  	[sflag:s12] =	ssyncset.done $0x0  }
0x1c: {  	[sflag:s12] =	ssyncadd.s32 $0xFFFFB000  }
0x1d: {  	[tilespmem:s22], [sflag:$0x1] =	stream.linear.gather [hbm4b:s6+s22], $0x2800, $0x38;
	[tilespmem:$0xD400] =	vst v63  }
0x1e: {  	_ =	swait.ge [sflag:s12], $0x2800  }
0x1f: {  	[sflag:s12] =	ssyncset.done $0x0  }
0x20: {  	[sflag:s12] =	ssyncadd.s32 $0xFFFFD800  }
0x21: {  	[tilespmem:s14], [sflag:$0x1] =	stream.linear.gather [hbm4b:s7+s22], $0x2800, $0x38;
	[tilespmem:$0xD400] =	vst v63  }
0x22: {  	_ =	swait.ge [sflag:s12], $0x2800  }
0x23: {  	[sflag:s12] =	ssyncset.done $0x0  }
0x24: {  	[sflag:s12] =	ssyncadd.s32 $0xFFFFD800  }
0x25: {  	[tilespmem:s15], [sflag:$0x1] =	stream.linear.gather [hbm4b:s8+s22], $0x2800, $0x38;
	[tilespmem:$0xD400] =	vst v63  }
0x26: {  	_ =	swait.ge [sflag:s12], $0x2800  }
0x27: {  	[sflag:s12] =	ssyncset.done $0x0  }
0x28: {  	[sflag:s12] =	ssyncadd.s32 $0xFFFFD800  }
0x29: {  	[bflag:$0x0] =	sbarrier.arrive $0xFFFF  }
.LBB2_4:
0x2a: {  	s23 =	sshra.s32 s22, $0x2  }
0x2b: {  	v1 =	vld [tilespmem:s23+$0x0];
	_ =	sdelay $0x1  }
0x2c: {  	v2 =	vld [tilespmem:s23+$0x2800];
	_ =	sdelay $0x2  }
0x2d: {  	v1 =	vshll.u32 v1, $0x1;
	_ =	sdelay $0x1  }
0x2e: {  	v2 =	vshll.u32 v2, $0x1  }
0x2f: {  	v3 =	vld [tilespmem:s23+$0x5000];
	[tilespmem:$0xCD00] =	vst v2;
	v2 =	vor.u32 $0x1, v2  }
0x30: {  	[tilespmem:$0xCD80] =	vst v2  }
0x31: {  	v2 =	vld.idx.msk [tilespmem:v1+s13+$0x0], $0xffff;
	_ =	sdelay $0x2  }
0x32: {  	v1 =	vor.u32 $0x1, v1;
	_ =	sdelay $0x1  }
0x33: {  	v2 =	vmul.f32 v2, v3;
	_ =	sdelay $0x1  }
0x34: {  	[tilespmem:$0xCE00] =	vst v2  }
0x35: {  	v1 =	vld.idx.msk [tilespmem:v1+s13+$0x0], $0xffff;
	_ =	sdelay $0x4  }
0x36: {  	v1 =	vmul.f32 v1, v3;
	_ =	sdelay $0x1  }
0x37: {  	[tilespmem:$0xCE80] =	vst v1  }
0x38: {  	v1 =	vld [tilespmem:s23+$0x10];
	_ =	sdelay $0x1  }
0x39: {  	v2 =	vld [tilespmem:s23+$0x2810];
	_ =	sdelay $0x2  }
0x3a: {  	v1 =	vshll.u32 v1, $0x1;
	_ =	sdelay $0x1  }
0x3b: {  	v2 =	vshll.u32 v2, $0x1  }
0x3c: {  	v3 =	vld [tilespmem:s23+$0x5010];
	[tilespmem:$0xCD10] =	vst v2;
	v2 =	vor.u32 $0x1, v2  }
0x3d: {  	[tilespmem:$0xCD90] =	vst v2  }
0x3e: {  	v2 =	vld.idx.msk [tilespmem:v1+s13+$0x0], $0xffff;
	_ =	sdelay $0x2  }
0x3f: {  	v1 =	vor.u32 $0x1, v1;
	_ =	sdelay $0x1  }
0x40: {  	v2 =	vmul.f32 v2, v3;
	_ =	sdelay $0x1  }
0x41: {  	[tilespmem:$0xCE10] =	vst v2  }
0x42: {  	v1 =	vld.idx.msk [tilespmem:v1+s13+$0x0], $0xffff;
	_ =	sdelay $0x4  }
0x43: {  	v1 =	vmul.f32 v1, v3;
	_ =	sdelay $0x1  }
0x44: {  	[tilespmem:$0xCE90] =	vst v1  }
0x45: {  	v1 =	vld [tilespmem:s23+$0x20];
	_ =	sdelay $0x1  }
0x46: {  	v2 =	vld [tilespmem:s23+$0x2820];
	_ =	sdelay $0x2  }
0x47: {  	v1 =	vshll.u32 v1, $0x1;
	_ =	sdelay $0x1  }
0x48: {  	v2 =	vshll.u32 v2, $0x1  }
0x49: {  	v3 =	vld [tilespmem:s23+$0x5020];
	[tilespmem:$0xCD20] =	vst v2;
	v2 =	vor.u32 $0x1, v2  }
0x4a: {  	[tilespmem:$0xCDA0] =	vst v2  }
0x4b: {  	v2 =	vld.idx.msk [tilespmem:v1+s13+$0x0], $0xffff;
	_ =	sdelay $0x2  }
0x4c: {  	v1 =	vor.u32 $0x1, v1;
	_ =	sdelay $0x1  }
0x4d: {  	v2 =	vmul.f32 v2, v3;
	_ =	sdelay $0x1  }
0x4e: {  	[tilespmem:$0xCE20] =	vst v2  }
0x4f: {  	v1 =	vld.idx.msk [tilespmem:v1+s13+$0x0], $0xffff;
	_ =	sdelay $0x4  }
0x50: {  	v1 =	vmul.f32 v1, v3;
	_ =	sdelay $0x1  }
0x51: {  	[tilespmem:$0xCEA0] =	vst v1  }
0x52: {  	v1 =	vld [tilespmem:s23+$0x30];
	_ =	sdelay $0x1  }
0x53: {  	v2 =	vld [tilespmem:s23+$0x2830];
	_ =	sdelay $0x2  }
0x54: {  	v1 =	vshll.u32 v1, $0x1;
	_ =	sdelay $0x1  }
0x55: {  	v2 =	vshll.u32 v2, $0x1  }
0x56: {  	v3 =	vld [tilespmem:s23+$0x5030];
	[tilespmem:$0xCD30] =	vst v2;
	v2 =	vor.u32 $0x1, v2  }
0x57: {  	[tilespmem:$0xCDB0] =	vst v2  }
0x58: {  	v2 =	vld.idx.msk [tilespmem:v1+s13+$0x0], $0xffff;
	_ =	sdelay $0x2  }
0x59: {  	v1 =	vor.u32 $0x1, v1;
	_ =	sdelay $0x1  }
0x5a: {  	v2 =	vmul.f32 v2, v3;
	_ =	sdelay $0x1  }
0x5b: {  	[tilespmem:$0xCE30] =	vst v2  }
0x5c: {  	v1 =	vld.idx.msk [tilespmem:v1+s13+$0x0], $0xffff;
	_ =	sdelay $0x4  }
0x5d: {  	v1 =	vmul.f32 v1, v3;
	_ =	sdelay $0x1  }
0x5e: {  	[tilespmem:$0xCEB0] =	vst v1  }
0x5f: {  	v1 =	vld [tilespmem:s23+$0x40];
	_ =	sdelay $0x1  }
0x60: {  	v2 =	vld [tilespmem:s23+$0x2840];
	_ =	sdelay $0x2  }
0x61: {  	v1 =	vshll.u32 v1, $0x1;
	_ =	sdelay $0x1  }
0x62: {  	v2 =	vshll.u32 v2, $0x1  }
0x63: {  	v3 =	vld [tilespmem:s23+$0x5040];
	[tilespmem:$0xCD40] =	vst v2;
	v2 =	vor.u32 $0x1, v2  }
0x64: {  	[tilespmem:$0xCDC0] =	vst v2  }
0x65: {  	v2 =	vld.idx.msk [tilespmem:v1+s13+$0x0], $0xffff;
	_ =	sdelay $0x2  }
0x66: {  	v1 =	vor.u32 $0x1, v1;
	_ =	sdelay $0x1  }
0x67: {  	v2 =	vmul.f32 v2, v3;
	_ =	sdelay $0x1  }
0x68: {  	[tilespmem:$0xCE40] =	vst v2  }
0x69: {  	v1 =	vld.idx.msk [tilespmem:v1+s13+$0x0], $0xffff;
	_ =	sdelay $0x4  }
0x6a: {  	v1 =	vmul.f32 v1, v3;
	_ =	sdelay $0x1  }
0x6b: {  	[tilespmem:$0xCEC0] =	vst v1  }
0x6c: {  	v1 =	vld [tilespmem:s23+$0x50];
	_ =	sdelay $0x1  }
0x6d: {  	v2 =	vld [tilespmem:s23+$0x2850];
	_ =	sdelay $0x2  }
0x6e: {  	v1 =	vshll.u32 v1, $0x1;
	_ =	sdelay $0x1  }
0x6f: {  	v2 =	vshll.u32 v2, $0x1  }
0x70: {  	v3 =	vld [tilespmem:s23+$0x5050];
	[tilespmem:$0xCD50] =	vst v2;
	v2 =	vor.u32 $0x1, v2  }
0x71: {  	[tilespmem:$0xCDD0] =	vst v2  }
0x72: {  	v2 =	vld.idx.msk [tilespmem:v1+s13+$0x0], $0xffff;
	_ =	sdelay $0x2  }
0x73: {  	v1 =	vor.u32 $0x1, v1;
	_ =	sdelay $0x1  }
0x74: {  	v2 =	vmul.f32 v2, v3;
	_ =	sdelay $0x1  }
0x75: {  	[tilespmem:$0xCE50] =	vst v2  }
0x76: {  	v1 =	vld.idx.msk [tilespmem:v1+s13+$0x0], $0xffff;
	_ =	sdelay $0x4  }
0x77: {  	v1 =	vmul.f32 v1, v3;
	_ =	sdelay $0x1  }
0x78: {  	[tilespmem:$0xCED0] =	vst v1  }
0x79: {  	v1 =	vld [tilespmem:s23+$0x60];
	_ =	sdelay $0x1  }
0x7a: {  	v2 =	vld [tilespmem:s23+$0x2860];
	_ =	sdelay $0x2  }
0x7b: {  	v1 =	vshll.u32 v1, $0x1;
	_ =	sdelay $0x1  }
0x7c: {  	v2 =	vshll.u32 v2, $0x1  }
0x7d: {  	v3 =	vld [tilespmem:s23+$0x5060];
	[tilespmem:$0xCD60] =	vst v2;
	v2 =	vor.u32 $0x1, v2  }
0x7e: {  	[tilespmem:$0xCDE0] =	vst v2  }
0x7f: {  	v2 =	vld.idx.msk [tilespmem:v1+s13+$0x0], $0xffff;
	_ =	sdelay $0x2  }
0x80: {  	v1 =	vor.u32 $0x1, v1;
	_ =	sdelay $0x1  }
0x81: {  	v2 =	vmul.f32 v2, v3;
	_ =	sdelay $0x1  }
0x82: {  	[tilespmem:$0xCE60] =	vst v2  }
0x83: {  	v1 =	vld.idx.msk [tilespmem:v1+s13+$0x0], $0xffff;
	_ =	sdelay $0x4  }
0x84: {  	v1 =	vmul.f32 v1, v3;
	_ =	sdelay $0x1  }
0x85: {  	[tilespmem:$0xCEE0] =	vst v1  }
0x86: {  	v1 =	vld [tilespmem:s23+$0x70];
	_ =	sdelay $0x1  }
0x87: {  	v2 =	vld [tilespmem:s23+$0x2870];
	_ =	sdelay $0x2  }
0x88: {  	v1 =	vshll.u32 v1, $0x1;
	_ =	sdelay $0x1  }
0x89: {  	v2 =	vshll.u32 v2, $0x1  }
0x8a: {  	v3 =	vld [tilespmem:s23+$0x5070];
	[tilespmem:$0xCD70] =	vst v2;
	v2 =	vor.u32 $0x1, v2  }
0x8b: {  	[tilespmem:$0xCDF0] =	vst v2  }
0x8c: {  	v2 =	vld.idx.msk [tilespmem:v1+s13+$0x0], $0xffff;
	_ =	sdelay $0x2  }
0x8d: {  	v1 =	vor.u32 $0x1, v1;
	_ =	sdelay $0x1  }
0x8e: {  	v2 =	vmul.f32 v2, v3;
	_ =	sdelay $0x1  }
0x8f: {  	[tilespmem:$0xCE70] =	vst v2  }
0x90: {  	v1 =	vld.idx.msk [tilespmem:v1+s13+$0x0], $0xffff;
	_ =	sdelay $0x4  }
0x91: {  	v1 =	vmul.f32 v1, v3;
	_ =	sdelay $0x1  }
0x92: {  	[tilespmem:$0xCEF0] =	vst v1  }
0x93: {  	[spmem:s2] =	stream.indirect.scatter.add.f32 [tilespmem:s18], [sflag:$0x1], $0x1, s17, s16, $0xb8;
	[tilespmem:$0xD400] =	vst v63  }
0x94: {  	_ =	swait.ge [sflag:s12], $0x80  }
0x95: {  	p0 =	sne.s32 s22, $0x9E00;
	[sflag:s12] =	ssyncset.done $0x0  }
.Ltmp1:
0x96: {  	[sflag:s12] =	ssyncadd.s32 $0xFFFFFF80;
	(pc) =	sbr.rel @p0 .LBB2_4-.Ltmp1, $4  }
0x97: {  	[spmem:s2] =	stream.indirect.scatter.add.f32 [tilespmem:s20], [sflag:$0x1], $0x1, s19, s16, $0xb8;
	[tilespmem:$0xD400] =	vst v63  }
0x98: {  	_ =	swait.ge [sflag:s12], $0x80  }
0x99: {  	[sflag:s12] =	ssyncset.done $0x0  }
0x9a: {  	s22 =	sadd.s32 $0x200, s22;
	[sflag:s12] =	ssyncadd.s32 $0xFFFFFF80  }
0x9b: {  	[bflag:$0x0] =	sbarrier.arrive $0xFFFF  }
0x9c: {  	[tilespmem:s11], [sflag:$0x1] =	stream.linear.gather [spmem:s5], $0x500, $0x38;
	[tilespmem:$0xD400] =	vst v63  }
0x9d: {  	s21 =	sadd.s32 $0x1, s21;
	_ =	swait.ge [sflag:s12], $0x500  }
0x9e: {  	p0 =	sne.s32 s21, s10;
	[sflag:s12] =	ssyncset.done $0x0  }
.Ltmp2:
0x9f: {  	[sflag:s12] =	ssyncadd.s32 $0xFFFFFB00;
	(pc) =	sbr.rel @p0 .LBB2_1-.Ltmp2, $4  }
0xa0: {  	[hbm4b:s9+s3] =	stream.linear.scatter [tilespmem:s11], [sflag:$0x1], $0x500, $0x38;
	[tilespmem:$0xD400] =	vst v63  }
0xa1: {  	_ =	swait.ge [sflag:s12], $0x500  }
0xa2: {  	[sflag:s12] =	ssyncset.done $0x0  }
0xa3: {  	[sflag:s12] =	ssyncadd.s32 $0xFFFFFB00  }
0xa4: {  	_ =	sfence.sel $0x180000  }
0xa5: {  	[bflag:$0x0] =	sbarrier.arrive $0xFFFF  }
0xa6: {  	p0 =	sne.s32 s1, $0x0;
	_ =	strace $0x9000004D  }
0xa7: {  	s0 =	sadd.s32 @!p0 $0x100000, s0;
	[bflag:$0x2] =	sbarrier.arrive $0xFFFF  }
0xa8: {  	[sflag:s0] =	ssyncadd.tile.s32 @!p0 $0x1;
	_ =	shalt  }
.Lfunc_end2:
_tile_overlayer_lowered:
.L_overlay_start_2:
0xa9: {  	(tag) =	ssettag $0x2  }
0xaa: {  	s0 =	rddreg [dreg:$0x0];
	s2 =	stileid.u32  }
0xab: {  	s1 =	rddreg [dreg:$0x1];
	p0 =	sne.s32 s2, $0x0  }
0xac: {  	s3 =	rddreg [dreg:$0x2];
	[bflag:$0x3] =	sbarrier.arrive $0xFFFF;
	s2 =	simm.s32 @!p0 $0x1C01  }
0xad: {  	[timem:s3], [sflag:s2] =	dma.local @!p0 [hbm:s0], s1  }
0xae: {  	s0 =	simm.s32 @!p0 $0x1  }
0xaf: {  	_ =	swait.ge @!p0 [sflag:s0], s1  }
0xb0: {  	s1 =	ssub.s32 @!p0 $0x0, s1;
	[sflag:s0] =	ssyncset.done @!p0 $0x0  }
0xb1: {  	[sflag:s0] =	ssyncadd.s32 @!p0 s1  }
0xb2: {  	[bflag:$0x3] =	sbarrier.arrive $0xFFFF  }
0xb3: {  	_ =	shalt  }

// kernel: kernel.8.cloned.1.call-start
scs
__scs_entry_jumppad:
0x0: {  	(pc) =	sbr.rel $0x88, $3  }
0x1: {  	(tag) =	ssettag $0x0;
	lr =	simm.s32 $0x1  }
0x2: {  	[smem:$0x3F9A] =	sst lr;
	_ =	strace $0xD0000000  }
0x3: {  	_ = 	snop  }
0x4: {  	_ = 	snop  }
0x5: {  	_ = 	snop  }
0x6: {  	_ = 	snop  }
0x7: {  	_ = 	snop  }
__scs_overlays_trampoline_lowered:
0x8: {  	[smem:$0x3FA9] =	sst s0  }
0x9: {  	[smem:$0x3FAA] =	sst s1  }
0xa: {  	[smem:$0x3FAB] =	sst s2  }
0xb: {  	[smem:$0x3FAC] =	sst s3  }
0xc: {  	[smem:$0x3FAD] =	sst s4  }
0xd: {  	[smem:$0x3FAE] =	sst s5  }
0xe: {  	[smem:$0x3FAF] =	sst s6  }
0xf: {  	[smem:$0x3FB0] =	sst s7  }
0x10: {  	[smem:$0x3FB1] =	sst s8  }
0x11: {  	[smem:$0x3FB2] =	sst s9;
	s0 =	simm.s32 @!p0 $0x0  }
0x12: {  	s1 =	sld [smem:$0x3F98];
	s0 =	simm.s32 @p0 $0x1  }
0x13: {  	[smem:$0x3FB3] =	sst s0;
	s0 =	simm.s32 @!p1 $0x0  }
0x14: {  	s2 =	sld [smem:$0x3F97];
	s0 =	simm.s32 @p1 $0x1  }
0x15: {  	[smem:$0x3FB4] =	sst s0;
	s0 =	simm.s32 @!p2 $0x0  }
0x16: {  	s3 =	sld [smem:$0x3FDB];
	s0 =	simm.s32 @p2 $0x1  }
0x17: {  	s4 =	simm.s32 $0x1BF5;
	[smem:$0x3FB6] =	sst s0  }
0x18: {  	s0 =	sld [smem:$0x3F99];
	_ =	swait.ge [sflag:s4], $0x0  }
0x19: {  	s7 =	sld [smem:$0x3F9A]  }
0x1a: {  	s8 =	sadd.s32 $0xFFFFE003, lr  }
0x1b: {  	s9 =	sadd.s32 $0xFFFFFEF7, lr;
	s5 =	simm.s32 $0xFFFFFFFF;
	p2 =	slt.u32 s8, $0xFFFFF086  }
0x1c: {  	p1 =	slt.u32 s9, $0xF7A;
	s5 =	simm.s32 @!p2 $0x0  }
0x1d: {  	s5 =	simm.s32 @p1 $0x1;
	p0 =	seq.s32 s7, s2  }
0x1e: {  	s7 =	smul.u32 @!p0 $0xF7A, s2;
	p2 =	seq.s32 @!p0 s5, $0x0  }
0x1f: {  	s9 =	smul.u32 $0xF7A, s1;
	s8 =	simm.s32 @!p0 $0x1BF5;
	p2 =	por !p2, p0  }
0x20: {  	[sflag:s8] =	ssyncset.s32 @!p0 $0xFFFFF086;
	s6 =	sadd.s32 @!p0 s3, s7;
	s7 =	simm.s32 @!p0 $0x108  }
0x21: {  	s3 =	sadd.s32 s3, s9;
	s6 =	sadd.s32 @!p0 $0x88, s6;
	s7 =	simm.s32 @p2 $0x1082  }
0x22: {  	[simem:s7], [sflag:s8] =	dma.local @!p0 [hbm:s6], $0xF7A  }
0x23: {  	s9 =	sor.u32 $0xD0000000, s2;
	s6 =	simm.s32 $0x108;
	_ =	swait.ge @!p0 [sflag:s8], $0x0  }
0x24: {  	s3 =	sadd.s32 $0x88, s3;
	s6 =	simm.s32 @!p1 $0x1082;
	[sflag:s4] =	ssyncset.s32 $0xFFFFF086  }
0x25: {  	[simem:s6], [sflag:s4] =	dma.local [hbm:s3], $0xF7A  }
0x26: {  	[smem:$0x3F9A] =	sst s1;
	(tag) =	ssettag s2;
	_ =	strace s9  }
0x27: {  	s1 =	sld [smem:$0x3FAA]  }
0x28: {  	s2 =	sld [smem:$0x3FAB]  }
0x29: {  	s4 =	sld [smem:$0x3FAD]  }
0x2a: {  	p0 =	seq.s32 s5, $0x0;
	s5 =	sld [smem:$0x3FAE]  }
0x2b: {  	s6 =	sld [smem:$0x3FAF]  }
0x2c: {  	s7 =	sld [smem:$0x3FB0]  }
0x2d: {  	s3 =	simm.s32 $0x108;
	s8 =	sld [smem:$0x3FB1]  }
0x2e: {  	s3 =	simm.s32 @!p0 $0x1082;
	s9 =	sld [smem:$0x3FB2]  }
0x2f: {  	lr =	sadd.s32 s0, s3;
	s0 =	sld [smem:$0x3FA9]  }
0x30: {  	s3 =	sld [smem:$0x3FAC]  }
0x31: {  	[smem:$0x3FB5] =	sst s10  }
0x32: {  	s10 =	sld [smem:$0x3FB3];
	_ =	sdelay $0x3  }
0x33: {  	p0 =	seq.s32 s10, $0x1;
	s10 =	sld [smem:$0x3FB5];
	_ =	sdelay $0x3  }
0x34: {  	[smem:$0x3FB5] =	sst s10  }
0x35: {  	s10 =	sld [smem:$0x3FB4];
	_ =	sdelay $0x3  }
0x36: {  	p1 =	seq.s32 s10, $0x1;
	s10 =	sld [smem:$0x3FB5];
	_ =	sdelay $0x3  }
0x37: {  	[smem:$0x3FB5] =	sst s10  }
0x38: {  	s10 =	sld [smem:$0x3FB6]  }
0x39: {  	_ = 	snop;
	(pc) =	sbr.ind lr, $3  }
0x3a: {  	_ = 	snop  }
0x3b: {  	_ = 	snop  }
0x3c: {  	p2 =	seq.s32 s10, $0x1;
	s10 =	sld [smem:$0x3FB5]  }
0x3d: {  	_ =	shalt  }
0x3e: {  	_ =	shalt  }
0x3f: {  	_ =	shalt  }
0x40: {  	_ =	shalt  }
0x41: {  	_ =	shalt  }
0x42: {  	_ =	shalt  }
0x43: {  	_ =	shalt  }
0x44: {  	_ =	shalt  }
0x45: {  	_ =	shalt  }
0x46: {  	_ =	shalt  }
0x47: {  	_ =	shalt  }
0x48: {  	_ =	shalt  }
0x49: {  	_ =	shalt  }
0x4a: {  	_ =	shalt  }
0x4b: {  	_ =	shalt  }
0x4c: {  	_ =	shalt  }
0x4d: {  	_ =	shalt  }
0x4e: {  	_ =	shalt  }
0x4f: {  	_ =	shalt  }
0x50: {  	_ =	shalt  }
0x51: {  	_ =	shalt  }
0x52: {  	_ =	shalt  }
0x53: {  	_ =	shalt  }
0x54: {  	_ =	shalt  }
0x55: {  	_ =	shalt  }
0x56: {  	_ =	shalt  }
0x57: {  	_ =	shalt  }
0x58: {  	_ =	shalt  }
0x59: {  	_ =	shalt  }
0x5a: {  	_ =	shalt  }
0x5b: {  	_ =	shalt  }
0x5c: {  	_ =	shalt  }
0x5d: {  	_ =	shalt  }
0x5e: {  	_ =	shalt  }
0x5f: {  	_ =	shalt  }
0x60: {  	_ =	shalt  }
0x61: {  	_ =	shalt  }
0x62: {  	_ =	shalt  }
0x63: {  	_ =	shalt  }
0x64: {  	_ =	shalt  }
0x65: {  	_ =	shalt  }
0x66: {  	_ =	shalt  }
0x67: {  	_ =	shalt  }
0x68: {  	_ =	shalt  }
0x69: {  	_ =	shalt  }
0x6a: {  	_ =	shalt  }
0x6b: {  	_ =	shalt  }
0x6c: {  	_ =	shalt  }
0x6d: {  	_ =	shalt  }
0x6e: {  	_ =	shalt  }
0x6f: {  	_ =	shalt  }
0x70: {  	_ =	shalt  }
0x71: {  	_ =	shalt  }
0x72: {  	_ =	shalt  }
0x73: {  	_ =	shalt  }
0x74: {  	_ =	shalt  }
0x75: {  	_ =	shalt  }
0x76: {  	_ =	shalt  }
0x77: {  	_ =	shalt  }
0x78: {  	_ =	shalt  }
0x79: {  	_ =	shalt  }
0x7a: {  	_ =	shalt  }
0x7b: {  	_ =	shalt  }
0x7c: {  	_ =	shalt  }
0x7d: {  	_ =	shalt  }
0x7e: {  	_ =	shalt  }
0x7f: {  	_ =	shalt  }
0x80: {  	_ =	shalt  }
0x81: {  	_ =	shalt  }
0x82: {  	_ =	shalt  }
0x83: {  	_ =	shalt  }
0x84: {  	_ =	shalt  }
0x85: {  	_ =	shalt  }
0x86: {  	_ =	shalt  }
0x87: {  	_ =	shalt  }
.Lfunc_end0:
.L_simem_size_0:
called_computation_lowered:
.L_overlay_start_0:
0x88: {  	s2 =	sld [smem:$0x3FD9]  }
0x89: {  	s3 =	sld [smem:$0x3FFE];
	_ =	sdelay $0x1  }
0x8a: {  	s1 =	srdreg.scid  }
0x8b: {  	s0 =	sand.u32 $0x1, s1  }
0x8c: {  	s17 =	sshll.u32 s0, $0xA;
	s2 =	sadd.s32 s3, s2  }
0x8d: {  	s2 =	sadd.s32 s2, s17  }
0x8e: {  	[smem:$0x3FC1] =	sst s2  }
0x8f: {  	_ = 	snop  }
0x90: {  	s2 =	sld [smem:$0x3FD0];
	(tm) =	ssettm $0x1  }
0x91: {  	s18 =	sld [smem:$0x3FFB];
	_ =	sdelay $0x3  }
0x92: {  	_ =	strace s18  }
0x93: {  	s3 =	sld [smem:$0x3FFC];
	_ =	sdelay $0x3  }
0x94: {  	_ =	strace s3  }
0x95: {  	s3 =	sld [smem:$0x3FFD];
	_ =	sdelay $0x3  }
0x96: {  	_ =	strace s3  }
0x97: {  	_ =	strace $0x8FFFFFFF  }
0x98: {  	s19 =	sld [smem:$0x3FDB];
	_ =	sdelay $0x1  }
0x99: {  	s4 =	simm.s32 $_scs_section_size  }
0x9a: {  	s5 =	simm.s32 $_size__tile_overlayer_lowered;
	s6 =	simm.s32 $_tile_overlayer_lowered  }
0x9b: {  	s22 =	simm.s32 $0x1BFF;
	s21 =	sshll.u32 s6, $0x1;
	s3 =	sadd.s32 s4, s19  }
0x9c: {  	s7 =	simm.s32 $0x0;
	s20 =	sshll.u32 s5, $0x1;
	s5 =	sadd.s32 s21, s3  }
0x9d: {  	[timem:s7], [sflag:s22] =	dma.local [hbm:s5], s20  }
0x9e: {  	_ =	swait.ge [sflag:s22], s20  }
0x9f: {  	s4 =	ssub.s32 $0x0, s20;
	[sflag:s22] =	ssyncset.done $0x0  }
0xa0: {  	[sflag:s22] =	ssyncadd.s32 s4;
	_ =	sdelay $0x1  }
0xa1: {  	s23 =	simm.s32 $0x1B8B  }
0xa2: {  	_ =	swait.ge [sflag:s23], $0x1  }
0xa3: {  	[sflag:s23] =	ssyncset.done $0x0  }
0xa4: {  	s25 =	simm.s32 $0x1B8E;
	s24 =	sld [smem:$0x3FFE];
	[sflag:s23] =	ssyncadd.s32 $0xFFFFFFFF  }
0xa5: {  	s26 =	simm.s32 $execute0_lowered;
	[smem:$0x3FD2] =	sst s25  }
0xa6: {  	s5 =	sshll.u32 s26, $0x1;
	_ =	strace $0x80000046;
	[dreg:$0x1] =	wrdreg $0xFFFFFFFF  }
0xa7: {  	s28 =	simm.s32 $_size_execute0_lowered;
	s3 =	sadd.s32 s3, s5;
	[dreg:$0x0] =	wrdreg $0x0  }
0xa8: {  	s5 =	sshll.u32 s28, $0x1;
	[dreg:$0x2] =	wrdreg s3  }
0xa9: {  	[dreg:$0x3] =	wrdreg s5  }
0xaa: {  	[dreg:$0x4] =	wrdreg $0xC0  }
0xab: {  	_ =	task [dreg:s7], $0x5FFFF  }
0xac: {  	[dreg:$0x1] =	wrdreg $0xFFFFFFFF  }
0xad: {  	[dreg:$0x0] =	wrdreg $0x60  }
0xae: {  	[dreg:$0x2] =	wrdreg s24  }
0xaf: {  	[dreg:$0x3] =	wrdreg s2  }
0xb0: {  	[dreg:$0x4] =	wrdreg $0xA2800  }
0xb1: {  	[dreg:$0x5] =	wrdreg $0x9  }
0xb2: {  	_ =	task.clear_ibuf [dreg:s7], $0x6FFFF;
	_ =	strace $0x90000046  }
0xb3: {  	s29 =	simm.s32 $0x9;
	_ =	strace $0x80000048  }
0xb4: {  	_ =	swait.ge [sflag:s29], $0x1  }
0xb5: {  	[sflag:s29] =	ssyncadd.s32 $0xFFFFFFFF  }
0xb6: {  	_ =	strace $0x90000048  }
0xb7: {  	_ =	sfence  }
0xb8: {  	s30 =	sld [smem:$0x0];
	_ =	sdelay $0x2  }
0xb9: {  	s31 =	sshll.u32 s1, $0xD;
	s1 =	sshrl.u32 s1, $0x2  }
0xba: {  	s3 =	sand.u32 $0x4000, s31;
	s1 =	sadd.s32 s1, s30  }
0xbb: {  	s0 =	sor.u32 s3, s0;
	s1 =	sshll.u32 s1, $0x11  }
0xbc: {  	s0 =	sor.u32 s1, s0  }
0xbd: {  	s0 =	sadd.s32 $0x8F2B, s0  }
0xbe: {  	[sflag:s0] =	ssyncadd.remote.s32 $0x1  }
0xbf: {  	_ =	sfence.sel $0xFFFF  }
0xc0: {  	[dreg:$0x0] =	wrdreg $0xFFFFFFFF;
	(pc) =	sbr.abs _section_cstart, $3  }
0xc1: {  	[dreg:$0x1] =	wrdreg $0xFFFFFFFF  }
0xc2: {  	_ =	task.clear_ibuf [dreg:s7], $0x2FFFF;
	_ =	strace $0x9FFFFFFF  }
0xc3: {  	(tm) =	ssettm $0x7FFFFFFF  }
tec
execute0_lowered:
.L_overlay_start_1:
0x0: {  	(tag) =	ssettag $0x1  }
0x1: {  	s1 =	srdreg.scid  }
0x2: {  	s1 =	sand.u32 $0x1, s1  }
0x3: {  	p0 =	seq.s32 s1, $0x1  }
.Ltmp0:
0x4: {  	s4 =	rddreg [dreg:$0x0];
	(pc) =	sbr.rel @p0 .LBB2_6-.Ltmp0, $4  }
0x5: {  	s2 =	rddreg [dreg:$0x1]  }
0x6: {  	s3 =	rddreg [dreg:$0x2];
	s5 =	simm.s32 $0x0  }
0x7: {  	[smem:$0x7FF] =	sst s5  }
0x8: {  	s0 =	rddreg [dreg:$0x3];
	_ =	strace $0x80000047;
	s1 =	stileid.u32  }
0x9: {  	v0 =	vimm.f32 $0.0e+00  }
0xa: {  	[tilespmem:$0xA000] =	vst v0  }
0xb: {  	[tilespmem:$0xA010] =	vst v0  }
0xc: {  	[tilespmem:$0xA020] =	vst v0  }
0xd: {  	[tilespmem:$0xA030] =	vst v0  }
0xe: {  	[tilespmem:$0xA040] =	vst v0  }
0xf: {  	[tilespmem:$0xA050] =	vst v0  }
0x10: {  	[tilespmem:$0xA060] =	vst v0  }
0x11: {  	[tilespmem:$0xA070] =	vst v0  }
0x12: {  	[tilespmem:$0xA080] =	vst v0  }
0x13: {  	[tilespmem:$0xA090] =	vst v0  }
0x14: {  	[tilespmem:$0xA0A0] =	vst v0  }
0x15: {  	[tilespmem:$0xA0B0] =	vst v0  }
0x16: {  	[tilespmem:$0xA0C0] =	vst v0  }
0x17: {  	[tilespmem:$0xA0D0] =	vst v0  }
0x18: {  	[tilespmem:$0xA0E0] =	vst v0  }
0x19: {  	[tilespmem:$0xA0F0] =	vst v0  }
0x1a: {  	[tilespmem:$0xA100] =	vst v0  }
0x1b: {  	[tilespmem:$0xA110] =	vst v0  }
0x1c: {  	[tilespmem:$0xA120] =	vst v0  }
0x1d: {  	[tilespmem:$0xA130] =	vst v0  }
0x1e: {  	[tilespmem:$0xA140] =	vst v0  }
0x1f: {  	[tilespmem:$0xA150] =	vst v0  }
0x20: {  	[tilespmem:$0xA160] =	vst v0  }
0x21: {  	[tilespmem:$0xA170] =	vst v0  }
0x22: {  	[tilespmem:$0xA180] =	vst v0  }
0x23: {  	[tilespmem:$0xA190] =	vst v0  }
0x24: {  	[tilespmem:$0xA1A0] =	vst v0  }
0x25: {  	[tilespmem:$0xA1B0] =	vst v0  }
0x26: {  	[tilespmem:$0xA1C0] =	vst v0  }
0x27: {  	[tilespmem:$0xA1D0] =	vst v0  }
0x28: {  	[tilespmem:$0xA1E0] =	vst v0  }
0x29: {  	[tilespmem:$0xA1F0] =	vst v0  }
0x2a: {  	[tilespmem:$0xA200] =	vst v0  }
0x2b: {  	[tilespmem:$0xA210] =	vst v0  }
0x2c: {  	[tilespmem:$0xA220] =	vst v0  }
0x2d: {  	[tilespmem:$0xA230] =	vst v0  }
0x2e: {  	[tilespmem:$0xA240] =	vst v0  }
0x2f: {  	s8 =	smul.u32 $0x280, s1;
	[tilespmem:$0xA250] =	vst v0  }
0x30: {  	[tilespmem:$0xA260] =	vst v0  }
0x31: {  	s7 =	simm.s32 $0xA000;
	[tilespmem:$0xA270] =	vst v0;
	s6 =	sadd.s32 s8, s3  }
0x32: {  	[spmem:s6] =	stream.linear.scatter [tilespmem:s7], [sflag:$0x1], $0x280, $0x38;
	[tilespmem:$0xA500] =	vst v63  }
0x33: {  	s7 =	simm.s32 $0x1  }
0x34: {  	_ =	swait.ge [sflag:s7], $0x280  }
0x35: {  	s9 =	smul.u32 $0xA00, s1;
	[sflag:s7] =	ssyncset.done $0x0  }
0x36: {  	s10 =	sadd.s32 $0x2000, s4;
	[sflag:s7] =	ssyncadd.s32 $0xFFFFFD80  }
0x37: {  	s10 =	sadd.s32 s10, s9;
	[bflag:$0x0] =	sbarrier.arrive $0xFFFF  }
0x38: {  	[tilespmem:s5], [sflag:$0x1] =	stream.linear.gather [hbm4b:s10+s5], $0x5000, $0x38;
	[tilespmem:$0xA500] =	vst v63  }
0x39: {  	_ =	swait.ge [sflag:s7], $0x5000  }
0x3a: {  	s26 =	sadd.s32 $0xC000, s4;
	[sflag:s7] =	ssyncset.done $0x0  }
0x3b: {  	s28 =	simm.s32 $0x5000;
	s4 =	sadd.s32 s26, s9;
	[sflag:s7] =	ssyncadd.s32 $0xFFFFB000  }
0x3c: {  	[tilespmem:s28], [sflag:$0x1] =	stream.linear.gather [hbm4b:s4+s5], $0x5000, $0x38;
	[tilespmem:$0xA500] =	vst v63  }
0x3d: {  	_ =	swait.ge [sflag:s7], $0x5000  }
0x3e: {  	s29 =	simm.s32 $0x0;
	s30 =	simm.s32 $0x5000;
	[sflag:s7] =	ssyncset.done $0x0  }
0x3f: {  	s31 =	sshrl.u32 s8, $0x3;
	s4 =	simm.s32 $0x80;
	[sflag:s7] =	ssyncadd.s32 $0xFFFFB000  }
0x40: {  	[spmem:s3] =	stream.indirect.scatter.add.f32 [tilespmem:s30], [sflag:$0x1], $0x1, s29, s4, $0xb8;
	[tilespmem:$0xA500] =	vst v63  }
0x41: {  	s2 =	sadd.s32 s2, s31;
	s5 =	simm.s32 $0x200;
	_ =	swait.ge [sflag:s7], $0x80  }
.LBB2_2:
0x42: {  	s8 =	sshra.s32 s5, $0x2;
	[sflag:s7] =	ssyncset.done $0x0;
	p0 =	sne.s32 s5, $0x13E00  }
.Ltmp1:
0x43: {  	s9 =	sadd.s32 $0x5000, s8;
	[sflag:s7] =	ssyncadd.s32 $0xFFFFFF80;
	(pc) =	sbr.rel @p0 .LBB2_2-.Ltmp1, $3  }
0x44: {  	[spmem:s3] =	stream.indirect.scatter.add.f32 [tilespmem:s9], [sflag:$0x1], $0x1, s8, s4, $0xb8;
	[tilespmem:$0xA500] =	vst v63  }
0x45: {  	s5 =	sadd.s32 $0x200, s5;
	_ =	sdelay $0x1  }
0x46: {  	_ =	swait.ge [sflag:s7], $0x80  }
0x47: {  	[sflag:s7] =	ssyncset.done $0x0  }
0x48: {  	[sflag:s7] =	ssyncadd.s32 $0xFFFFFF80  }
0x49: {  	s3 =	simm.s32 $0xA000;
	s31 =	simm.s32 $0x1;
	[bflag:$0x0] =	sbarrier.arrive $0xFFFF  }
0x4a: {  	[tilespmem:s3], [sflag:$0x1] =	stream.linear.gather [spmem:s6], $0x280, $0x38;
	[tilespmem:$0xA500] =	vst v63  }
0x4b: {  	_ =	swait.ge [sflag:s31], $0x280  }
0x4c: {  	[sflag:s31] =	ssyncset.done $0x0  }
0x4d: {  	s4 =	simm.s32 $0x40;
	s3 =	simm.s32 $0x0;
	[sflag:s31] =	ssyncadd.s32 $0xFFFFFD80  }
.LBB2_4:
0x4e: {  	p0 =	sne.s32 s4, $0x9C0;
	v0 =	vld [tilespmem:s3+$0xA000];
	_ =	sdelay $0x4  }
0x4f: {  	v0 =	vadd.f32 $1.000000000e+00, v0;
	_ =	sdelay $0x1  }
0x50: {  	v1 =	vshra.s32 v0, $0x1;
	v2 =	vmul.f32 $5.000000000e-01, v0  }
0x51: {  	v1 =	vsub.s32 $0x5F3759DF, v1  }
0x52: {  	v3 =	vmul.f32 v1, v2;
	_ =	sdelay $0x1  }
0x53: {  	v3 =	vmul.f32 v1, v3;
	_ =	sdelay $0x1  }
0x54: {  	v3 =	vsub.f32 $1.500000000e+00, v3;
	_ =	sdelay $0x1  }
0x55: {  	v1 =	vmul.f32 v1, v3;
	_ =	sdelay $0x1  }
0x56: {  	v3 =	vmul.f32 v1, v2;
	_ =	sdelay $0x1  }
0x57: {  	v3 =	vmul.f32 v3, v1;
	_ =	sdelay $0x1  }
0x58: {  	v3 =	vsub.f32 $1.500000000e+00, v3;
	_ =	sdelay $0x1  }
0x59: {  	v1 =	vmul.f32 v3, v1;
	_ =	sdelay $0x1  }
0x5a: {  	v3 =	vmul.f32 v1, v2;
	_ =	sdelay $0x1  }
0x5b: {  	v3 =	vmul.f32 v3, v1;
	_ =	sdelay $0x1  }
0x5c: {  	v3 =	vsub.f32 $1.500000000e+00, v3;
	_ =	sdelay $0x1  }
0x5d: {  	v1 =	vmul.f32 v3, v1;
	_ =	sdelay $0x1  }
0x5e: {  	v2 =	vmul.f32 v1, v2;
	_ =	sdelay $0x1  }
0x5f: {  	v2 =	vmul.f32 v2, v1;
	_ =	sdelay $0x1  }
0x60: {  	v2 =	vsub.f32 $1.500000000e+00, v2  }
.Ltmp2:
0x61: {  	(pc) =	sbr.rel @p0 .LBB2_4-.Ltmp2, $4  }
0x62: {  	v1 =	vmul.f32 v2, v1  }
0x63: {  	vm0 =	vgt.f32 v0, $0.0e+00  }
0x64: {  	v0 =	vnsel vm0, $0x0, v1  }
0x65: {  	[tilespmem:s3+$0xA000] =	vst v0;
	s3 =	sshra.s32 s4, $0x2;
	s4 =	sadd.s32 $0x40, s4  }
0x66: {  	v0 =	vld [tilespmem:s3+$0xA000];
	_ =	sdelay $0x4  }
0x67: {  	v0 =	vadd.f32 $1.000000000e+00, v0;
	_ =	sdelay $0x1  }
0x68: {  	v1 =	vshra.s32 v0, $0x1;
	v2 =	vmul.f32 $5.000000000e-01, v0  }
0x69: {  	v1 =	vsub.s32 $0x5F3759DF, v1  }
0x6a: {  	v3 =	vmul.f32 v1, v2;
	_ =	sdelay $0x1  }
0x6b: {  	v3 =	vmul.f32 v1, v3;
	_ =	sdelay $0x1  }
0x6c: {  	v3 =	vsub.f32 $1.500000000e+00, v3;
	_ =	sdelay $0x1  }
0x6d: {  	v1 =	vmul.f32 v1, v3;
	_ =	sdelay $0x1  }
0x6e: {  	v3 =	vmul.f32 v1, v2;
	_ =	sdelay $0x1  }
0x6f: {  	v3 =	vmul.f32 v3, v1;
	_ =	sdelay $0x1  }
0x70: {  	v3 =	vsub.f32 $1.500000000e+00, v3;
	_ =	sdelay $0x1  }
0x71: {  	v1 =	vmul.f32 v3, v1;
	_ =	sdelay $0x1  }
0x72: {  	v3 =	vmul.f32 v1, v2;
	_ =	sdelay $0x1  }
0x73: {  	v3 =	vmul.f32 v3, v1;
	_ =	sdelay $0x1  }
0x74: {  	v3 =	vsub.f32 $1.500000000e+00, v3;
	_ =	sdelay $0x1  }
0x75: {  	v1 =	vmul.f32 v3, v1;
	_ =	sdelay $0x1  }
0x76: {  	v2 =	vmul.f32 v1, v2;
	_ =	sdelay $0x1  }
0x77: {  	v2 =	vmul.f32 v2, v1;
	_ =	sdelay $0x1  }
0x78: {  	v2 =	vsub.f32 $1.500000000e+00, v2;
	_ =	sdelay $0x1  }
0x79: {  	v1 =	vmul.f32 v2, v1  }
0x7a: {  	vm0 =	vgt.f32 v0, $0.0e+00  }
0x7b: {  	v0 =	vnsel vm0, $0x0, v1  }
0x7c: {  	s30 =	simm.s32 $0x0;
	s4 =	simm.s32 $0xA000;
	s31 =	simm.s32 $0x1;
	[tilespmem:s3+$0xA000] =	vst v0  }
0x7d: {  	[hbm4b:s2+s30] =	stream.linear.scatter [tilespmem:s4], [sflag:$0x1], $0x280, $0x38;
	[tilespmem:$0xA500] =	vst v63  }
0x7e: {  	_ =	swait.ge [sflag:s31], $0x280  }
0x7f: {  	[sflag:s31] =	ssyncset.done $0x0  }
0x80: {  	[sflag:s31] =	ssyncadd.s32 $0xFFFFFD80  }
.LBB2_6:
0x81: {  	_ =	sfence.sel $0x180000  }
0x82: {  	[bflag:$0x0] =	sbarrier.arrive $0xFFFF  }
0x83: {  	p0 =	sne.s32 s1, $0x0;
	_ =	strace $0x90000047  }
0x84: {  	s0 =	sadd.s32 @!p0 $0x100000, s0;
	[bflag:$0x2] =	sbarrier.arrive $0xFFFF  }
0x85: {  	[sflag:s0] =	ssyncadd.tile.s32 @!p0 $0x1;
	_ =	shalt  }
.Lfunc_end2:
_tile_overlayer_lowered:
.L_overlay_start_2:
0x86: {  	(tag) =	ssettag $0x2  }
0x87: {  	s0 =	rddreg [dreg:$0x0];
	s2 =	stileid.u32  }
0x88: {  	s1 =	rddreg [dreg:$0x1];
	p0 =	sne.s32 s2, $0x0  }
0x89: {  	s3 =	rddreg [dreg:$0x2];
	[bflag:$0x3] =	sbarrier.arrive $0xFFFF;
	s2 =	simm.s32 @!p0 $0x1C01  }
0x8a: {  	[timem:s3], [sflag:s2] =	dma.local @!p0 [hbm:s0], s1  }
0x8b: {  	s0 =	simm.s32 @!p0 $0x1  }
0x8c: {  	_ =	swait.ge @!p0 [sflag:s0], s1  }
0x8d: {  	s1 =	ssub.s32 @!p0 $0x0, s1;
	[sflag:s0] =	ssyncset.done @!p0 $0x0  }
0x8e: {  	[sflag:s0] =	ssyncadd.s32 @!p0 s1  }
0x8f: {  	[bflag:$0x3] =	sbarrier.arrive $0xFFFF  }
0x90: {  	_ =	shalt  }

</sc_bundles>
